<compile_context>
chip_gen: v7x
topology: tpu7x:2x2x1
jax: 0.10.2.dev20260603
libtpu: 0.0.44.dev20260713+nightly
codegen_flags: <defaults>
</compile_context>

<pallas_src>
import jax
import jax.numpy as jnp
from jax import lax
from jax.experimental import pallas as pl
from jax.experimental.pallas import tpu as pltpu
from jax.experimental.pallas import tpu_sc as plsc

N = 10000
E = 320000
H = 128
G = 64

NP = 10240
NC = 2
NS = 16
NW = NC * NS
EPW = E // NW
CH = 125
GCH = 80
EPWP = GCH * CH
NPT = NP // NS
BR = 1024
NB = NP // BR
LI = 4
KR = 2

_F32 = jnp.float32
_HIGH = lax.Precision.DEFAULT


def _sc_agg(h, src4, dst4, zrows, w):
    mesh = plsc.VectorSubcoreMesh(core_axis_name="c", subcore_axis_name="s")

    def body(h_hbm, src_hbm, dst_hbm, z_hbm, out_hbm, srcv, dstv, rows0,
             rows1, accum, g0, g1, d0, d1, d2, d3):
        rowsb = (rows0, rows1)
        gsems = (g0, g1)
        dsems = (d0, d1, d2, d3)
        cid = lax.axis_index("c")
        sid = lax.axis_index("s")
        wid = cid * NS + sid
        r0 = sid * NPT
        pltpu.sync_copy(z_hbm, accum.at[pl.ds(r0, NPT)])
        pltpu.sync_copy(src_hbm.at[wid], srcv)
        for j in range(LI):
            pltpu.async_copy(dst_hbm.at[wid, j], dstv.at[j], dsems[j])
        for k in range(KR):
            pltpu.async_copy(h_hbm.at[srcv.at[k, 0]], rowsb[k], gsems[k])
        plsc.subcore_barrier()

        def step(so, carry):
            for u in range(LI):
                g = so * LI + u
                k = u % KR
                pltpu.make_async_copy(h_hbm.at[srcv.at[u, 0]], rowsb[k],
                                      gsems[k]).wait()
                pltpu.make_async_copy(dst_hbm.at[wid, 0], dstv.at[u],
                                      dsems[u]).wait()
                pltpu.sync_copy(rowsb[k], accum.at[dstv.at[u, 0]], add=True)
                gn = jnp.minimum(g + LI, GCH - 1)
                pltpu.async_copy(dst_hbm.at[wid, gn], dstv.at[u], dsems[u])
                g2 = jnp.minimum(g + 2, GCH - 1)
                pltpu.async_copy(h_hbm.at[srcv.at[g2, 0]], rowsb[k], gsems[k])
            return carry

        lax.fori_loop(0, GCH // LI, step, 0)
        for k in range(KR):
            pltpu.make_async_copy(h_hbm.at[srcv.at[k, 0]], rowsb[k],
                                  gsems[k]).wait()
        for j in range(LI):
            pltpu.make_async_copy(dst_hbm.at[wid, 0], dstv.at[j], dsems[j]).wait()
        plsc.subcore_barrier()
        pltpu.sync_copy(accum.at[pl.ds(r0, NPT)],
                        out_hbm.at[cid, pl.ds(r0, NPT)])

    call = pl.kernel(
        body,
        out_type=jax.ShapeDtypeStruct((NC, NP, w), _F32),
        mesh=mesh,
        scratch_types=[
            pltpu.VMEM((GCH, 1, CH), jnp.int32),
            pltpu.VMEM((LI, 1, CH), jnp.int32),
            pltpu.VMEM((CH, w), _F32),
            pltpu.VMEM((CH, w), _F32),
            pltpu.VMEM_SHARED((NP, w), _F32),
            pltpu.SemaphoreType.DMA,
            pltpu.SemaphoreType.DMA,
            pltpu.SemaphoreType.DMA,
            pltpu.SemaphoreType.DMA,
            pltpu.SemaphoreType.DMA,
            pltpu.SemaphoreType.DMA,
        ],
    )
    return call(h, src4, dst4, zrows)


def _tc_layer0(s0, x_aug, wl, bl, wr):

    def body(s_ref, x_ref, wl_ref, bl_ref, wr_ref, h_ref, cnt_ref):
        s = s_ref[0] + s_ref[1]
        cnt = jnp.maximum(s[:, 5:6], 1.0)
        mean = s / cnt
        h = (jnp.dot(mean, wl_ref[...], preferred_element_type=_F32, precision=_HIGH)
             + bl_ref[...]
             + jnp.dot(x_ref[...], wr_ref[...], preferred_element_type=_F32, precision=_HIGH))
        h_ref[...] = jnp.maximum(h, 0.0)
        cnt_ref[...] = cnt

    return pl.pallas_call(
        body,
        grid=(NB,),
        in_specs=[
            pl.BlockSpec((NC, BR, H), lambda i: (0, i, 0)),
            pl.BlockSpec((BR, H), lambda i: (i, 0)),
            pl.BlockSpec((H, H), lambda i: (0, 0)),
            pl.BlockSpec((1, H), lambda i: (0, 0)),
            pl.BlockSpec((H, H), lambda i: (0, 0)),
        ],
        out_specs=[pl.BlockSpec((BR, H), lambda i: (i, 0)),
                   pl.BlockSpec((BR, 1), lambda i: (i, 0))],
        out_shape=[jax.ShapeDtypeStruct((NP, H), _F32),
                   jax.ShapeDtypeStruct((NP, 1), _F32)],
    )(s0, x_aug, wl, bl, wr)


def _tc_layer(s, cnt, h_prev, wl, bl, wr):

    def body(s_ref, c_ref, hp_ref, wl_ref, bl_ref, wr_ref, h_ref):
        mean = (s_ref[0] + s_ref[1]) / c_ref[...]
        h = (jnp.dot(mean, wl_ref[...], preferred_element_type=_F32, precision=_HIGH)
             + bl_ref[...]
             + jnp.dot(hp_ref[...], wr_ref[...], preferred_element_type=_F32, precision=_HIGH))
        h_ref[...] = jnp.maximum(h, 0.0)

    return pl.pallas_call(
        body,
        grid=(NB,),
        in_specs=[
            pl.BlockSpec((NC, BR, H), lambda i: (0, i, 0)),
            pl.BlockSpec((BR, 1), lambda i: (i, 0)),
            pl.BlockSpec((BR, H), lambda i: (i, 0)),
            pl.BlockSpec((H, H), lambda i: (0, 0)),
            pl.BlockSpec((1, H), lambda i: (0, 0)),
            pl.BlockSpec((H, H), lambda i: (0, 0)),
        ],
        out_specs=pl.BlockSpec((BR, H), lambda i: (i, 0)),
        out_shape=jax.ShapeDtypeStruct((NP, H), _F32),
    )(s, cnt, h_prev, wl, bl, wr)


def _tc_final(s, cnt, h_prev, wl, bl, wr, batch3, wlin, blin):

    def body(s_ref, c_ref, hp_ref, wl_ref, bl_ref, wr_ref, b_ref,
             wlin_ref, blin_ref, o_ref, pool_acc, cnt_acc):
        i = pl.program_id(0)

        @pl.when(i == 0)
        def _():
            pool_acc[...] = jnp.zeros((G, H), _F32)
            cnt_acc[...] = jnp.zeros((G, 1), _F32)

        mean = (s_ref[0] + s_ref[1]) / c_ref[...]
        h2 = (jnp.dot(mean, wl_ref[...], preferred_element_type=_F32, precision=_HIGH)
              + bl_ref[...]
              + jnp.dot(hp_ref[...], wr_ref[...], preferred_element_type=_F32, precision=_HIGH))
        b = b_ref[0, 0, :]
        oh_t = (lax.broadcasted_iota(jnp.int32, (G, BR), 0)
                == b[None, :]).astype(_F32)
        pool_acc[...] += jnp.dot(oh_t, h2, preferred_element_type=_F32, precision=_HIGH)
        cnt_acc[...] += jnp.sum(oh_t, axis=1, keepdims=True)

        @pl.when(i == NB - 1)
        def _():
            pooled = pool_acc[...] / jnp.maximum(cnt_acc[...], 1.0)
            z = jnp.dot(pooled, wlin_ref[...], preferred_element_type=_F32,
                        precision=_HIGH) + blin_ref[...]
            o_ref[...] = jax.nn.sigmoid(z)

    return pl.pallas_call(
        body,
        grid=(NB,),
        in_specs=[
            pl.BlockSpec((NC, BR, H), lambda i: (0, i, 0)),
            pl.BlockSpec((BR, 1), lambda i: (i, 0)),
            pl.BlockSpec((BR, H), lambda i: (i, 0)),
            pl.BlockSpec((H, H), lambda i: (0, 0)),
            pl.BlockSpec((1, H), lambda i: (0, 0)),
            pl.BlockSpec((H, H), lambda i: (0, 0)),
            pl.BlockSpec((1, 1, BR), lambda i: (i, 0, 0)),
            pl.BlockSpec((H, 1), lambda i: (0, 0)),
            pl.BlockSpec((1, 1), lambda i: (0, 0)),
        ],
        out_specs=pl.BlockSpec((G, 1), lambda i: (0, 0)),
        out_shape=jax.ShapeDtypeStruct((G, 1), _F32),
        scratch_shapes=[pltpu.VMEM((G, H), _F32), pltpu.VMEM((G, 1), _F32)],
    )(s, cnt, h_prev, wl, bl, wr, batch3, wlin, blin)


def kernel(x, edge_index, batch, Wl0, bl0, Wr0, Wl1, bl1, Wr1, Wl2, bl2, Wr2,
           Wlin, blin):
    pad = EPWP - EPW
    src4 = jnp.concatenate(
        [edge_index[0].reshape(NW, EPW),
         jnp.zeros((NW, pad), jnp.int32)], axis=1).reshape(NW, GCH, 1, CH)
    dump = N + jnp.arange(NW, dtype=jnp.int32)[:, None]
    dst4 = jnp.concatenate(
        [edge_index[1].reshape(NW, EPW),
         jnp.broadcast_to(dump, (NW, pad))], axis=1).reshape(NW, GCH, 1, CH)
    x_aug = jnp.concatenate(
        [x, jnp.ones((N, 1), _F32), jnp.zeros((N, H - 6), _F32)], axis=1)
    x_aug = jnp.pad(x_aug, ((0, NP - N), (0, 0)))
    batch_p = jnp.pad(batch, (0, NP - N), constant_values=G)
    wl0p = jnp.concatenate([Wl0, jnp.zeros((H - 5, H), _F32)], axis=0)
    wr0p = jnp.concatenate([Wr0, jnp.zeros((H - 5, H), _F32)], axis=0)
    z128 = jnp.zeros((NPT, H), _F32)

    s0 = _sc_agg(x_aug, src4, dst4, z128, H)
    h0, cnt = _tc_layer0(s0, x_aug, wl0p, bl0.reshape(1, H), wr0p)
    s1 = _sc_agg(h0, src4, dst4, z128, H)
    h1 = _tc_layer(s1, cnt, h0, Wl1, bl1.reshape(1, H), Wr1)
    s2 = _sc_agg(h1, src4, dst4, z128, H)
    out = _tc_final(s2, cnt, h1, Wl2, bl2.reshape(1, H), Wr2,
                    batch_p.reshape(NB, 1, BR), Wlin, blin.reshape(1, 1))
    return out

# --- scband reference (transcript-rebuilt; emitter-appended) ---
"""Pipeline reference for scband-sage-25460566131068 (READ-ONLY COPY).

The authoritative reference and input builder live on the scoring server;
editing this copy changes nothing except your own understanding.
"""

import jax, jax.numpy as jnp
import numpy as np

N = 10000
E = 320000
D_IN = 5
H = 128
G = 64


def _sage_conv(x, src, dst, Wl, bl, Wr):
    # PyG SAGEConv (aggr='mean'): out = lin_l(mean_j x_j) + lin_r(x_i)
    msgs = jnp.take(x, src, axis=0)
    summed = jax.ops.segment_sum(msgs, dst, num_segments=x.shape[0])
    cnt = jax.ops.segment_sum(jnp.ones((msgs.shape[0], 1), dtype=x.dtype), dst, num_segments=x.shape[0])
    mean = summed / jnp.maximum(cnt, 1.0)
    return mean @ Wl + bl + x @ Wr


def setup_inputs(seed: int = 0) -> dict:
    key = jax.random.key(seed)
    ks = jax.random.split(key, 16)
    x = jax.random.normal(ks[0], (N, D_IN), dtype=jnp.float32)
    edge_index = jax.random.randint(ks[1], (2, E), 0, N, dtype=jnp.int32)
    batch = jnp.sort(jax.random.randint(ks[2], (N,), 0, G, dtype=jnp.int32))

    def lin(k, fan_in, fan_out):
        s = 1.0 / np.sqrt(fan_in)
        return jax.random.uniform(k, (fan_in, fan_out), dtype=jnp.float32, minval=-s, maxval=s)

    inp = {
        'x': x,
        'edge_index': edge_index,
        'batch': batch,
        'Wl0': lin(ks[3], D_IN, H), 'bl0': jnp.zeros((H,), jnp.float32), 'Wr0': lin(ks[4], D_IN, H),
        'Wl1': lin(ks[5], H, H), 'bl1': jnp.zeros((H,), jnp.float32), 'Wr1': lin(ks[6], H, H),
        'Wl2': lin(ks[7], H, H), 'bl2': jnp.zeros((H,), jnp.float32), 'Wr2': lin(ks[8], H, H),
        'Wlin': lin(ks[9], H, 1), 'blin': jnp.zeros((1,), jnp.float32),
    }
    return inp


def reference(x, edge_index, batch, Wl0, bl0, Wr0, Wl1, bl1, Wr1, Wl2, bl2, Wr2, Wlin, blin):
    src = edge_index[0]
    dst = edge_index[1]
    # convs[:-1] with relu
    h = _sage_conv(x, src, dst, Wl0, bl0, Wr0)
    h = jax.nn.relu(h)
    h = _sage_conv(h, src, dst, Wl1, bl1, Wr1)
    h = jax.nn.relu(h)
    # last conv, no relu
    h = _sage_conv(h, src, dst, Wl2, bl2, Wr2)
    # global_mean_pool over batch ids
    pooled_sum = jax.ops.segment_sum(h, batch, num_segments=G)
    cnt = jax.ops.segment_sum(jnp.ones((h.shape[0], 1), dtype=h.dtype), batch, num_segments=G)
    pooled = pooled_sum / jnp.maximum(cnt, 1.0)
    # dropout is identity in eval mode
    out = pooled @ Wlin + blin
    return jax.nn.sigmoid(out)

if __name__ == "__main__":
    import jax
    _d = setup_inputs()
    print(jax.jit(kernel)(*tuple(_d.values())))

</pallas_src>

<mosaic_0001>
#map = affine_map<(d0, d1) -> (0, 0)>
#map1 = affine_map<(d0, d1) -> (0, 0, 0, 0)>
#map2 = affine_map<(d0, d1) -> (0, 0, 0)>
module attributes {stable_mosaic.version = 14 : i64} {
  func.func @body(%arg0: i32, %arg1: i32, %arg2: memref<10240x128xf32, #tpu.memory_space<hbm>>, %arg3: memref<32x80x1x125xi32, #tpu.memory_space<hbm>>, %arg4: memref<32x80x1x125xi32, #tpu.memory_space<hbm>>, %arg5: memref<640x128xf32, #tpu.memory_space<hbm>>, %arg6: memref<2x10240x128xf32, #tpu.memory_space<hbm>>, %arg7: memref<80x1x125xi32, #tpu.memory_space<vmem>>, %arg8: memref<4x1x125xi32, #tpu.memory_space<vmem>>, %arg9: memref<125x128xf32, #tpu.memory_space<vmem>>, %arg10: memref<125x128xf32, #tpu.memory_space<vmem>>, %arg11: memref<10240x128xf32, #tpu.memory_space<vmem_shared>>, %arg12: memref<!tpu.dma_semaphore, #tpu.memory_space<semaphore_mem>>, %arg13: memref<!tpu.dma_semaphore, #tpu.memory_space<semaphore_mem>>, %arg14: memref<!tpu.dma_semaphore, #tpu.memory_space<semaphore_mem>>, %arg15: memref<!tpu.dma_semaphore, #tpu.memory_space<semaphore_mem>>, %arg16: memref<!tpu.dma_semaphore, #tpu.memory_space<semaphore_mem>>, %arg17: memref<!tpu.dma_semaphore, #tpu.memory_space<semaphore_mem>>) attributes {dimension_semantics = [#tpu.dimension_semantics<core_parallel>, #tpu.dimension_semantics<subcore_parallel>], iteration_bounds = array<i64: 2, 16>, scalar_prefetch = 0 : i64, scratch_operands = 11 : i64, tpu.core_type = #tpu.core_type<sc_vector_subcore>, window_params = [{transform_indices = #map}, {transform_indices = #map1}, {transform_indices = #map1}, {transform_indices = #map}, {transform_indices = #map2}]} {
    %mul3A = arith.constant 16 : i32
    %mul3A_0 = arith.muli %arg0, %mul3A : i32
    %add3A = arith.addi %mul3A_0, %arg1 : i32
    %mul3A_1 = arith.constant 640 : i32
    %mul3A_2 = arith.muli %arg1, %mul3A_1 : i32
    "tpu.region"() ({
      %run_scoped3A = tpu.sem_alloc : memref<!tpu.dma_semaphore, #tpu.memory_space<semaphore_mem>>
      %dma_start3A_183 = arith.constant 0 : i32
      %dma_start3A_184 = tpu.memref_slice %arg11[%mul3A_2, %dma_start3A_183] : memref<10240x128xf32, #tpu.memory_space<vmem_shared>> -> memref<640x128xf32, #tpu.memory_space<vmem_shared>>
      tpu.enqueue_dma source(%arg5 : memref<640x128xf32, #tpu.memory_space<hbm>>) target(%dma_start3A_184 : memref<640x128xf32, #tpu.memory_space<vmem_shared>>) target_semaphore(%run_scoped3A : memref<!tpu.dma_semaphore, #tpu.memory_space<semaphore_mem>>)
      %dma_wait3A_185 = arith.constant 0 : i32
      %dma_wait3A_186 = tpu.memref_slice %arg11[%mul3A_2, %dma_wait3A_185] : memref<10240x128xf32, #tpu.memory_space<vmem_shared>> -> memref<640x128xf32, #tpu.memory_space<vmem_shared>>
      tpu.wait_dma2 semaphore(%run_scoped3A : memref<!tpu.dma_semaphore, #tpu.memory_space<semaphore_mem>>) src(%arg5 : memref<640x128xf32, #tpu.memory_space<hbm>>) dst(%dma_wait3A_186 : memref<640x128xf32, #tpu.memory_space<vmem_shared>>)
      tpu.yield
    }) : () -> ()
    "tpu.region"() ({
      %run_scoped3A = tpu.sem_alloc : memref<!tpu.dma_semaphore, #tpu.memory_space<semaphore_mem>>
      %dma_start3A_183 = arith.constant 0 : i32
      %dma_start3A_184 = arith.constant 0 : i32
      %dma_start3A_185 = arith.constant 0 : i32
      %dma_start3A_186 = tpu.memref_slice %arg3[%add3A, %dma_start3A_183, %dma_start3A_184, %dma_start3A_185] : memref<32x80x1x125xi32, #tpu.memory_space<hbm>> -> memref<1x80x1x125xi32, #tpu.memory_space<hbm>>
      %dma_start3A_187 = tpu.memref_squeeze %dma_start3A_186 : memref<1x80x1x125xi32, #tpu.memory_space<hbm>> -> memref<80x1x125xi32, #tpu.memory_space<hbm>>
      %dma_start3A_188 = arith.constant 0 : i32
      %dma_start3A_189 = arith.constant 0 : i32
      %dma_start3A_190 = arith.constant 0 : i32
      %dma_start3A_191 = tpu.memref_slice %arg3[%add3A, %dma_start3A_188, %dma_start3A_189, %dma_start3A_190] : memref<32x80x1x125xi32, #tpu.memory_space<hbm>> -> memref<1x80x1x125xi32, #tpu.memory_space<hbm>>
      %dma_start3A_192 = tpu.memref_squeeze %dma_start3A_191 : memref<1x80x1x125xi32, #tpu.memory_space<hbm>> -> memref<80x1x125xi32, #tpu.memory_space<hbm>>
      tpu.enqueue_dma source(%dma_start3A_192 : memref<80x1x125xi32, #tpu.memory_space<hbm>>) target(%arg7 : memref<80x1x125xi32, #tpu.memory_space<vmem>>) target_semaphore(%run_scoped3A : memref<!tpu.dma_semaphore, #tpu.memory_space<semaphore_mem>>)
      %dma_wait3A_193 = arith.constant 0 : i32
      %dma_wait3A_194 = arith.constant 0 : i32
      %dma_wait3A_195 = arith.constant 0 : i32
      %dma_wait3A_196 = tpu.memref_slice %arg3[%add3A, %dma_wait3A_193, %dma_wait3A_194, %dma_wait3A_195] : memref<32x80x1x125xi32, #tpu.memory_space<hbm>> -> memref<1x80x1x125xi32, #tpu.memory_space<hbm>>
      %dma_wait3A_197 = tpu.memref_squeeze %dma_wait3A_196 : memref<1x80x1x125xi32, #tpu.memory_space<hbm>> -> memref<80x1x125xi32, #tpu.memory_space<hbm>>
      %dma_wait3A_198 = arith.constant 0 : i32
      %dma_wait3A_199 = arith.constant 0 : i32
      %dma_wait3A_200 = arith.constant 0 : i32
      %dma_wait3A_201 = tpu.memref_slice %arg3[%add3A, %dma_wait3A_198, %dma_wait3A_199, %dma_wait3A_200] : memref<32x80x1x125xi32, #tpu.memory_space<hbm>> -> memref<1x80x1x125xi32, #tpu.memory_space<hbm>>
      %dma_wait3A_202 = tpu.memref_squeeze %dma_wait3A_201 : memref<1x80x1x125xi32, #tpu.memory_space<hbm>> -> memref<80x1x125xi32, #tpu.memory_space<hbm>>
      tpu.wait_dma2 semaphore(%run_scoped3A : memref<!tpu.dma_semaphore, #tpu.memory_space<semaphore_mem>>) src(%dma_wait3A_202 : memref<80x1x125xi32, #tpu.memory_space<hbm>>) dst(%arg7 : memref<80x1x125xi32, #tpu.memory_space<vmem>>)
      tpu.yield
    }) : () -> ()
    %dma_start3A = arith.constant 0 : i32
    %dma_start3A_3 = arith.constant 0 : i32
    %dma_start3A_4 = arith.constant 0 : i32
    %dma_start3A_5 = arith.constant 0 : i32
    %dma_start3A_6 = tpu.memref_slice %arg8[%dma_start3A_3, %dma_start3A_4, %dma_start3A_5] : memref<4x1x125xi32, #tpu.memory_space<vmem>> -> memref<1x1x125xi32, #tpu.memory_space<vmem>>
    %dma_start3A_7 = tpu.memref_squeeze %dma_start3A_6 : memref<1x1x125xi32, #tpu.memory_space<vmem>> -> memref<1x125xi32, #tpu.memory_space<vmem>>
    %dma_start3A_8 = arith.constant 0 : i32
    %dma_start3A_9 = arith.constant 0 : i32
    %dma_start3A_10 = tpu.memref_slice %arg4[%add3A, %dma_start3A, %dma_start3A_8, %dma_start3A_9] : memref<32x80x1x125xi32, #tpu.memory_space<hbm>> -> memref<1x1x1x125xi32, #tpu.memory_space<hbm>>
    %dma_start3A_11 = tpu.memref_squeeze %dma_start3A_10 : memref<1x1x1x125xi32, #tpu.memory_space<hbm>> -> memref<1x125xi32, #tpu.memory_space<hbm>>
    %dma_start3A_12 = arith.constant 0 : i32
    %dma_start3A_13 = arith.constant 0 : i32
    %dma_start3A_14 = tpu.memref_slice %arg8[%dma_start3A_3, %dma_start3A_12, %dma_start3A_13] : memref<4x1x125xi32, #tpu.memory_space<vmem>> -> memref<1x1x125xi32, #tpu.memory_space<vmem>>
    %dma_start3A_15 = tpu.memref_squeeze %dma_start3A_14 : memref<1x1x125xi32, #tpu.memory_space<vmem>> -> memref<1x125xi32, #tpu.memory_space<vmem>>
    %dma_start3A_16 = arith.constant 0 : i32
    %dma_start3A_17 = arith.constant 0 : i32
    %dma_start3A_18 = tpu.memref_slice %arg4[%add3A, %dma_start3A, %dma_start3A_16, %dma_start3A_17] : memref<32x80x1x125xi32, #tpu.memory_space<hbm>> -> memref<1x1x1x125xi32, #tpu.memory_space<hbm>>
    %dma_start3A_19 = tpu.memref_squeeze %dma_start3A_18 : memref<1x1x1x125xi32, #tpu.memory_space<hbm>> -> memref<1x125xi32, #tpu.memory_space<hbm>>
    tpu.enqueue_dma source(%dma_start3A_19 : memref<1x125xi32, #tpu.memory_space<hbm>>) target(%dma_start3A_15 : memref<1x125xi32, #tpu.memory_space<vmem>>) target_semaphore(%arg14 : memref<!tpu.dma_semaphore, #tpu.memory_space<semaphore_mem>>)
    %dma_start3A_20 = arith.constant 1 : i32
    %dma_start3A_21 = arith.constant 1 : i32
    %dma_start3A_22 = arith.constant 0 : i32
    %dma_start3A_23 = arith.constant 0 : i32
    %dma_start3A_24 = tpu.memref_slice %arg8[%dma_start3A_21, %dma_start3A_22, %dma_start3A_23] : memref<4x1x125xi32, #tpu.memory_space<vmem>> -> memref<1x1x125xi32, #tpu.memory_space<vmem>>
    %dma_start3A_25 = tpu.memref_squeeze %dma_start3A_24 : memref<1x1x125xi32, #tpu.memory_space<vmem>> -> memref<1x125xi32, #tpu.memory_space<vmem>>
    %dma_start3A_26 = arith.constant 0 : i32
    %dma_start3A_27 = arith.constant 0 : i32
    %dma_start3A_28 = tpu.memref_slice %arg4[%add3A, %dma_start3A_20, %dma_start3A_26, %dma_start3A_27] : memref<32x80x1x125xi32, #tpu.memory_space<hbm>> -> memref<1x1x1x125xi32, #tpu.memory_space<hbm>>
    %dma_start3A_29 = tpu.memref_squeeze %dma_start3A_28 : memref<1x1x1x125xi32, #tpu.memory_space<hbm>> -> memref<1x125xi32, #tpu.memory_space<hbm>>
    %dma_start3A_30 = arith.constant 0 : i32
    %dma_start3A_31 = arith.constant 0 : i32
    %dma_start3A_32 = tpu.memref_slice %arg8[%dma_start3A_21, %dma_start3A_30, %dma_start3A_31] : memref<4x1x125xi32, #tpu.memory_space<vmem>> -> memref<1x1x125xi32, #tpu.memory_space<vmem>>
    %dma_start3A_33 = tpu.memref_squeeze %dma_start3A_32 : memref<1x1x125xi32, #tpu.memory_space<vmem>> -> memref<1x125xi32, #tpu.memory_space<vmem>>
    %dma_start3A_34 = arith.constant 0 : i32
    %dma_start3A_35 = arith.constant 0 : i32
    %dma_start3A_36 = tpu.memref_slice %arg4[%add3A, %dma_start3A_20, %dma_start3A_34, %dma_start3A_35] : memref<32x80x1x125xi32, #tpu.memory_space<hbm>> -> memref<1x1x1x125xi32, #tpu.memory_space<hbm>>
    %dma_start3A_37 = tpu.memref_squeeze %dma_start3A_36 : memref<1x1x1x125xi32, #tpu.memory_space<hbm>> -> memref<1x125xi32, #tpu.memory_space<hbm>>
    tpu.enqueue_dma source(%dma_start3A_37 : memref<1x125xi32, #tpu.memory_space<hbm>>) target(%dma_start3A_33 : memref<1x125xi32, #tpu.memory_space<vmem>>) target_semaphore(%arg15 : memref<!tpu.dma_semaphore, #tpu.memory_space<semaphore_mem>>)
    %dma_start3A_38 = arith.constant 2 : i32
    %dma_start3A_39 = arith.constant 2 : i32
    %dma_start3A_40 = arith.constant 0 : i32
    %dma_start3A_41 = arith.constant 0 : i32
    %dma_start3A_42 = tpu.memref_slice %arg8[%dma_start3A_39, %dma_start3A_40, %dma_start3A_41] : memref<4x1x125xi32, #tpu.memory_space<vmem>> -> memref<1x1x125xi32, #tpu.memory_space<vmem>>
    %dma_start3A_43 = tpu.memref_squeeze %dma_start3A_42 : memref<1x1x125xi32, #tpu.memory_space<vmem>> -> memref<1x125xi32, #tpu.memory_space<vmem>>
    %dma_start3A_44 = arith.constant 0 : i32
    %dma_start3A_45 = arith.constant 0 : i32
    %dma_start3A_46 = tpu.memref_slice %arg4[%add3A, %dma_start3A_38, %dma_start3A_44, %dma_start3A_45] : memref<32x80x1x125xi32, #tpu.memory_space<hbm>> -> memref<1x1x1x125xi32, #tpu.memory_space<hbm>>
    %dma_start3A_47 = tpu.memref_squeeze %dma_start3A_46 : memref<1x1x1x125xi32, #tpu.memory_space<hbm>> -> memref<1x125xi32, #tpu.memory_space<hbm>>
    %dma_start3A_48 = arith.constant 0 : i32
    %dma_start3A_49 = arith.constant 0 : i32
    %dma_start3A_50 = tpu.memref_slice %arg8[%dma_start3A_39, %dma_start3A_48, %dma_start3A_49] : memref<4x1x125xi32, #tpu.memory_space<vmem>> -> memref<1x1x125xi32, #tpu.memory_space<vmem>>
    %dma_start3A_51 = tpu.memref_squeeze %dma_start3A_50 : memref<1x1x125xi32, #tpu.memory_space<vmem>> -> memref<1x125xi32, #tpu.memory_space<vmem>>
    %dma_start3A_52 = arith.constant 0 : i32
    %dma_start3A_53 = arith.constant 0 : i32
    %dma_start3A_54 = tpu.memref_slice %arg4[%add3A, %dma_start3A_38, %dma_start3A_52, %dma_start3A_53] : memref<32x80x1x125xi32, #tpu.memory_space<hbm>> -> memref<1x1x1x125xi32, #tpu.memory_space<hbm>>
    %dma_start3A_55 = tpu.memref_squeeze %dma_start3A_54 : memref<1x1x1x125xi32, #tpu.memory_space<hbm>> -> memref<1x125xi32, #tpu.memory_space<hbm>>
    tpu.enqueue_dma source(%dma_start3A_55 : memref<1x125xi32, #tpu.memory_space<hbm>>) target(%dma_start3A_51 : memref<1x125xi32, #tpu.memory_space<vmem>>) target_semaphore(%arg16 : memref<!tpu.dma_semaphore, #tpu.memory_space<semaphore_mem>>)
    %dma_start3A_56 = arith.constant 3 : i32
    %dma_start3A_57 = arith.constant 3 : i32
    %dma_start3A_58 = arith.constant 0 : i32
    %dma_start3A_59 = arith.constant 0 : i32
    %dma_start3A_60 = tpu.memref_slice %arg8[%dma_start3A_57, %dma_start3A_58, %dma_start3A_59] : memref<4x1x125xi32, #tpu.memory_space<vmem>> -> memref<1x1x125xi32, #tpu.memory_space<vmem>>
    %dma_start3A_61 = tpu.memref_squeeze %dma_start3A_60 : memref<1x1x125xi32, #tpu.memory_space<vmem>> -> memref<1x125xi32, #tpu.memory_space<vmem>>
    %dma_start3A_62 = arith.constant 0 : i32
    %dma_start3A_63 = arith.constant 0 : i32
    %dma_start3A_64 = tpu.memref_slice %arg4[%add3A, %dma_start3A_56, %dma_start3A_62, %dma_start3A_63] : memref<32x80x1x125xi32, #tpu.memory_space<hbm>> -> memref<1x1x1x125xi32, #tpu.memory_space<hbm>>
    %dma_start3A_65 = tpu.memref_squeeze %dma_start3A_64 : memref<1x1x1x125xi32, #tpu.memory_space<hbm>> -> memref<1x125xi32, #tpu.memory_space<hbm>>
    %dma_start3A_66 = arith.constant 0 : i32
    %dma_start3A_67 = arith.constant 0 : i32
    %dma_start3A_68 = tpu.memref_slice %arg8[%dma_start3A_57, %dma_start3A_66, %dma_start3A_67] : memref<4x1x125xi32, #tpu.memory_space<vmem>> -> memref<1x1x125xi32, #tpu.memory_space<vmem>>
    %dma_start3A_69 = tpu.memref_squeeze %dma_start3A_68 : memref<1x1x125xi32, #tpu.memory_space<vmem>> -> memref<1x125xi32, #tpu.memory_space<vmem>>
    %dma_start3A_70 = arith.constant 0 : i32
    %dma_start3A_71 = arith.constant 0 : i32
    %dma_start3A_72 = tpu.memref_slice %arg4[%add3A, %dma_start3A_56, %dma_start3A_70, %dma_start3A_71] : memref<32x80x1x125xi32, #tpu.memory_space<hbm>> -> memref<1x1x1x125xi32, #tpu.memory_space<hbm>>
    %dma_start3A_73 = tpu.memref_squeeze %dma_start3A_72 : memref<1x1x1x125xi32, #tpu.memory_space<hbm>> -> memref<1x125xi32, #tpu.memory_space<hbm>>
    tpu.enqueue_dma source(%dma_start3A_73 : memref<1x125xi32, #tpu.memory_space<hbm>>) target(%dma_start3A_69 : memref<1x125xi32, #tpu.memory_space<vmem>>) target_semaphore(%arg17 : memref<!tpu.dma_semaphore, #tpu.memory_space<semaphore_mem>>)
    %dma_start3A_74 = arith.constant 0 : i32
    %dma_start3A_75 = arith.constant 0 : i32
    %dma_start3A_76 = arith.constant 0 : i32
    %dma_start3A_77 = tpu.memref_slice %arg7[%dma_start3A_74, %dma_start3A_75, %dma_start3A_76] : memref<80x1x125xi32, #tpu.memory_space<vmem>> -> memref<1x1x125xi32, #tpu.memory_space<vmem>>
    %dma_start3A_78 = tpu.memref_squeeze %dma_start3A_77 : memref<1x1x125xi32, #tpu.memory_space<vmem>> -> memref<125xi32, #tpu.memory_space<vmem>>
    %dma_start3A_79 = arith.constant 0 : i32
    %dma_start3A_80 = arith.constant 0 : i32
    %dma_start3A_81 = tpu.memref_slice %arg2[%dma_start3A_79, %dma_start3A_80] : memref<10240x128xf32, #tpu.memory_space<hbm>> -> memref<10240x128xf32, #tpu.memory_space<hbm>>
    tpu.enqueue_indirect_dma source(%dma_start3A_81 : memref<10240x128xf32, #tpu.memory_space<hbm>>) target(%arg9 : memref<125x128xf32, #tpu.memory_space<vmem>>) offsets(%dma_start3A_78 : memref<125xi32, #tpu.memory_space<vmem>>) semaphore(%arg12 : memref<!tpu.dma_semaphore, #tpu.memory_space<semaphore_mem>>)
    %dma_start3A_82 = arith.constant 1 : i32
    %dma_start3A_83 = arith.constant 0 : i32
    %dma_start3A_84 = arith.constant 0 : i32
    %dma_start3A_85 = tpu.memref_slice %arg7[%dma_start3A_82, %dma_start3A_83, %dma_start3A_84] : memref<80x1x125xi32, #tpu.memory_space<vmem>> -> memref<1x1x125xi32, #tpu.memory_space<vmem>>
    %dma_start3A_86 = tpu.memref_squeeze %dma_start3A_85 : memref<1x1x125xi32, #tpu.memory_space<vmem>> -> memref<125xi32, #tpu.memory_space<vmem>>
    %dma_start3A_87 = arith.constant 0 : i32
    %dma_start3A_88 = arith.constant 0 : i32
    %dma_start3A_89 = tpu.memref_slice %arg2[%dma_start3A_87, %dma_start3A_88] : memref<10240x128xf32, #tpu.memory_space<hbm>> -> memref<10240x128xf32, #tpu.memory_space<hbm>>
    tpu.enqueue_indirect_dma source(%dma_start3A_89 : memref<10240x128xf32, #tpu.memory_space<hbm>>) target(%arg10 : memref<125x128xf32, #tpu.memory_space<vmem>>) offsets(%dma_start3A_86 : memref<125xi32, #tpu.memory_space<vmem>>) semaphore(%arg13 : memref<!tpu.dma_semaphore, #tpu.memory_space<semaphore_mem>>)
    %barrier3A = arith.constant 0 : index
    tpu.barrier barrier_id(%barrier3A)
    %scan3A = arith.constant 0 : i32
    %scan3A_90 = arith.constant 0 : i32
    %scan3A_91 = arith.constant 20 : i32
    %scan3A_92 = arith.addi %scan3A_90, %scan3A_91 : i32
    %scan3A_93 = arith.constant 1 : i32
    scf.for %scan3A_183 = %scan3A_90 to %scan3A_92 step %scan3A_93  : i32 {
      %mul3A_184 = arith.constant 4 : i32
      %mul3A_185 = arith.muli %scan3A_183, %mul3A_184 : i32
      %add3A_186 = arith.constant 0 : i32
      %add3A_187 = arith.addi %mul3A_185, %add3A_186 : i32
      %dma_wait3A_188 = arith.constant 0 : i32
      %dma_wait3A_189 = arith.constant 0 : i32
      %dma_wait3A_190 = arith.constant 0 : i32
      %dma_wait3A_191 = tpu.memref_slice %arg7[%dma_wait3A_188, %dma_wait3A_189, %dma_wait3A_190] : memref<80x1x125xi32, #tpu.memory_space<vmem>> -> memref<1x1x125xi32, #tpu.memory_space<vmem>>
      %dma_wait3A_192 = tpu.memref_squeeze %dma_wait3A_191 : memref<1x1x125xi32, #tpu.memory_space<vmem>> -> memref<125xi32, #tpu.memory_space<vmem>>
      %dma_wait3A_193 = arith.constant 0 : i32
      %dma_wait3A_194 = arith.constant 0 : i32
      %dma_wait3A_195 = tpu.memref_slice %arg2[%dma_wait3A_193, %dma_wait3A_194] : memref<10240x128xf32, #tpu.memory_space<hbm>> -> memref<10240x128xf32, #tpu.memory_space<hbm>>
      tpu.wait_indirect_dma semaphore(%arg12 : memref<!tpu.dma_semaphore, #tpu.memory_space<semaphore_mem>>) src(%dma_wait3A_195 : memref<10240x128xf32, #tpu.memory_space<hbm>>) dst(%arg9 : memref<125x128xf32, #tpu.memory_space<vmem>>)
      %dma_wait3A_196 = arith.constant 0 : i32
      %dma_wait3A_197 = arith.constant 0 : i32
      %dma_wait3A_198 = arith.constant 0 : i32
      %dma_wait3A_199 = arith.constant 0 : i32
      %dma_wait3A_200 = tpu.memref_slice %arg8[%dma_wait3A_197, %dma_wait3A_198, %dma_wait3A_199] : memref<4x1x125xi32, #tpu.memory_space<vmem>> -> memref<1x1x125xi32, #tpu.memory_space<vmem>>
      %dma_wait3A_201 = tpu.memref_squeeze %dma_wait3A_200 : memref<1x1x125xi32, #tpu.memory_space<vmem>> -> memref<1x125xi32, #tpu.memory_space<vmem>>
      %dma_wait3A_202 = arith.constant 0 : i32
      %dma_wait3A_203 = arith.constant 0 : i32
      %dma_wait3A_204 = tpu.memref_slice %arg4[%add3A, %dma_wait3A_196, %dma_wait3A_202, %dma_wait3A_203] : memref<32x80x1x125xi32, #tpu.memory_space<hbm>> -> memref<1x1x1x125xi32, #tpu.memory_space<hbm>>
      %dma_wait3A_205 = tpu.memref_squeeze %dma_wait3A_204 : memref<1x1x1x125xi32, #tpu.memory_space<hbm>> -> memref<1x125xi32, #tpu.memory_space<hbm>>
      %dma_wait3A_206 = arith.constant 0 : i32
      %dma_wait3A_207 = arith.constant 0 : i32
      %dma_wait3A_208 = tpu.memref_slice %arg8[%dma_wait3A_197, %dma_wait3A_206, %dma_wait3A_207] : memref<4x1x125xi32, #tpu.memory_space<vmem>> -> memref<1x1x125xi32, #tpu.memory_space<vmem>>
      %dma_wait3A_209 = tpu.memref_squeeze %dma_wait3A_208 : memref<1x1x125xi32, #tpu.memory_space<vmem>> -> memref<1x125xi32, #tpu.memory_space<vmem>>
      %dma_wait3A_210 = arith.constant 0 : i32
      %dma_wait3A_211 = arith.constant 0 : i32
      %dma_wait3A_212 = tpu.memref_slice %arg4[%add3A, %dma_wait3A_196, %dma_wait3A_210, %dma_wait3A_211] : memref<32x80x1x125xi32, #tpu.memory_space<hbm>> -> memref<1x1x1x125xi32, #tpu.memory_space<hbm>>
      %dma_wait3A_213 = tpu.memref_squeeze %dma_wait3A_212 : memref<1x1x1x125xi32, #tpu.memory_space<hbm>> -> memref<1x125xi32, #tpu.memory_space<hbm>>
      tpu.wait_dma2 semaphore(%arg14 : memref<!tpu.dma_semaphore, #tpu.memory_space<semaphore_mem>>) src(%dma_wait3A_213 : memref<1x125xi32, #tpu.memory_space<hbm>>) dst(%dma_wait3A_209 : memref<1x125xi32, #tpu.memory_space<vmem>>)
      %run_scoped3A = arith.constant 0 : i32
      %run_scoped3A_214 = arith.constant 0 : i32
      "tpu.region"() ({
        %run_scoped3A_438 = tpu.sem_alloc : memref<!tpu.dma_semaphore, #tpu.memory_space<semaphore_mem>>
        %dma_start3A_439 = arith.constant 0 : i32
        %dma_start3A_440 = tpu.memref_slice %arg8[%run_scoped3A, %run_scoped3A_214, %dma_start3A_439] : memref<4x1x125xi32, #tpu.memory_space<vmem>> -> memref<1x1x125xi32, #tpu.memory_space<vmem>>
        %dma_start3A_441 = tpu.memref_squeeze %dma_start3A_440 : memref<1x1x125xi32, #tpu.memory_space<vmem>> -> memref<125xi32, #tpu.memory_space<vmem>>
        %dma_start3A_442 = arith.constant 0 : i32
        %dma_start3A_443 = arith.constant 0 : i32
        %dma_start3A_444 = tpu.memref_slice %arg11[%dma_start3A_442, %dma_start3A_443] : memref<10240x128xf32, #tpu.memory_space<vmem_shared>> -> memref<10240x128xf32, #tpu.memory_space<vmem_shared>>
        tpu.enqueue_indirect_dma source(%arg9 : memref<125x128xf32, #tpu.memory_space<vmem>>) target(%dma_start3A_444 : memref<10240x128xf32, #tpu.memory_space<vmem_shared>>) offsets(%dma_start3A_441 : memref<125xi32, #tpu.memory_space<vmem>>) semaphore(%run_scoped3A_438 : memref<!tpu.dma_semaphore, #tpu.memory_space<semaphore_mem>>) {add = true}
        %dma_wait3A_445 = arith.constant 0 : i32
        %dma_wait3A_446 = tpu.memref_slice %arg8[%run_scoped3A, %run_scoped3A_214, %dma_wait3A_445] : memref<4x1x125xi32, #tpu.memory_space<vmem>> -> memref<1x1x125xi32, #tpu.memory_space<vmem>>
        %dma_wait3A_447 = tpu.memref_squeeze %dma_wait3A_446 : memref<1x1x125xi32, #tpu.memory_space<vmem>> -> memref<125xi32, #tpu.memory_space<vmem>>
        %dma_wait3A_448 = arith.constant 0 : i32
        %dma_wait3A_449 = arith.constant 0 : i32
        %dma_wait3A_450 = tpu.memref_slice %arg11[%dma_wait3A_448, %dma_wait3A_449] : memref<10240x128xf32, #tpu.memory_space<vmem_shared>> -> memref<10240x128xf32, #tpu.memory_space<vmem_shared>>
        tpu.wait_indirect_dma semaphore(%run_scoped3A_438 : memref<!tpu.dma_semaphore, #tpu.memory_space<semaphore_mem>>) src(%arg9 : memref<125x128xf32, #tpu.memory_space<vmem>>) dst(%dma_wait3A_450 : memref<10240x128xf32, #tpu.memory_space<vmem_shared>>)
        tpu.yield
      }) : () -> ()
      %add3A_215 = arith.constant 4 : i32
      %add3A_216 = arith.addi %add3A_187, %add3A_215 : i32
      %min3A = arith.constant 79 : i32
      %min3A_217 = arith.minsi %add3A_216, %min3A : i32
      %dma_start3A_218 = arith.constant 0 : i32
      %dma_start3A_219 = arith.constant 0 : i32
      %dma_start3A_220 = arith.constant 0 : i32
      %dma_start3A_221 = tpu.memref_slice %arg8[%dma_start3A_218, %dma_start3A_219, %dma_start3A_220] : memref<4x1x125xi32, #tpu.memory_space<vmem>> -> memref<1x1x125xi32, #tpu.memory_space<vmem>>
      %dma_start3A_222 = tpu.memref_squeeze %dma_start3A_221 : memref<1x1x125xi32, #tpu.memory_space<vmem>> -> memref<1x125xi32, #tpu.memory_space<vmem>>
      %dma_start3A_223 = arith.constant 0 : i32
      %dma_start3A_224 = arith.constant 0 : i32
      %dma_start3A_225 = tpu.memref_slice %arg4[%add3A, %min3A_217, %dma_start3A_223, %dma_start3A_224] : memref<32x80x1x125xi32, #tpu.memory_space<hbm>> -> memref<1x1x1x125xi32, #tpu.memory_space<hbm>>
      %dma_start3A_226 = tpu.memref_squeeze %dma_start3A_225 : memref<1x1x1x125xi32, #tpu.memory_space<hbm>> -> memref<1x125xi32, #tpu.memory_space<hbm>>
      %dma_start3A_227 = arith.constant 0 : i32
      %dma_start3A_228 = arith.constant 0 : i32
      %dma_start3A_229 = tpu.memref_slice %arg8[%dma_start3A_218, %dma_start3A_227, %dma_start3A_228] : memref<4x1x125xi32, #tpu.memory_space<vmem>> -> memref<1x1x125xi32, #tpu.memory_space<vmem>>
      %dma_start3A_230 = tpu.memref_squeeze %dma_start3A_229 : memref<1x1x125xi32, #tpu.memory_space<vmem>> -> memref<1x125xi32, #tpu.memory_space<vmem>>
      %dma_start3A_231 = arith.constant 0 : i32
      %dma_start3A_232 = arith.constant 0 : i32
      %dma_start3A_233 = tpu.memref_slice %arg4[%add3A, %min3A_217, %dma_start3A_231, %dma_start3A_232] : memref<32x80x1x125xi32, #tpu.memory_space<hbm>> -> memref<1x1x1x125xi32, #tpu.memory_space<hbm>>
      %dma_start3A_234 = tpu.memref_squeeze %dma_start3A_233 : memref<1x1x1x125xi32, #tpu.memory_space<hbm>> -> memref<1x125xi32, #tpu.memory_space<hbm>>
      tpu.enqueue_dma source(%dma_start3A_234 : memref<1x125xi32, #tpu.memory_space<hbm>>) target(%dma_start3A_230 : memref<1x125xi32, #tpu.memory_space<vmem>>) target_semaphore(%arg14 : memref<!tpu.dma_semaphore, #tpu.memory_space<semaphore_mem>>)
      %add3A_235 = arith.constant 2 : i32
      %add3A_236 = arith.addi %add3A_187, %add3A_235 : i32
      %min3A_237 = arith.constant 79 : i32
      %min3A_238 = arith.minsi %add3A_236, %min3A_237 : i32
      %dma_start3A_239 = arith.constant 0 : i32
      %dma_start3A_240 = arith.constant 0 : i32
      %dma_start3A_241 = tpu.memref_slice %arg7[%min3A_238, %dma_start3A_239, %dma_start3A_240] : memref<80x1x125xi32, #tpu.memory_space<vmem>> -> memref<1x1x125xi32, #tpu.memory_space<vmem>>
      %dma_start3A_242 = tpu.memref_squeeze %dma_start3A_241 : memref<1x1x125xi32, #tpu.memory_space<vmem>> -> memref<125xi32, #tpu.memory_space<vmem>>
      %dma_start3A_243 = arith.constant 0 : i32
      %dma_start3A_244 = arith.constant 0 : i32
      %dma_start3A_245 = tpu.memref_slice %arg2[%dma_start3A_243, %dma_start3A_244] : memref<10240x128xf32, #tpu.memory_space<hbm>> -> memref<10240x128xf32, #tpu.memory_space<hbm>>
      tpu.enqueue_indirect_dma source(%dma_start3A_245 : memref<10240x128xf32, #tpu.memory_space<hbm>>) target(%arg9 : memref<125x128xf32, #tpu.memory_space<vmem>>) offsets(%dma_start3A_242 : memref<125xi32, #tpu.memory_space<vmem>>) semaphore(%arg12 : memref<!tpu.dma_semaphore, #tpu.memory_space<semaphore_mem>>)
      %mul3A_246 = arith.constant 4 : i32
      %mul3A_247 = arith.muli %scan3A_183, %mul3A_246 : i32
      %add3A_248 = arith.constant 1 : i32
      %add3A_249 = arith.addi %mul3A_247, %add3A_248 : i32
      %dma_wait3A_250 = arith.constant 1 : i32
      %dma_wait3A_251 = arith.constant 0 : i32
      %dma_wait3A_252 = arith.constant 0 : i32
      %dma_wait3A_253 = tpu.memref_slice %arg7[%dma_wait3A_250, %dma_wait3A_251, %dma_wait3A_252] : memref<80x1x125xi32, #tpu.memory_space<vmem>> -> memref<1x1x125xi32, #tpu.memory_space<vmem>>
      %dma_wait3A_254 = tpu.memref_squeeze %dma_wait3A_253 : memref<1x1x125xi32, #tpu.memory_space<vmem>> -> memref<125xi32, #tpu.memory_space<vmem>>
      %dma_wait3A_255 = arith.constant 0 : i32
      %dma_wait3A_256 = arith.constant 0 : i32
      %dma_wait3A_257 = tpu.memref_slice %arg2[%dma_wait3A_255, %dma_wait3A_256] : memref<10240x128xf32, #tpu.memory_space<hbm>> -> memref<10240x128xf32, #tpu.memory_space<hbm>>
      tpu.wait_indirect_dma semaphore(%arg13 : memref<!tpu.dma_semaphore, #tpu.memory_space<semaphore_mem>>) src(%dma_wait3A_257 : memref<10240x128xf32, #tpu.memory_space<hbm>>) dst(%arg10 : memref<125x128xf32, #tpu.memory_space<vmem>>)
      %dma_wait3A_258 = arith.constant 0 : i32
      %dma_wait3A_259 = arith.constant 1 : i32
      %dma_wait3A_260 = arith.constant 0 : i32
      %dma_wait3A_261 = arith.constant 0 : i32
      %dma_wait3A_262 = tpu.memref_slice %arg8[%dma_wait3A_259, %dma_wait3A_260, %dma_wait3A_261] : memref<4x1x125xi32, #tpu.memory_space<vmem>> -> memref<1x1x125xi32, #tpu.memory_space<vmem>>
      %dma_wait3A_263 = tpu.memref_squeeze %dma_wait3A_262 : memref<1x1x125xi32, #tpu.memory_space<vmem>> -> memref<1x125xi32, #tpu.memory_space<vmem>>
      %dma_wait3A_264 = arith.constant 0 : i32
      %dma_wait3A_265 = arith.constant 0 : i32
      %dma_wait3A_266 = tpu.memref_slice %arg4[%add3A, %dma_wait3A_258, %dma_wait3A_264, %dma_wait3A_265] : memref<32x80x1x125xi32, #tpu.memory_space<hbm>> -> memref<1x1x1x125xi32, #tpu.memory_space<hbm>>
      %dma_wait3A_267 = tpu.memref_squeeze %dma_wait3A_266 : memref<1x1x1x125xi32, #tpu.memory_space<hbm>> -> memref<1x125xi32, #tpu.memory_space<hbm>>
      %dma_wait3A_268 = arith.constant 0 : i32
      %dma_wait3A_269 = arith.constant 0 : i32
      %dma_wait3A_270 = tpu.memref_slice %arg8[%dma_wait3A_259, %dma_wait3A_268, %dma_wait3A_269] : memref<4x1x125xi32, #tpu.memory_space<vmem>> -> memref<1x1x125xi32, #tpu.memory_space<vmem>>
      %dma_wait3A_271 = tpu.memref_squeeze %dma_wait3A_270 : memref<1x1x125xi32, #tpu.memory_space<vmem>> -> memref<1x125xi32, #tpu.memory_space<vmem>>
      %dma_wait3A_272 = arith.constant 0 : i32
      %dma_wait3A_273 = arith.constant 0 : i32
      %dma_wait3A_274 = tpu.memref_slice %arg4[%add3A, %dma_wait3A_258, %dma_wait3A_272, %dma_wait3A_273] : memref<32x80x1x125xi32, #tpu.memory_space<hbm>> -> memref<1x1x1x125xi32, #tpu.memory_space<hbm>>
      %dma_wait3A_275 = tpu.memref_squeeze %dma_wait3A_274 : memref<1x1x1x125xi32, #tpu.memory_space<hbm>> -> memref<1x125xi32, #tpu.memory_space<hbm>>
      tpu.wait_dma2 semaphore(%arg15 : memref<!tpu.dma_semaphore, #tpu.memory_space<semaphore_mem>>) src(%dma_wait3A_275 : memref<1x125xi32, #tpu.memory_space<hbm>>) dst(%dma_wait3A_271 : memref<1x125xi32, #tpu.memory_space<vmem>>)
      %run_scoped3A_276 = arith.constant 1 : i32
      %run_scoped3A_277 = arith.constant 0 : i32
      "tpu.region"() ({
        %run_scoped3A_438 = tpu.sem_alloc : memref<!tpu.dma_semaphore, #tpu.memory_space<semaphore_mem>>
        %dma_start3A_439 = arith.constant 0 : i32
        %dma_start3A_440 = tpu.memref_slice %arg8[%run_scoped3A_276, %run_scoped3A_277, %dma_start3A_439] : memref<4x1x125xi32, #tpu.memory_space<vmem>> -> memref<1x1x125xi32, #tpu.memory_space<vmem>>
        %dma_start3A_441 = tpu.memref_squeeze %dma_start3A_440 : memref<1x1x125xi32, #tpu.memory_space<vmem>> -> memref<125xi32, #tpu.memory_space<vmem>>
        %dma_start3A_442 = arith.constant 0 : i32
        %dma_start3A_443 = arith.constant 0 : i32
        %dma_start3A_444 = tpu.memref_slice %arg11[%dma_start3A_442, %dma_start3A_443] : memref<10240x128xf32, #tpu.memory_space<vmem_shared>> -> memref<10240x128xf32, #tpu.memory_space<vmem_shared>>
        tpu.enqueue_indirect_dma source(%arg10 : memref<125x128xf32, #tpu.memory_space<vmem>>) target(%dma_start3A_444 : memref<10240x128xf32, #tpu.memory_space<vmem_shared>>) offsets(%dma_start3A_441 : memref<125xi32, #tpu.memory_space<vmem>>) semaphore(%run_scoped3A_438 : memref<!tpu.dma_semaphore, #tpu.memory_space<semaphore_mem>>) {add = true}
        %dma_wait3A_445 = arith.constant 0 : i32
        %dma_wait3A_446 = tpu.memref_slice %arg8[%run_scoped3A_276, %run_scoped3A_277, %dma_wait3A_445] : memref<4x1x125xi32, #tpu.memory_space<vmem>> -> memref<1x1x125xi32, #tpu.memory_space<vmem>>
        %dma_wait3A_447 = tpu.memref_squeeze %dma_wait3A_446 : memref<1x1x125xi32, #tpu.memory_space<vmem>> -> memref<125xi32, #tpu.memory_space<vmem>>
        %dma_wait3A_448 = arith.constant 0 : i32
        %dma_wait3A_449 = arith.constant 0 : i32
        %dma_wait3A_450 = tpu.memref_slice %arg11[%dma_wait3A_448, %dma_wait3A_449] : memref<10240x128xf32, #tpu.memory_space<vmem_shared>> -> memref<10240x128xf32, #tpu.memory_space<vmem_shared>>
        tpu.wait_indirect_dma semaphore(%run_scoped3A_438 : memref<!tpu.dma_semaphore, #tpu.memory_space<semaphore_mem>>) src(%arg10 : memref<125x128xf32, #tpu.memory_space<vmem>>) dst(%dma_wait3A_450 : memref<10240x128xf32, #tpu.memory_space<vmem_shared>>)
        tpu.yield
      }) : () -> ()
      %add3A_278 = arith.constant 4 : i32
      %add3A_279 = arith.addi %add3A_249, %add3A_278 : i32
      %min3A_280 = arith.constant 79 : i32
      %min3A_281 = arith.minsi %add3A_279, %min3A_280 : i32
      %dma_start3A_282 = arith.constant 1 : i32
      %dma_start3A_283 = arith.constant 0 : i32
      %dma_start3A_284 = arith.constant 0 : i32
      %dma_start3A_285 = tpu.memref_slice %arg8[%dma_start3A_282, %dma_start3A_283, %dma_start3A_284] : memref<4x1x125xi32, #tpu.memory_space<vmem>> -> memref<1x1x125xi32, #tpu.memory_space<vmem>>
      %dma_start3A_286 = tpu.memref_squeeze %dma_start3A_285 : memref<1x1x125xi32, #tpu.memory_space<vmem>> -> memref<1x125xi32, #tpu.memory_space<vmem>>
      %dma_start3A_287 = arith.constant 0 : i32
      %dma_start3A_288 = arith.constant 0 : i32
      %dma_start3A_289 = tpu.memref_slice %arg4[%add3A, %min3A_281, %dma_start3A_287, %dma_start3A_288] : memref<32x80x1x125xi32, #tpu.memory_space<hbm>> -> memref<1x1x1x125xi32, #tpu.memory_space<hbm>>
      %dma_start3A_290 = tpu.memref_squeeze %dma_start3A_289 : memref<1x1x1x125xi32, #tpu.memory_space<hbm>> -> memref<1x125xi32, #tpu.memory_space<hbm>>
      %dma_start3A_291 = arith.constant 0 : i32
      %dma_start3A_292 = arith.constant 0 : i32
      %dma_start3A_293 = tpu.memref_slice %arg8[%dma_start3A_282, %dma_start3A_291, %dma_start3A_292] : memref<4x1x125xi32, #tpu.memory_space<vmem>> -> memref<1x1x125xi32, #tpu.memory_space<vmem>>
      %dma_start3A_294 = tpu.memref_squeeze %dma_start3A_293 : memref<1x1x125xi32, #tpu.memory_space<vmem>> -> memref<1x125xi32, #tpu.memory_space<vmem>>
      %dma_start3A_295 = arith.constant 0 : i32
      %dma_start3A_296 = arith.constant 0 : i32
      %dma_start3A_297 = tpu.memref_slice %arg4[%add3A, %min3A_281, %dma_start3A_295, %dma_start3A_296] : memref<32x80x1x125xi32, #tpu.memory_space<hbm>> -> memref<1x1x1x125xi32, #tpu.memory_space<hbm>>
      %dma_start3A_298 = tpu.memref_squeeze %dma_start3A_297 : memref<1x1x1x125xi32, #tpu.memory_space<hbm>> -> memref<1x125xi32, #tpu.memory_space<hbm>>
      tpu.enqueue_dma source(%dma_start3A_298 : memref<1x125xi32, #tpu.memory_space<hbm>>) target(%dma_start3A_294 : memref<1x125xi32, #tpu.memory_space<vmem>>) target_semaphore(%arg15 : memref<!tpu.dma_semaphore, #tpu.memory_space<semaphore_mem>>)
      %add3A_299 = arith.constant 2 : i32
      %add3A_300 = arith.addi %add3A_249, %add3A_299 : i32
      %min3A_301 = arith.constant 79 : i32
      %min3A_302 = arith.minsi %add3A_300, %min3A_301 : i32
      %dma_start3A_303 = arith.constant 0 : i32
      %dma_start3A_304 = arith.constant 0 : i32
      %dma_start3A_305 = tpu.memref_slice %arg7[%min3A_302, %dma_start3A_303, %dma_start3A_304] : memref<80x1x125xi32, #tpu.memory_space<vmem>> -> memref<1x1x125xi32, #tpu.memory_space<vmem>>
      %dma_start3A_306 = tpu.memref_squeeze %dma_start3A_305 : memref<1x1x125xi32, #tpu.memory_space<vmem>> -> memref<125xi32, #tpu.memory_space<vmem>>
      %dma_start3A_307 = arith.constant 0 : i32
      %dma_start3A_308 = arith.constant 0 : i32
      %dma_start3A_309 = tpu.memref_slice %arg2[%dma_start3A_307, %dma_start3A_308] : memref<10240x128xf32, #tpu.memory_space<hbm>> -> memref<10240x128xf32, #tpu.memory_space<hbm>>
      tpu.enqueue_indirect_dma source(%dma_start3A_309 : memref<10240x128xf32, #tpu.memory_space<hbm>>) target(%arg10 : memref<125x128xf32, #tpu.memory_space<vmem>>) offsets(%dma_start3A_306 : memref<125xi32, #tpu.memory_space<vmem>>) semaphore(%arg13 : memref<!tpu.dma_semaphore, #tpu.memory_space<semaphore_mem>>)
      %mul3A_310 = arith.constant 4 : i32
      %mul3A_311 = arith.muli %scan3A_183, %mul3A_310 : i32
      %add3A_312 = arith.constant 2 : i32
      %add3A_313 = arith.addi %mul3A_311, %add3A_312 : i32
      %dma_wait3A_314 = arith.constant 2 : i32
      %dma_wait3A_315 = arith.constant 0 : i32
      %dma_wait3A_316 = arith.constant 0 : i32
      %dma_wait3A_317 = tpu.memref_slice %arg7[%dma_wait3A_314, %dma_wait3A_315, %dma_wait3A_316] : memref<80x1x125xi32, #tpu.memory_space<vmem>> -> memref<1x1x125xi32, #tpu.memory_space<vmem>>
      %dma_wait3A_318 = tpu.memref_squeeze %dma_wait3A_317 : memref<1x1x125xi32, #tpu.memory_space<vmem>> -> memref<125xi32, #tpu.memory_space<vmem>>
      %dma_wait3A_319 = arith.constant 0 : i32
      %dma_wait3A_320 = arith.constant 0 : i32
      %dma_wait3A_321 = tpu.memref_slice %arg2[%dma_wait3A_319, %dma_wait3A_320] : memref<10240x128xf32, #tpu.memory_space<hbm>> -> memref<10240x128xf32, #tpu.memory_space<hbm>>
      tpu.wait_indirect_dma semaphore(%arg12 : memref<!tpu.dma_semaphore, #tpu.memory_space<semaphore_mem>>) src(%dma_wait3A_321 : memref<10240x128xf32, #tpu.memory_space<hbm>>) dst(%arg9 : memref<125x128xf32, #tpu.memory_space<vmem>>)
      %dma_wait3A_322 = arith.constant 0 : i32
      %dma_wait3A_323 = arith.constant 2 : i32
      %dma_wait3A_324 = arith.constant 0 : i32
      %dma_wait3A_325 = arith.constant 0 : i32
      %dma_wait3A_326 = tpu.memref_slice %arg8[%dma_wait3A_323, %dma_wait3A_324, %dma_wait3A_325] : memref<4x1x125xi32, #tpu.memory_space<vmem>> -> memref<1x1x125xi32, #tpu.memory_space<vmem>>
      %dma_wait3A_327 = tpu.memref_squeeze %dma_wait3A_326 : memref<1x1x125xi32, #tpu.memory_space<vmem>> -> memref<1x125xi32, #tpu.memory_space<vmem>>
      %dma_wait3A_328 = arith.constant 0 : i32
      %dma_wait3A_329 = arith.constant 0 : i32
      %dma_wait3A_330 = tpu.memref_slice %arg4[%add3A, %dma_wait3A_322, %dma_wait3A_328, %dma_wait3A_329] : memref<32x80x1x125xi32, #tpu.memory_space<hbm>> -> memref<1x1x1x125xi32, #tpu.memory_space<hbm>>
      %dma_wait3A_331 = tpu.memref_squeeze %dma_wait3A_330 : memref<1x1x1x125xi32, #tpu.memory_space<hbm>> -> memref<1x125xi32, #tpu.memory_space<hbm>>
      %dma_wait3A_332 = arith.constant 0 : i32
      %dma_wait3A_333 = arith.constant 0 : i32
      %dma_wait3A_334 = tpu.memref_slice %arg8[%dma_wait3A_323, %dma_wait3A_332, %dma_wait3A_333] : memref<4x1x125xi32, #tpu.memory_space<vmem>> -> memref<1x1x125xi32, #tpu.memory_space<vmem>>
      %dma_wait3A_335 = tpu.memref_squeeze %dma_wait3A_334 : memref<1x1x125xi32, #tpu.memory_space<vmem>> -> memref<1x125xi32, #tpu.memory_space<vmem>>
      %dma_wait3A_336 = arith.constant 0 : i32
      %dma_wait3A_337 = arith.constant 0 : i32
      %dma_wait3A_338 = tpu.memref_slice %arg4[%add3A, %dma_wait3A_322, %dma_wait3A_336, %dma_wait3A_337] : memref<32x80x1x125xi32, #tpu.memory_space<hbm>> -> memref<1x1x1x125xi32, #tpu.memory_space<hbm>>
      %dma_wait3A_339 = tpu.memref_squeeze %dma_wait3A_338 : memref<1x1x1x125xi32, #tpu.memory_space<hbm>> -> memref<1x125xi32, #tpu.memory_space<hbm>>
      tpu.wait_dma2 semaphore(%arg16 : memref<!tpu.dma_semaphore, #tpu.memory_space<semaphore_mem>>) src(%dma_wait3A_339 : memref<1x125xi32, #tpu.memory_space<hbm>>) dst(%dma_wait3A_335 : memref<1x125xi32, #tpu.memory_space<vmem>>)
      %run_scoped3A_340 = arith.constant 2 : i32
      %run_scoped3A_341 = arith.constant 0 : i32
      "tpu.region"() ({
        %run_scoped3A_438 = tpu.sem_alloc : memref<!tpu.dma_semaphore, #tpu.memory_space<semaphore_mem>>
        %dma_start3A_439 = arith.constant 0 : i32
        %dma_start3A_440 = tpu.memref_slice %arg8[%run_scoped3A_340, %run_scoped3A_341, %dma_start3A_439] : memref<4x1x125xi32, #tpu.memory_space<vmem>> -> memref<1x1x125xi32, #tpu.memory_space<vmem>>
        %dma_start3A_441 = tpu.memref_squeeze %dma_start3A_440 : memref<1x1x125xi32, #tpu.memory_space<vmem>> -> memref<125xi32, #tpu.memory_space<vmem>>
        %dma_start3A_442 = arith.constant 0 : i32
        %dma_start3A_443 = arith.constant 0 : i32
        %dma_start3A_444 = tpu.memref_slice %arg11[%dma_start3A_442, %dma_start3A_443] : memref<10240x128xf32, #tpu.memory_space<vmem_shared>> -> memref<10240x128xf32, #tpu.memory_space<vmem_shared>>
        tpu.enqueue_indirect_dma source(%arg9 : memref<125x128xf32, #tpu.memory_space<vmem>>) target(%dma_start3A_444 : memref<10240x128xf32, #tpu.memory_space<vmem_shared>>) offsets(%dma_start3A_441 : memref<125xi32, #tpu.memory_space<vmem>>) semaphore(%run_scoped3A_438 : memref<!tpu.dma_semaphore, #tpu.memory_space<semaphore_mem>>) {add = true}
        %dma_wait3A_445 = arith.constant 0 : i32
        %dma_wait3A_446 = tpu.memref_slice %arg8[%run_scoped3A_340, %run_scoped3A_341, %dma_wait3A_445] : memref<4x1x125xi32, #tpu.memory_space<vmem>> -> memref<1x1x125xi32, #tpu.memory_space<vmem>>
        %dma_wait3A_447 = tpu.memref_squeeze %dma_wait3A_446 : memref<1x1x125xi32, #tpu.memory_space<vmem>> -> memref<125xi32, #tpu.memory_space<vmem>>
        %dma_wait3A_448 = arith.constant 0 : i32
        %dma_wait3A_449 = arith.constant 0 : i32
        %dma_wait3A_450 = tpu.memref_slice %arg11[%dma_wait3A_448, %dma_wait3A_449] : memref<10240x128xf32, #tpu.memory_space<vmem_shared>> -> memref<10240x128xf32, #tpu.memory_space<vmem_shared>>
        tpu.wait_indirect_dma semaphore(%run_scoped3A_438 : memref<!tpu.dma_semaphore, #tpu.memory_space<semaphore_mem>>) src(%arg9 : memref<125x128xf32, #tpu.memory_space<vmem>>) dst(%dma_wait3A_450 : memref<10240x128xf32, #tpu.memory_space<vmem_shared>>)
        tpu.yield
      }) : () -> ()
      %add3A_342 = arith.constant 4 : i32
      %add3A_343 = arith.addi %add3A_313, %add3A_342 : i32
      %min3A_344 = arith.constant 79 : i32
      %min3A_345 = arith.minsi %add3A_343, %min3A_344 : i32
      %dma_start3A_346 = arith.constant 2 : i32
      %dma_start3A_347 = arith.constant 0 : i32
      %dma_start3A_348 = arith.constant 0 : i32
      %dma_start3A_349 = tpu.memref_slice %arg8[%dma_start3A_346, %dma_start3A_347, %dma_start3A_348] : memref<4x1x125xi32, #tpu.memory_space<vmem>> -> memref<1x1x125xi32, #tpu.memory_space<vmem>>
      %dma_start3A_350 = tpu.memref_squeeze %dma_start3A_349 : memref<1x1x125xi32, #tpu.memory_space<vmem>> -> memref<1x125xi32, #tpu.memory_space<vmem>>
      %dma_start3A_351 = arith.constant 0 : i32
      %dma_start3A_352 = arith.constant 0 : i32
      %dma_start3A_353 = tpu.memref_slice %arg4[%add3A, %min3A_345, %dma_start3A_351, %dma_start3A_352] : memref<32x80x1x125xi32, #tpu.memory_space<hbm>> -> memref<1x1x1x125xi32, #tpu.memory_space<hbm>>
      %dma_start3A_354 = tpu.memref_squeeze %dma_start3A_353 : memref<1x1x1x125xi32, #tpu.memory_space<hbm>> -> memref<1x125xi32, #tpu.memory_space<hbm>>
      %dma_start3A_355 = arith.constant 0 : i32
      %dma_start3A_356 = arith.constant 0 : i32
      %dma_start3A_357 = tpu.memref_slice %arg8[%dma_start3A_346, %dma_start3A_355, %dma_start3A_356] : memref<4x1x125xi32, #tpu.memory_space<vmem>> -> memref<1x1x125xi32, #tpu.memory_space<vmem>>
      %dma_start3A_358 = tpu.memref_squeeze %dma_start3A_357 : memref<1x1x125xi32, #tpu.memory_space<vmem>> -> memref<1x125xi32, #tpu.memory_space<vmem>>
      %dma_start3A_359 = arith.constant 0 : i32
      %dma_start3A_360 = arith.constant 0 : i32
      %dma_start3A_361 = tpu.memref_slice %arg4[%add3A, %min3A_345, %dma_start3A_359, %dma_start3A_360] : memref<32x80x1x125xi32, #tpu.memory_space<hbm>> -> memref<1x1x1x125xi32, #tpu.memory_space<hbm>>
      %dma_start3A_362 = tpu.memref_squeeze %dma_start3A_361 : memref<1x1x1x125xi32, #tpu.memory_space<hbm>> -> memref<1x125xi32, #tpu.memory_space<hbm>>
      tpu.enqueue_dma source(%dma_start3A_362 : memref<1x125xi32, #tpu.memory_space<hbm>>) target(%dma_start3A_358 : memref<1x125xi32, #tpu.memory_space<vmem>>) target_semaphore(%arg16 : memref<!tpu.dma_semaphore, #tpu.memory_space<semaphore_mem>>)
      %add3A_363 = arith.constant 2 : i32
      %add3A_364 = arith.addi %add3A_313, %add3A_363 : i32
      %min3A_365 = arith.constant 79 : i32
      %min3A_366 = arith.minsi %add3A_364, %min3A_365 : i32
      %dma_start3A_367 = arith.constant 0 : i32
      %dma_start3A_368 = arith.constant 0 : i32
      %dma_start3A_369 = tpu.memref_slice %arg7[%min3A_366, %dma_start3A_367, %dma_start3A_368] : memref<80x1x125xi32, #tpu.memory_space<vmem>> -> memref<1x1x125xi32, #tpu.memory_space<vmem>>
      %dma_start3A_370 = tpu.memref_squeeze %dma_start3A_369 : memref<1x1x125xi32, #tpu.memory_space<vmem>> -> memref<125xi32, #tpu.memory_space<vmem>>
      %dma_start3A_371 = arith.constant 0 : i32
      %dma_start3A_372 = arith.constant 0 : i32
      %dma_start3A_373 = tpu.memref_slice %arg2[%dma_start3A_371, %dma_start3A_372] : memref<10240x128xf32, #tpu.memory_space<hbm>> -> memref<10240x128xf32, #tpu.memory_space<hbm>>
      tpu.enqueue_indirect_dma source(%dma_start3A_373 : memref<10240x128xf32, #tpu.memory_space<hbm>>) target(%arg9 : memref<125x128xf32, #tpu.memory_space<vmem>>) offsets(%dma_start3A_370 : memref<125xi32, #tpu.memory_space<vmem>>) semaphore(%arg12 : memref<!tpu.dma_semaphore, #tpu.memory_space<semaphore_mem>>)
      %mul3A_374 = arith.constant 4 : i32
      %mul3A_375 = arith.muli %scan3A_183, %mul3A_374 : i32
      %add3A_376 = arith.constant 3 : i32
      %add3A_377 = arith.addi %mul3A_375, %add3A_376 : i32
      %dma_wait3A_378 = arith.constant 3 : i32
      %dma_wait3A_379 = arith.constant 0 : i32
      %dma_wait3A_380 = arith.constant 0 : i32
      %dma_wait3A_381 = tpu.memref_slice %arg7[%dma_wait3A_378, %dma_wait3A_379, %dma_wait3A_380] : memref<80x1x125xi32, #tpu.memory_space<vmem>> -> memref<1x1x125xi32, #tpu.memory_space<vmem>>
      %dma_wait3A_382 = tpu.memref_squeeze %dma_wait3A_381 : memref<1x1x125xi32, #tpu.memory_space<vmem>> -> memref<125xi32, #tpu.memory_space<vmem>>
      %dma_wait3A_383 = arith.constant 0 : i32
      %dma_wait3A_384 = arith.constant 0 : i32
      %dma_wait3A_385 = tpu.memref_slice %arg2[%dma_wait3A_383, %dma_wait3A_384] : memref<10240x128xf32, #tpu.memory_space<hbm>> -> memref<10240x128xf32, #tpu.memory_space<hbm>>
      tpu.wait_indirect_dma semaphore(%arg13 : memref<!tpu.dma_semaphore, #tpu.memory_space<semaphore_mem>>) src(%dma_wait3A_385 : memref<10240x128xf32, #tpu.memory_space<hbm>>) dst(%arg10 : memref<125x128xf32, #tpu.memory_space<vmem>>)
      %dma_wait3A_386 = arith.constant 0 : i32
      %dma_wait3A_387 = arith.constant 3 : i32
      %dma_wait3A_388 = arith.constant 0 : i32
      %dma_wait3A_389 = arith.constant 0 : i32
      %dma_wait3A_390 = tpu.memref_slice %arg8[%dma_wait3A_387, %dma_wait3A_388, %dma_wait3A_389] : memref<4x1x125xi32, #tpu.memory_space<vmem>> -> memref<1x1x125xi32, #tpu.memory_space<vmem>>
      %dma_wait3A_391 = tpu.memref_squeeze %dma_wait3A_390 : memref<1x1x125xi32, #tpu.memory_space<vmem>> -> memref<1x125xi32, #tpu.memory_space<vmem>>
      %dma_wait3A_392 = arith.constant 0 : i32
      %dma_wait3A_393 = arith.constant 0 : i32
      %dma_wait3A_394 = tpu.memref_slice %arg4[%add3A, %dma_wait3A_386, %dma_wait3A_392, %dma_wait3A_393] : memref<32x80x1x125xi32, #tpu.memory_space<hbm>> -> memref<1x1x1x125xi32, #tpu.memory_space<hbm>>
      %dma_wait3A_395 = tpu.memref_squeeze %dma_wait3A_394 : memref<1x1x1x125xi32, #tpu.memory_space<hbm>> -> memref<1x125xi32, #tpu.memory_space<hbm>>
      %dma_wait3A_396 = arith.constant 0 : i32
      %dma_wait3A_397 = arith.constant 0 : i32
      %dma_wait3A_398 = tpu.memref_slice %arg8[%dma_wait3A_387, %dma_wait3A_396, %dma_wait3A_397] : memref<4x1x125xi32, #tpu.memory_space<vmem>> -> memref<1x1x125xi32, #tpu.memory_space<vmem>>
      %dma_wait3A_399 = tpu.memref_squeeze %dma_wait3A_398 : memref<1x1x125xi32, #tpu.memory_space<vmem>> -> memref<1x125xi32, #tpu.memory_space<vmem>>
      %dma_wait3A_400 = arith.constant 0 : i32
      %dma_wait3A_401 = arith.constant 0 : i32
      %dma_wait3A_402 = tpu.memref_slice %arg4[%add3A, %dma_wait3A_386, %dma_wait3A_400, %dma_wait3A_401] : memref<32x80x1x125xi32, #tpu.memory_space<hbm>> -> memref<1x1x1x125xi32, #tpu.memory_space<hbm>>
      %dma_wait3A_403 = tpu.memref_squeeze %dma_wait3A_402 : memref<1x1x1x125xi32, #tpu.memory_space<hbm>> -> memref<1x125xi32, #tpu.memory_space<hbm>>
      tpu.wait_dma2 semaphore(%arg17 : memref<!tpu.dma_semaphore, #tpu.memory_space<semaphore_mem>>) src(%dma_wait3A_403 : memref<1x125xi32, #tpu.memory_space<hbm>>) dst(%dma_wait3A_399 : memref<1x125xi32, #tpu.memory_space<vmem>>)
      %run_scoped3A_404 = arith.constant 3 : i32
      %run_scoped3A_405 = arith.constant 0 : i32
      "tpu.region"() ({
        %run_scoped3A_438 = tpu.sem_alloc : memref<!tpu.dma_semaphore, #tpu.memory_space<semaphore_mem>>
        %dma_start3A_439 = arith.constant 0 : i32
        %dma_start3A_440 = tpu.memref_slice %arg8[%run_scoped3A_404, %run_scoped3A_405, %dma_start3A_439] : memref<4x1x125xi32, #tpu.memory_space<vmem>> -> memref<1x1x125xi32, #tpu.memory_space<vmem>>
        %dma_start3A_441 = tpu.memref_squeeze %dma_start3A_440 : memref<1x1x125xi32, #tpu.memory_space<vmem>> -> memref<125xi32, #tpu.memory_space<vmem>>
        %dma_start3A_442 = arith.constant 0 : i32
        %dma_start3A_443 = arith.constant 0 : i32
        %dma_start3A_444 = tpu.memref_slice %arg11[%dma_start3A_442, %dma_start3A_443] : memref<10240x128xf32, #tpu.memory_space<vmem_shared>> -> memref<10240x128xf32, #tpu.memory_space<vmem_shared>>
        tpu.enqueue_indirect_dma source(%arg10 : memref<125x128xf32, #tpu.memory_space<vmem>>) target(%dma_start3A_444 : memref<10240x128xf32, #tpu.memory_space<vmem_shared>>) offsets(%dma_start3A_441 : memref<125xi32, #tpu.memory_space<vmem>>) semaphore(%run_scoped3A_438 : memref<!tpu.dma_semaphore, #tpu.memory_space<semaphore_mem>>) {add = true}
        %dma_wait3A_445 = arith.constant 0 : i32
        %dma_wait3A_446 = tpu.memref_slice %arg8[%run_scoped3A_404, %run_scoped3A_405, %dma_wait3A_445] : memref<4x1x125xi32, #tpu.memory_space<vmem>> -> memref<1x1x125xi32, #tpu.memory_space<vmem>>
        %dma_wait3A_447 = tpu.memref_squeeze %dma_wait3A_446 : memref<1x1x125xi32, #tpu.memory_space<vmem>> -> memref<125xi32, #tpu.memory_space<vmem>>
        %dma_wait3A_448 = arith.constant 0 : i32
        %dma_wait3A_449 = arith.constant 0 : i32
        %dma_wait3A_450 = tpu.memref_slice %arg11[%dma_wait3A_448, %dma_wait3A_449] : memref<10240x128xf32, #tpu.memory_space<vmem_shared>> -> memref<10240x128xf32, #tpu.memory_space<vmem_shared>>
        tpu.wait_indirect_dma semaphore(%run_scoped3A_438 : memref<!tpu.dma_semaphore, #tpu.memory_space<semaphore_mem>>) src(%arg10 : memref<125x128xf32, #tpu.memory_space<vmem>>) dst(%dma_wait3A_450 : memref<10240x128xf32, #tpu.memory_space<vmem_shared>>)
        tpu.yield
      }) : () -> ()
      %add3A_406 = arith.constant 4 : i32
      %add3A_407 = arith.addi %add3A_377, %add3A_406 : i32
      %min3A_408 = arith.constant 79 : i32
      %min3A_409 = arith.minsi %add3A_407, %min3A_408 : i32
      %dma_start3A_410 = arith.constant 3 : i32
      %dma_start3A_411 = arith.constant 0 : i32
      %dma_start3A_412 = arith.constant 0 : i32
      %dma_start3A_413 = tpu.memref_slice %arg8[%dma_start3A_410, %dma_start3A_411, %dma_start3A_412] : memref<4x1x125xi32, #tpu.memory_space<vmem>> -> memref<1x1x125xi32, #tpu.memory_space<vmem>>
      %dma_start3A_414 = tpu.memref_squeeze %dma_start3A_413 : memref<1x1x125xi32, #tpu.memory_space<vmem>> -> memref<1x125xi32, #tpu.memory_space<vmem>>
      %dma_start3A_415 = arith.constant 0 : i32
      %dma_start3A_416 = arith.constant 0 : i32
      %dma_start3A_417 = tpu.memref_slice %arg4[%add3A, %min3A_409, %dma_start3A_415, %dma_start3A_416] : memref<32x80x1x125xi32, #tpu.memory_space<hbm>> -> memref<1x1x1x125xi32, #tpu.memory_space<hbm>>
      %dma_start3A_418 = tpu.memref_squeeze %dma_start3A_417 : memref<1x1x1x125xi32, #tpu.memory_space<hbm>> -> memref<1x125xi32, #tpu.memory_space<hbm>>
      %dma_start3A_419 = arith.constant 0 : i32
      %dma_start3A_420 = arith.constant 0 : i32
      %dma_start3A_421 = tpu.memref_slice %arg8[%dma_start3A_410, %dma_start3A_419, %dma_start3A_420] : memref<4x1x125xi32, #tpu.memory_space<vmem>> -> memref<1x1x125xi32, #tpu.memory_space<vmem>>
      %dma_start3A_422 = tpu.memref_squeeze %dma_start3A_421 : memref<1x1x125xi32, #tpu.memory_space<vmem>> -> memref<1x125xi32, #tpu.memory_space<vmem>>
      %dma_start3A_423 = arith.constant 0 : i32
      %dma_start3A_424 = arith.constant 0 : i32
      %dma_start3A_425 = tpu.memref_slice %arg4[%add3A, %min3A_409, %dma_start3A_423, %dma_start3A_424] : memref<32x80x1x125xi32, #tpu.memory_space<hbm>> -> memref<1x1x1x125xi32, #tpu.memory_space<hbm>>
      %dma_start3A_426 = tpu.memref_squeeze %dma_start3A_425 : memref<1x1x1x125xi32, #tpu.memory_space<hbm>> -> memref<1x125xi32, #tpu.memory_space<hbm>>
      tpu.enqueue_dma source(%dma_start3A_426 : memref<1x125xi32, #tpu.memory_space<hbm>>) target(%dma_start3A_422 : memref<1x125xi32, #tpu.memory_space<vmem>>) target_semaphore(%arg17 : memref<!tpu.dma_semaphore, #tpu.memory_space<semaphore_mem>>)
      %add3A_427 = arith.constant 2 : i32
      %add3A_428 = arith.addi %add3A_377, %add3A_427 : i32
      %min3A_429 = arith.constant 79 : i32
      %min3A_430 = arith.minsi %add3A_428, %min3A_429 : i32
      %dma_start3A_431 = arith.constant 0 : i32
      %dma_start3A_432 = arith.constant 0 : i32
      %dma_start3A_433 = tpu.memref_slice %arg7[%min3A_430, %dma_start3A_431, %dma_start3A_432] : memref<80x1x125xi32, #tpu.memory_space<vmem>> -> memref<1x1x125xi32, #tpu.memory_space<vmem>>
      %dma_start3A_434 = tpu.memref_squeeze %dma_start3A_433 : memref<1x1x125xi32, #tpu.memory_space<vmem>> -> memref<125xi32, #tpu.memory_space<vmem>>
      %dma_start3A_435 = arith.constant 0 : i32
      %dma_start3A_436 = arith.constant 0 : i32
      %dma_start3A_437 = tpu.memref_slice %arg2[%dma_start3A_435, %dma_start3A_436] : memref<10240x128xf32, #tpu.memory_space<hbm>> -> memref<10240x128xf32, #tpu.memory_space<hbm>>
      tpu.enqueue_indirect_dma source(%dma_start3A_437 : memref<10240x128xf32, #tpu.memory_space<hbm>>) target(%arg10 : memref<125x128xf32, #tpu.memory_space<vmem>>) offsets(%dma_start3A_434 : memref<125xi32, #tpu.memory_space<vmem>>) semaphore(%arg13 : memref<!tpu.dma_semaphore, #tpu.memory_space<semaphore_mem>>)
    }
    %scan3A_94 = arith.constant 20 : i32
    %dma_wait3A = arith.constant 0 : i32
    %dma_wait3A_95 = arith.constant 0 : i32
    %dma_wait3A_96 = arith.constant 0 : i32
    %dma_wait3A_97 = tpu.memref_slice %arg7[%dma_wait3A, %dma_wait3A_95, %dma_wait3A_96] : memref<80x1x125xi32, #tpu.memory_space<vmem>> -> memref<1x1x125xi32, #tpu.memory_space<vmem>>
    %dma_wait3A_98 = tpu.memref_squeeze %dma_wait3A_97 : memref<1x1x125xi32, #tpu.memory_space<vmem>> -> memref<125xi32, #tpu.memory_space<vmem>>
    %dma_wait3A_99 = arith.constant 0 : i32
    %dma_wait3A_100 = arith.constant 0 : i32
    %dma_wait3A_101 = tpu.memref_slice %arg2[%dma_wait3A_99, %dma_wait3A_100] : memref<10240x128xf32, #tpu.memory_space<hbm>> -> memref<10240x128xf32, #tpu.memory_space<hbm>>
    tpu.wait_indirect_dma semaphore(%arg12 : memref<!tpu.dma_semaphore, #tpu.memory_space<semaphore_mem>>) src(%dma_wait3A_101 : memref<10240x128xf32, #tpu.memory_space<hbm>>) dst(%arg9 : memref<125x128xf32, #tpu.memory_space<vmem>>)
    %dma_wait3A_102 = arith.constant 1 : i32
    %dma_wait3A_103 = arith.constant 0 : i32
    %dma_wait3A_104 = arith.constant 0 : i32
    %dma_wait3A_105 = tpu.memref_slice %arg7[%dma_wait3A_102, %dma_wait3A_103, %dma_wait3A_104] : memref<80x1x125xi32, #tpu.memory_space<vmem>> -> memref<1x1x125xi32, #tpu.memory_space<vmem>>
    %dma_wait3A_106 = tpu.memref_squeeze %dma_wait3A_105 : memref<1x1x125xi32, #tpu.memory_space<vmem>> -> memref<125xi32, #tpu.memory_space<vmem>>
    %dma_wait3A_107 = arith.constant 0 : i32
    %dma_wait3A_108 = arith.constant 0 : i32
    %dma_wait3A_109 = tpu.memref_slice %arg2[%dma_wait3A_107, %dma_wait3A_108] : memref<10240x128xf32, #tpu.memory_space<hbm>> -> memref<10240x128xf32, #tpu.memory_space<hbm>>
    tpu.wait_indirect_dma semaphore(%arg13 : memref<!tpu.dma_semaphore, #tpu.memory_space<semaphore_mem>>) src(%dma_wait3A_109 : memref<10240x128xf32, #tpu.memory_space<hbm>>) dst(%arg10 : memref<125x128xf32, #tpu.memory_space<vmem>>)
    %dma_wait3A_110 = arith.constant 0 : i32
    %dma_wait3A_111 = arith.constant 0 : i32
    %dma_wait3A_112 = arith.constant 0 : i32
    %dma_wait3A_113 = arith.constant 0 : i32
    %dma_wait3A_114 = tpu.memref_slice %arg8[%dma_wait3A_111, %dma_wait3A_112, %dma_wait3A_113] : memref<4x1x125xi32, #tpu.memory_space<vmem>> -> memref<1x1x125xi32, #tpu.memory_space<vmem>>
    %dma_wait3A_115 = tpu.memref_squeeze %dma_wait3A_114 : memref<1x1x125xi32, #tpu.memory_space<vmem>> -> memref<1x125xi32, #tpu.memory_space<vmem>>
    %dma_wait3A_116 = arith.constant 0 : i32
    %dma_wait3A_117 = arith.constant 0 : i32
    %dma_wait3A_118 = tpu.memref_slice %arg4[%add3A, %dma_wait3A_110, %dma_wait3A_116, %dma_wait3A_117] : memref<32x80x1x125xi32, #tpu.memory_space<hbm>> -> memref<1x1x1x125xi32, #tpu.memory_space<hbm>>
    %dma_wait3A_119 = tpu.memref_squeeze %dma_wait3A_118 : memref<1x1x1x125xi32, #tpu.memory_space<hbm>> -> memref<1x125xi32, #tpu.memory_space<hbm>>
    %dma_wait3A_120 = arith.constant 0 : i32
    %dma_wait3A_121 = arith.constant 0 : i32
    %dma_wait3A_122 = tpu.memref_slice %arg8[%dma_wait3A_111, %dma_wait3A_120, %dma_wait3A_121] : memref<4x1x125xi32, #tpu.memory_space<vmem>> -> memref<1x1x125xi32, #tpu.memory_space<vmem>>
    %dma_wait3A_123 = tpu.memref_squeeze %dma_wait3A_122 : memref<1x1x125xi32, #tpu.memory_space<vmem>> -> memref<1x125xi32, #tpu.memory_space<vmem>>
    %dma_wait3A_124 = arith.constant 0 : i32
    %dma_wait3A_125 = arith.constant 0 : i32
    %dma_wait3A_126 = tpu.memref_slice %arg4[%add3A, %dma_wait3A_110, %dma_wait3A_124, %dma_wait3A_125] : memref<32x80x1x125xi32, #tpu.memory_space<hbm>> -> memref<1x1x1x125xi32, #tpu.memory_space<hbm>>
    %dma_wait3A_127 = tpu.memref_squeeze %dma_wait3A_126 : memref<1x1x1x125xi32, #tpu.memory_space<hbm>> -> memref<1x125xi32, #tpu.memory_space<hbm>>
    tpu.wait_dma2 semaphore(%arg14 : memref<!tpu.dma_semaphore, #tpu.memory_space<semaphore_mem>>) src(%dma_wait3A_127 : memref<1x125xi32, #tpu.memory_space<hbm>>) dst(%dma_wait3A_123 : memref<1x125xi32, #tpu.memory_space<vmem>>)
    %dma_wait3A_128 = arith.constant 0 : i32
    %dma_wait3A_129 = arith.constant 1 : i32
    %dma_wait3A_130 = arith.constant 0 : i32
    %dma_wait3A_131 = arith.constant 0 : i32
    %dma_wait3A_132 = tpu.memref_slice %arg8[%dma_wait3A_129, %dma_wait3A_130, %dma_wait3A_131] : memref<4x1x125xi32, #tpu.memory_space<vmem>> -> memref<1x1x125xi32, #tpu.memory_space<vmem>>
    %dma_wait3A_133 = tpu.memref_squeeze %dma_wait3A_132 : memref<1x1x125xi32, #tpu.memory_space<vmem>> -> memref<1x125xi32, #tpu.memory_space<vmem>>
    %dma_wait3A_134 = arith.constant 0 : i32
    %dma_wait3A_135 = arith.constant 0 : i32
    %dma_wait3A_136 = tpu.memref_slice %arg4[%add3A, %dma_wait3A_128, %dma_wait3A_134, %dma_wait3A_135] : memref<32x80x1x125xi32, #tpu.memory_space<hbm>> -> memref<1x1x1x125xi32, #tpu.memory_space<hbm>>
    %dma_wait3A_137 = tpu.memref_squeeze %dma_wait3A_136 : memref<1x1x1x125xi32, #tpu.memory_space<hbm>> -> memref<1x125xi32, #tpu.memory_space<hbm>>
    %dma_wait3A_138 = arith.constant 0 : i32
    %dma_wait3A_139 = arith.constant 0 : i32
    %dma_wait3A_140 = tpu.memref_slice %arg8[%dma_wait3A_129, %dma_wait3A_138, %dma_wait3A_139] : memref<4x1x125xi32, #tpu.memory_space<vmem>> -> memref<1x1x125xi32, #tpu.memory_space<vmem>>
    %dma_wait3A_141 = tpu.memref_squeeze %dma_wait3A_140 : memref<1x1x125xi32, #tpu.memory_space<vmem>> -> memref<1x125xi32, #tpu.memory_space<vmem>>
    %dma_wait3A_142 = arith.constant 0 : i32
    %dma_wait3A_143 = arith.constant 0 : i32
    %dma_wait3A_144 = tpu.memref_slice %arg4[%add3A, %dma_wait3A_128, %dma_wait3A_142, %dma_wait3A_143] : memref<32x80x1x125xi32, #tpu.memory_space<hbm>> -> memref<1x1x1x125xi32, #tpu.memory_space<hbm>>
    %dma_wait3A_145 = tpu.memref_squeeze %dma_wait3A_144 : memref<1x1x1x125xi32, #tpu.memory_space<hbm>> -> memref<1x125xi32, #tpu.memory_space<hbm>>
    tpu.wait_dma2 semaphore(%arg15 : memref<!tpu.dma_semaphore, #tpu.memory_space<semaphore_mem>>) src(%dma_wait3A_145 : memref<1x125xi32, #tpu.memory_space<hbm>>) dst(%dma_wait3A_141 : memref<1x125xi32, #tpu.memory_space<vmem>>)
    %dma_wait3A_146 = arith.constant 0 : i32
    %dma_wait3A_147 = arith.constant 2 : i32
    %dma_wait3A_148 = arith.constant 0 : i32
    %dma_wait3A_149 = arith.constant 0 : i32
    %dma_wait3A_150 = tpu.memref_slice %arg8[%dma_wait3A_147, %dma_wait3A_148, %dma_wait3A_149] : memref<4x1x125xi32, #tpu.memory_space<vmem>> -> memref<1x1x125xi32, #tpu.memory_space<vmem>>
    %dma_wait3A_151 = tpu.memref_squeeze %dma_wait3A_150 : memref<1x1x125xi32, #tpu.memory_space<vmem>> -> memref<1x125xi32, #tpu.memory_space<vmem>>
    %dma_wait3A_152 = arith.constant 0 : i32
    %dma_wait3A_153 = arith.constant 0 : i32
    %dma_wait3A_154 = tpu.memref_slice %arg4[%add3A, %dma_wait3A_146, %dma_wait3A_152, %dma_wait3A_153] : memref<32x80x1x125xi32, #tpu.memory_space<hbm>> -> memref<1x1x1x125xi32, #tpu.memory_space<hbm>>
    %dma_wait3A_155 = tpu.memref_squeeze %dma_wait3A_154 : memref<1x1x1x125xi32, #tpu.memory_space<hbm>> -> memref<1x125xi32, #tpu.memory_space<hbm>>
    %dma_wait3A_156 = arith.constant 0 : i32
    %dma_wait3A_157 = arith.constant 0 : i32
    %dma_wait3A_158 = tpu.memref_slice %arg8[%dma_wait3A_147, %dma_wait3A_156, %dma_wait3A_157] : memref<4x1x125xi32, #tpu.memory_space<vmem>> -> memref<1x1x125xi32, #tpu.memory_space<vmem>>
    %dma_wait3A_159 = tpu.memref_squeeze %dma_wait3A_158 : memref<1x1x125xi32, #tpu.memory_space<vmem>> -> memref<1x125xi32, #tpu.memory_space<vmem>>
    %dma_wait3A_160 = arith.constant 0 : i32
    %dma_wait3A_161 = arith.constant 0 : i32
    %dma_wait3A_162 = tpu.memref_slice %arg4[%add3A, %dma_wait3A_146, %dma_wait3A_160, %dma_wait3A_161] : memref<32x80x1x125xi32, #tpu.memory_space<hbm>> -> memref<1x1x1x125xi32, #tpu.memory_space<hbm>>
    %dma_wait3A_163 = tpu.memref_squeeze %dma_wait3A_162 : memref<1x1x1x125xi32, #tpu.memory_space<hbm>> -> memref<1x125xi32, #tpu.memory_space<hbm>>
    tpu.wait_dma2 semaphore(%arg16 : memref<!tpu.dma_semaphore, #tpu.memory_space<semaphore_mem>>) src(%dma_wait3A_163 : memref<1x125xi32, #tpu.memory_space<hbm>>) dst(%dma_wait3A_159 : memref<1x125xi32, #tpu.memory_space<vmem>>)
    %dma_wait3A_164 = arith.constant 0 : i32
    %dma_wait3A_165 = arith.constant 3 : i32
    %dma_wait3A_166 = arith.constant 0 : i32
    %dma_wait3A_167 = arith.constant 0 : i32
    %dma_wait3A_168 = tpu.memref_slice %arg8[%dma_wait3A_165, %dma_wait3A_166, %dma_wait3A_167] : memref<4x1x125xi32, #tpu.memory_space<vmem>> -> memref<1x1x125xi32, #tpu.memory_space<vmem>>
    %dma_wait3A_169 = tpu.memref_squeeze %dma_wait3A_168 : memref<1x1x125xi32, #tpu.memory_space<vmem>> -> memref<1x125xi32, #tpu.memory_space<vmem>>
    %dma_wait3A_170 = arith.constant 0 : i32
    %dma_wait3A_171 = arith.constant 0 : i32
    %dma_wait3A_172 = tpu.memref_slice %arg4[%add3A, %dma_wait3A_164, %dma_wait3A_170, %dma_wait3A_171] : memref<32x80x1x125xi32, #tpu.memory_space<hbm>> -> memref<1x1x1x125xi32, #tpu.memory_space<hbm>>
    %dma_wait3A_173 = tpu.memref_squeeze %dma_wait3A_172 : memref<1x1x1x125xi32, #tpu.memory_space<hbm>> -> memref<1x125xi32, #tpu.memory_space<hbm>>
    %dma_wait3A_174 = arith.constant 0 : i32
    %dma_wait3A_175 = arith.constant 0 : i32
    %dma_wait3A_176 = tpu.memref_slice %arg8[%dma_wait3A_165, %dma_wait3A_174, %dma_wait3A_175] : memref<4x1x125xi32, #tpu.memory_space<vmem>> -> memref<1x1x125xi32, #tpu.memory_space<vmem>>
    %dma_wait3A_177 = tpu.memref_squeeze %dma_wait3A_176 : memref<1x1x125xi32, #tpu.memory_space<vmem>> -> memref<1x125xi32, #tpu.memory_space<vmem>>
    %dma_wait3A_178 = arith.constant 0 : i32
    %dma_wait3A_179 = arith.constant 0 : i32
    %dma_wait3A_180 = tpu.memref_slice %arg4[%add3A, %dma_wait3A_164, %dma_wait3A_178, %dma_wait3A_179] : memref<32x80x1x125xi32, #tpu.memory_space<hbm>> -> memref<1x1x1x125xi32, #tpu.memory_space<hbm>>
    %dma_wait3A_181 = tpu.memref_squeeze %dma_wait3A_180 : memref<1x1x1x125xi32, #tpu.memory_space<hbm>> -> memref<1x125xi32, #tpu.memory_space<hbm>>
    tpu.wait_dma2 semaphore(%arg17 : memref<!tpu.dma_semaphore, #tpu.memory_space<semaphore_mem>>) src(%dma_wait3A_181 : memref<1x125xi32, #tpu.memory_space<hbm>>) dst(%dma_wait3A_177 : memref<1x125xi32, #tpu.memory_space<vmem>>)
    %barrier3A_182 = arith.constant 0 : index
    tpu.barrier barrier_id(%barrier3A_182)
    "tpu.region"() ({
      %run_scoped3A = tpu.sem_alloc : memref<!tpu.dma_semaphore, #tpu.memory_space<semaphore_mem>>
      %dma_start3A_183 = arith.constant 0 : i32
      %dma_start3A_184 = tpu.memref_slice %arg6[%arg0, %mul3A_2, %dma_start3A_183] : memref<2x10240x128xf32, #tpu.memory_space<hbm>> -> memref<1x640x128xf32, #tpu.memory_space<hbm>>
      %dma_start3A_185 = tpu.memref_squeeze %dma_start3A_184 : memref<1x640x128xf32, #tpu.memory_space<hbm>> -> memref<640x128xf32, #tpu.memory_space<hbm>>
      %dma_start3A_186 = arith.constant 0 : i32
      %dma_start3A_187 = tpu.memref_slice %arg11[%mul3A_2, %dma_start3A_186] : memref<10240x128xf32, #tpu.memory_space<vmem_shared>> -> memref<640x128xf32, #tpu.memory_space<vmem_shared>>
      tpu.enqueue_dma source(%dma_start3A_187 : memref<640x128xf32, #tpu.memory_space<vmem_shared>>) target(%dma_start3A_185 : memref<640x128xf32, #tpu.memory_space<hbm>>) target_semaphore(%run_scoped3A : memref<!tpu.dma_semaphore, #tpu.memory_space<semaphore_mem>>)
      %dma_wait3A_188 = arith.constant 0 : i32
      %dma_wait3A_189 = tpu.memref_slice %arg6[%arg0, %mul3A_2, %dma_wait3A_188] : memref<2x10240x128xf32, #tpu.memory_space<hbm>> -> memref<1x640x128xf32, #tpu.memory_space<hbm>>
      %dma_wait3A_190 = tpu.memref_squeeze %dma_wait3A_189 : memref<1x640x128xf32, #tpu.memory_space<hbm>> -> memref<640x128xf32, #tpu.memory_space<hbm>>
      %dma_wait3A_191 = arith.constant 0 : i32
      %dma_wait3A_192 = tpu.memref_slice %arg11[%mul3A_2, %dma_wait3A_191] : memref<10240x128xf32, #tpu.memory_space<vmem_shared>> -> memref<640x128xf32, #tpu.memory_space<vmem_shared>>
      tpu.wait_dma2 semaphore(%run_scoped3A : memref<!tpu.dma_semaphore, #tpu.memory_space<semaphore_mem>>) src(%dma_wait3A_192 : memref<640x128xf32, #tpu.memory_space<vmem_shared>>) dst(%dma_wait3A_190 : memref<640x128xf32, #tpu.memory_space<hbm>>)
      tpu.yield
    }) : () -> ()
    return
  }
}

#map = affine_map<(d0, d1) -> (0, 0)>
#map1 = affine_map<(d0, d1) -> (0, 0, 0, 0)>
#map2 = affine_map<(d0, d1) -> (0, 0, 0)>
module attributes {stable_mosaic.version = 14 : i64} {
  func.func @body(%arg0: i32, %arg1: i32, %arg2: memref<10240x128xf32, #tpu.memory_space<hbm>>, %arg3: memref<32x80x1x125xi32, #tpu.memory_space<hbm>>, %arg4: memref<32x80x1x125xi32, #tpu.memory_space<hbm>>, %arg5: memref<640x128xf32, #tpu.memory_space<hbm>>, %arg6: memref<2x10240x128xf32, #tpu.memory_space<hbm>>, %arg7: memref<80x1x125xi32, #tpu.memory_space<vmem>>, %arg8: memref<4x1x125xi32, #tpu.memory_space<vmem>>, %arg9: memref<125x128xf32, #tpu.memory_space<vmem>>, %arg10: memref<125x128xf32, #tpu.memory_space<vmem>>, %arg11: memref<10240x128xf32, #tpu.memory_space<vmem_shared>>, %arg12: memref<!tpu.dma_semaphore, #tpu.memory_space<semaphore_mem>>, %arg13: memref<!tpu.dma_semaphore, #tpu.memory_space<semaphore_mem>>, %arg14: memref<!tpu.dma_semaphore, #tpu.memory_space<semaphore_mem>>, %arg15: memref<!tpu.dma_semaphore, #tpu.memory_space<semaphore_mem>>, %arg16: memref<!tpu.dma_semaphore, #tpu.memory_space<semaphore_mem>>, %arg17: memref<!tpu.dma_semaphore, #tpu.memory_space<semaphore_mem>>) attributes {dimension_semantics = [#tpu.dimension_semantics<core_parallel>, #tpu.dimension_semantics<subcore_parallel>], iteration_bounds = array<i64: 2, 16>, scalar_prefetch = 0 : i64, scratch_operands = 11 : i64, tpu.core_type = #tpu.core_type<sc_vector_subcore>, window_params = [{transform_indices = #map}, {transform_indices = #map1}, {transform_indices = #map1}, {transform_indices = #map}, {transform_indices = #map2}]} {
    %mul3A = arith.constant 16 : i32
    %mul3A_0 = arith.muli %arg0, %mul3A : i32
    %add3A = arith.addi %mul3A_0, %arg1 : i32
    %mul3A_1 = arith.constant 640 : i32
    %mul3A_2 = arith.muli %arg1, %mul3A_1 : i32
    "tpu.region"() ({
      %run_scoped3A = tpu.sem_alloc : memref<!tpu.dma_semaphore, #tpu.memory_space<semaphore_mem>>
      %dma_start3A_183 = arith.constant 0 : i32
      %dma_start3A_184 = tpu.memref_slice %arg11[%mul3A_2, %dma_start3A_183] : memref<10240x128xf32, #tpu.memory_space<vmem_shared>> -> memref<640x128xf32, #tpu.memory_space<vmem_shared>>
      tpu.enqueue_dma source(%arg5 : memref<640x128xf32, #tpu.memory_space<hbm>>) target(%dma_start3A_184 : memref<640x128xf32, #tpu.memory_space<vmem_shared>>) target_semaphore(%run_scoped3A : memref<!tpu.dma_semaphore, #tpu.memory_space<semaphore_mem>>)
      %dma_wait3A_185 = arith.constant 0 : i32
      %dma_wait3A_186 = tpu.memref_slice %arg11[%mul3A_2, %dma_wait3A_185] : memref<10240x128xf32, #tpu.memory_space<vmem_shared>> -> memref<640x128xf32, #tpu.memory_space<vmem_shared>>
      tpu.wait_dma2 semaphore(%run_scoped3A : memref<!tpu.dma_semaphore, #tpu.memory_space<semaphore_mem>>) src(%arg5 : memref<640x128xf32, #tpu.memory_space<hbm>>) dst(%dma_wait3A_186 : memref<640x128xf32, #tpu.memory_space<vmem_shared>>)
      tpu.yield
    }) : () -> ()
    "tpu.region"() ({
      %run_scoped3A = tpu.sem_alloc : memref<!tpu.dma_semaphore, #tpu.memory_space<semaphore_mem>>
      %dma_start3A_183 = arith.constant 0 : i32
      %dma_start3A_184 = arith.constant 0 : i32
      %dma_start3A_185 = arith.constant 0 : i32
      %dma_start3A_186 = tpu.memref_slice %arg3[%add3A, %dma_start3A_183, %dma_start3A_184, %dma_start3A_185] : memref<32x80x1x125xi32, #tpu.memory_space<hbm>> -> memref<1x80x1x125xi32, #tpu.memory_space<hbm>>
      %dma_start3A_187 = tpu.memref_squeeze %dma_start3A_186 : memref<1x80x1x125xi32, #tpu.memory_space<hbm>> -> memref<80x1x125xi32, #tpu.memory_space<hbm>>
      %dma_start3A_188 = arith.constant 0 : i32
      %dma_start3A_189 = arith.constant 0 : i32
      %dma_start3A_190 = arith.constant 0 : i32
      %dma_start3A_191 = tpu.memref_slice %arg3[%add3A, %dma_start3A_188, %dma_start3A_189, %dma_start3A_190] : memref<32x80x1x125xi32, #tpu.memory_space<hbm>> -> memref<1x80x1x125xi32, #tpu.memory_space<hbm>>
      %dma_start3A_192 = tpu.memref_squeeze %dma_start3A_191 : memref<1x80x1x125xi32, #tpu.memory_space<hbm>> -> memref<80x1x125xi32, #tpu.memory_space<hbm>>
      tpu.enqueue_dma source(%dma_start3A_192 : memref<80x1x125xi32, #tpu.memory_space<hbm>>) target(%arg7 : memref<80x1x125xi32, #tpu.memory_space<vmem>>) target_semaphore(%run_scoped3A : memref<!tpu.dma_semaphore, #tpu.memory_space<semaphore_mem>>)
      %dma_wait3A_193 = arith.constant 0 : i32
      %dma_wait3A_194 = arith.constant 0 : i32
      %dma_wait3A_195 = arith.constant 0 : i32
      %dma_wait3A_196 = tpu.memref_slice %arg3[%add3A, %dma_wait3A_193, %dma_wait3A_194, %dma_wait3A_195] : memref<32x80x1x125xi32, #tpu.memory_space<hbm>> -> memref<1x80x1x125xi32, #tpu.memory_space<hbm>>
      %dma_wait3A_197 = tpu.memref_squeeze %dma_wait3A_196 : memref<1x80x1x125xi32, #tpu.memory_space<hbm>> -> memref<80x1x125xi32, #tpu.memory_space<hbm>>
      %dma_wait3A_198 = arith.constant 0 : i32
      %dma_wait3A_199 = arith.constant 0 : i32
      %dma_wait3A_200 = arith.constant 0 : i32
      %dma_wait3A_201 = tpu.memref_slice %arg3[%add3A, %dma_wait3A_198, %dma_wait3A_199, %dma_wait3A_200] : memref<32x80x1x125xi32, #tpu.memory_space<hbm>> -> memref<1x80x1x125xi32, #tpu.memory_space<hbm>>
      %dma_wait3A_202 = tpu.memref_squeeze %dma_wait3A_201 : memref<1x80x1x125xi32, #tpu.memory_space<hbm>> -> memref<80x1x125xi32, #tpu.memory_space<hbm>>
      tpu.wait_dma2 semaphore(%run_scoped3A : memref<!tpu.dma_semaphore, #tpu.memory_space<semaphore_mem>>) src(%dma_wait3A_202 : memref<80x1x125xi32, #tpu.memory_space<hbm>>) dst(%arg7 : memref<80x1x125xi32, #tpu.memory_space<vmem>>)
      tpu.yield
    }) : () -> ()
    %dma_start3A = arith.constant 0 : i32
    %dma_start3A_3 = arith.constant 0 : i32
    %dma_start3A_4 = arith.constant 0 : i32
    %dma_start3A_5 = arith.constant 0 : i32
    %dma_start3A_6 = tpu.memref_slice %arg8[%dma_start3A_3, %dma_start3A_4, %dma_start3A_5] : memref<4x1x125xi32, #tpu.memory_space<vmem>> -> memref<1x1x125xi32, #tpu.memory_space<vmem>>
    %dma_start3A_7 = tpu.memref_squeeze %dma_start3A_6 : memref<1x1x125xi32, #tpu.memory_space<vmem>> -> memref<1x125xi32, #tpu.memory_space<vmem>>
    %dma_start3A_8 = arith.constant 0 : i32
    %dma_start3A_9 = arith.constant 0 : i32
    %dma_start3A_10 = tpu.memref_slice %arg4[%add3A, %dma_start3A, %dma_start3A_8, %dma_start3A_9] : memref<32x80x1x125xi32, #tpu.memory_space<hbm>> -> memref<1x1x1x125xi32, #tpu.memory_space<hbm>>
    %dma_start3A_11 = tpu.memref_squeeze %dma_start3A_10 : memref<1x1x1x125xi32, #tpu.memory_space<hbm>> -> memref<1x125xi32, #tpu.memory_space<hbm>>
    %dma_start3A_12 = arith.constant 0 : i32
    %dma_start3A_13 = arith.constant 0 : i32
    %dma_start3A_14 = tpu.memref_slice %arg8[%dma_start3A_3, %dma_start3A_12, %dma_start3A_13] : memref<4x1x125xi32, #tpu.memory_space<vmem>> -> memref<1x1x125xi32, #tpu.memory_space<vmem>>
    %dma_start3A_15 = tpu.memref_squeeze %dma_start3A_14 : memref<1x1x125xi32, #tpu.memory_space<vmem>> -> memref<1x125xi32, #tpu.memory_space<vmem>>
    %dma_start3A_16 = arith.constant 0 : i32
    %dma_start3A_17 = arith.constant 0 : i32
    %dma_start3A_18 = tpu.memref_slice %arg4[%add3A, %dma_start3A, %dma_start3A_16, %dma_start3A_17] : memref<32x80x1x125xi32, #tpu.memory_space<hbm>> -> memref<1x1x1x125xi32, #tpu.memory_space<hbm>>
    %dma_start3A_19 = tpu.memref_squeeze %dma_start3A_18 : memref<1x1x1x125xi32, #tpu.memory_space<hbm>> -> memref<1x125xi32, #tpu.memory_space<hbm>>
    tpu.enqueue_dma source(%dma_start3A_19 : memref<1x125xi32, #tpu.memory_space<hbm>>) target(%dma_start3A_15 : memref<1x125xi32, #tpu.memory_space<vmem>>) target_semaphore(%arg14 : memref<!tpu.dma_semaphore, #tpu.memory_space<semaphore_mem>>)
    %dma_start3A_20 = arith.constant 1 : i32
    %dma_start3A_21 = arith.constant 1 : i32
    %dma_start3A_22 = arith.constant 0 : i32
    %dma_start3A_23 = arith.constant 0 : i32
    %dma_start3A_24 = tpu.memref_slice %arg8[%dma_start3A_21, %dma_start3A_22, %dma_start3A_23] : memref<4x1x125xi32, #tpu.memory_space<vmem>> -> memref<1x1x125xi32, #tpu.memory_space<vmem>>
    %dma_start3A_25 = tpu.memref_squeeze %dma_start3A_24 : memref<1x1x125xi32, #tpu.memory_space<vmem>> -> memref<1x125xi32, #tpu.memory_space<vmem>>
    %dma_start3A_26 = arith.constant 0 : i32
    %dma_start3A_27 = arith.constant 0 : i32
    %dma_start3A_28 = tpu.memref_slice %arg4[%add3A, %dma_start3A_20, %dma_start3A_26, %dma_start3A_27] : memref<32x80x1x125xi32, #tpu.memory_space<hbm>> -> memref<1x1x1x125xi32, #tpu.memory_space<hbm>>
    %dma_start3A_29 = tpu.memref_squeeze %dma_start3A_28 : memref<1x1x1x125xi32, #tpu.memory_space<hbm>> -> memref<1x125xi32, #tpu.memory_space<hbm>>
    %dma_start3A_30 = arith.constant 0 : i32
    %dma_start3A_31 = arith.constant 0 : i32
    %dma_start3A_32 = tpu.memref_slice %arg8[%dma_start3A_21, %dma_start3A_30, %dma_start3A_31] : memref<4x1x125xi32, #tpu.memory_space<vmem>> -> memref<1x1x125xi32, #tpu.memory_space<vmem>>
    %dma_start3A_33 = tpu.memref_squeeze %dma_start3A_32 : memref<1x1x125xi32, #tpu.memory_space<vmem>> -> memref<1x125xi32, #tpu.memory_space<vmem>>
    %dma_start3A_34 = arith.constant 0 : i32
    %dma_start3A_35 = arith.constant 0 : i32
    %dma_start3A_36 = tpu.memref_slice %arg4[%add3A, %dma_start3A_20, %dma_start3A_34, %dma_start3A_35] : memref<32x80x1x125xi32, #tpu.memory_space<hbm>> -> memref<1x1x1x125xi32, #tpu.memory_space<hbm>>
    %dma_start3A_37 = tpu.memref_squeeze %dma_start3A_36 : memref<1x1x1x125xi32, #tpu.memory_space<hbm>> -> memref<1x125xi32, #tpu.memory_space<hbm>>
    tpu.enqueue_dma source(%dma_start3A_37 : memref<1x125xi32, #tpu.memory_space<hbm>>) target(%dma_start3A_33 : memref<1x125xi32, #tpu.memory_space<vmem>>) target_semaphore(%arg15 : memref<!tpu.dma_semaphore, #tpu.memory_space<semaphore_mem>>)
    %dma_start3A_38 = arith.constant 2 : i32
    %dma_start3A_39 = arith.constant 2 : i32
    %dma_start3A_40 = arith.constant 0 : i32
    %dma_start3A_41 = arith.constant 0 : i32
    %dma_start3A_42 = tpu.memref_slice %arg8[%dma_start3A_39, %dma_start3A_40, %dma_start3A_41] : memref<4x1x125xi32, #tpu.memory_space<vmem>> -> memref<1x1x125xi32, #tpu.memory_space<vmem>>
    %dma_start3A_43 = tpu.memref_squeeze %dma_start3A_42 : memref<1x1x125xi32, #tpu.memory_space<vmem>> -> memref<1x125xi32, #tpu.memory_space<vmem>>
    %dma_start3A_44 = arith.constant 0 : i32
    %dma_start3A_45 = arith.constant 0 : i32
    %dma_start3A_46 = tpu.memref_slice %arg4[%add3A, %dma_start3A_38, %dma_start3A_44, %dma_start3A_45] : memref<32x80x1x125xi32, #tpu.memory_space<hbm>> -> memref<1x1x1x125xi32, #tpu.memory_space<hbm>>
    %dma_start3A_47 = tpu.memref_squeeze %dma_start3A_46 : memref<1x1x1x125xi32, #tpu.memory_space<hbm>> -> memref<1x125xi32, #tpu.memory_space<hbm>>
    %dma_start3A_48 = arith.constant 0 : i32
    %dma_start3A_49 = arith.constant 0 : i32
    %dma_start3A_50 = tpu.memref_slice %arg8[%dma_start3A_39, %dma_start3A_48, %dma_start3A_49] : memref<4x1x125xi32, #tpu.memory_space<vmem>> -> memref<1x1x125xi32, #tpu.memory_space<vmem>>
    %dma_start3A_51 = tpu.memref_squeeze %dma_start3A_50 : memref<1x1x125xi32, #tpu.memory_space<vmem>> -> memref<1x125xi32, #tpu.memory_space<vmem>>
    %dma_start3A_52 = arith.constant 0 : i32
    %dma_start3A_53 = arith.constant 0 : i32
    %dma_start3A_54 = tpu.memref_slice %arg4[%add3A, %dma_start3A_38, %dma_start3A_52, %dma_start3A_53] : memref<32x80x1x125xi32, #tpu.memory_space<hbm>> -> memref<1x1x1x125xi32, #tpu.memory_space<hbm>>
    %dma_start3A_55 = tpu.memref_squeeze %dma_start3A_54 : memref<1x1x1x125xi32, #tpu.memory_space<hbm>> -> memref<1x125xi32, #tpu.memory_space<hbm>>
    tpu.enqueue_dma source(%dma_start3A_55 : memref<1x125xi32, #tpu.memory_space<hbm>>) target(%dma_start3A_51 : memref<1x125xi32, #tpu.memory_space<vmem>>) target_semaphore(%arg16 : memref<!tpu.dma_semaphore, #tpu.memory_space<semaphore_mem>>)
    %dma_start3A_56 = arith.constant 3 : i32
    %dma_start3A_57 = arith.constant 3 : i32
    %dma_start3A_58 = arith.constant 0 : i32
    %dma_start3A_59 = arith.constant 0 : i32
    %dma_start3A_60 = tpu.memref_slice %arg8[%dma_start3A_57, %dma_start3A_58, %dma_start3A_59] : memref<4x1x125xi32, #tpu.memory_space<vmem>> -> memref<1x1x125xi32, #tpu.memory_space<vmem>>
    %dma_start3A_61 = tpu.memref_squeeze %dma_start3A_60 : memref<1x1x125xi32, #tpu.memory_space<vmem>> -> memref<1x125xi32, #tpu.memory_space<vmem>>
    %dma_start3A_62 = arith.constant 0 : i32
    %dma_start3A_63 = arith.constant 0 : i32
    %dma_start3A_64 = tpu.memref_slice %arg4[%add3A, %dma_start3A_56, %dma_start3A_62, %dma_start3A_63] : memref<32x80x1x125xi32, #tpu.memory_space<hbm>> -> memref<1x1x1x125xi32, #tpu.memory_space<hbm>>
    %dma_start3A_65 = tpu.memref_squeeze %dma_start3A_64 : memref<1x1x1x125xi32, #tpu.memory_space<hbm>> -> memref<1x125xi32, #tpu.memory_space<hbm>>
    %dma_start3A_66 = arith.constant 0 : i32
    %dma_start3A_67 = arith.constant 0 : i32
    %dma_start3A_68 = tpu.memref_slice %arg8[%dma_start3A_57, %dma_start3A_66, %dma_start3A_67] : memref<4x1x125xi32, #tpu.memory_space<vmem>> -> memref<1x1x125xi32, #tpu.memory_space<vmem>>
    %dma_start3A_69 = tpu.memref_squeeze %dma_start3A_68 : memref<1x1x125xi32, #tpu.memory_space<vmem>> -> memref<1x125xi32, #tpu.memory_space<vmem>>
    %dma_start3A_70 = arith.constant 0 : i32
    %dma_start3A_71 = arith.constant 0 : i32
    %dma_start3A_72 = tpu.memref_slice %arg4[%add3A, %dma_start3A_56, %dma_start3A_70, %dma_start3A_71] : memref<32x80x1x125xi32, #tpu.memory_space<hbm>> -> memref<1x1x1x125xi32, #tpu.memory_space<hbm>>
    %dma_start3A_73 = tpu.memref_squeeze %dma_start3A_72 : memref<1x1x1x125xi32, #tpu.memory_space<hbm>> -> memref<1x125xi32, #tpu.memory_space<hbm>>
    tpu.enqueue_dma source(%dma_start3A_73 : memref<1x125xi32, #tpu.memory_space<hbm>>) target(%dma_start3A_69 : memref<1x125xi32, #tpu.memory_space<vmem>>) target_semaphore(%arg17 : memref<!tpu.dma_semaphore, #tpu.memory_space<semaphore_mem>>)
    %dma_start3A_74 = arith.constant 0 : i32
    %dma_start3A_75 = arith.constant 0 : i32
    %dma_start3A_76 = arith.constant 0 : i32
    %dma_start3A_77 = tpu.memref_slice %arg7[%dma_start3A_74, %dma_start3A_75, %dma_start3A_76] : memref<80x1x125xi32, #tpu.memory_space<vmem>> -> memref<1x1x125xi32, #tpu.memory_space<vmem>>
    %dma_start3A_78 = tpu.memref_squeeze %dma_start3A_77 : memref<1x1x125xi32, #tpu.memory_space<vmem>> -> memref<125xi32, #tpu.memory_space<vmem>>
    %dma_start3A_79 = arith.constant 0 : i32
    %dma_start3A_80 = arith.constant 0 : i32
    %dma_start3A_81 = tpu.memref_slice %arg2[%dma_start3A_79, %dma_start3A_80] : memref<10240x128xf32, #tpu.memory_space<hbm>> -> memref<10240x128xf32, #tpu.memory_space<hbm>>
    tpu.enqueue_indirect_dma source(%dma_start3A_81 : memref<10240x128xf32, #tpu.memory_space<hbm>>) target(%arg9 : memref<125x128xf32, #tpu.memory_space<vmem>>) offsets(%dma_start3A_78 : memref<125xi32, #tpu.memory_space<vmem>>) semaphore(%arg12 : memref<!tpu.dma_semaphore, #tpu.memory_space<semaphore_mem>>)
    %dma_start3A_82 = arith.constant 1 : i32
    %dma_start3A_83 = arith.constant 0 : i32
    %dma_start3A_84 = arith.constant 0 : i32
    %dma_start3A_85 = tpu.memref_slice %arg7[%dma_start3A_82, %dma_start3A_83, %dma_start3A_84] : memref<80x1x125xi32, #tpu.memory_space<vmem>> -> memref<1x1x125xi32, #tpu.memory_space<vmem>>
    %dma_start3A_86 = tpu.memref_squeeze %dma_start3A_85 : memref<1x1x125xi32, #tpu.memory_space<vmem>> -> memref<125xi32, #tpu.memory_space<vmem>>
    %dma_start3A_87 = arith.constant 0 : i32
    %dma_start3A_88 = arith.constant 0 : i32
    %dma_start3A_89 = tpu.memref_slice %arg2[%dma_start3A_87, %dma_start3A_88] : memref<10240x128xf32, #tpu.memory_space<hbm>> -> memref<10240x128xf32, #tpu.memory_space<hbm>>
    tpu.enqueue_indirect_dma source(%dma_start3A_89 : memref<10240x128xf32, #tpu.memory_space<hbm>>) target(%arg10 : memref<125x128xf32, #tpu.memory_space<vmem>>) offsets(%dma_start3A_86 : memref<125xi32, #tpu.memory_space<vmem>>) semaphore(%arg13 : memref<!tpu.dma_semaphore, #tpu.memory_space<semaphore_mem>>)
    %barrier3A = arith.constant 0 : index
    tpu.barrier barrier_id(%barrier3A)
    %scan3A = arith.constant 0 : i32
    %scan3A_90 = arith.constant 0 : i32
    %scan3A_91 = arith.constant 20 : i32
    %scan3A_92 = arith.addi %scan3A_90, %scan3A_91 : i32
    %scan3A_93 = arith.constant 1 : i32
    scf.for %scan3A_183 = %scan3A_90 to %scan3A_92 step %scan3A_93  : i32 {
      %mul3A_184 = arith.constant 4 : i32
      %mul3A_185 = arith.muli %scan3A_183, %mul3A_184 : i32
      %add3A_186 = arith.constant 0 : i32
      %add3A_187 = arith.addi %mul3A_185, %add3A_186 : i32
      %dma_wait3A_188 = arith.constant 0 : i32
      %dma_wait3A_189 = arith.constant 0 : i32
      %dma_wait3A_190 = arith.constant 0 : i32
      %dma_wait3A_191 = tpu.memref_slice %arg7[%dma_wait3A_188, %dma_wait3A_189, %dma_wait3A_190] : memref<80x1x125xi32, #tpu.memory_space<vmem>> -> memref<1x1x125xi32, #tpu.memory_space<vmem>>
      %dma_wait3A_192 = tpu.memref_squeeze %dma_wait3A_191 : memref<1x1x125xi32, #tpu.memory_space<vmem>> -> memref<125xi32, #tpu.memory_space<vmem>>
      %dma_wait3A_193 = arith.constant 0 : i32
      %dma_wait3A_194 = arith.constant 0 : i32
      %dma_wait3A_195 = tpu.memref_slice %arg2[%dma_wait3A_193, %dma_wait3A_194] : memref<10240x128xf32, #tpu.memory_space<hbm>> -> memref<10240x128xf32, #tpu.memory_space<hbm>>
      tpu.wait_indirect_dma semaphore(%arg12 : memref<!tpu.dma_semaphore, #tpu.memory_space<semaphore_mem>>) src(%dma_wait3A_195 : memref<10240x128xf32, #tpu.memory_space<hbm>>) dst(%arg9 : memref<125x128xf32, #tpu.memory_space<vmem>>)
      %dma_wait3A_196 = arith.constant 0 : i32
      %dma_wait3A_197 = arith.constant 0 : i32
      %dma_wait3A_198 = arith.constant 0 : i32
      %dma_wait3A_199 = arith.constant 0 : i32
      %dma_wait3A_200 = tpu.memref_slice %arg8[%dma_wait3A_197, %dma_wait3A_198, %dma_wait3A_199] : memref<4x1x125xi32, #tpu.memory_space<vmem>> -> memref<1x1x125xi32, #tpu.memory_space<vmem>>
      %dma_wait3A_201 = tpu.memref_squeeze %dma_wait3A_200 : memref<1x1x125xi32, #tpu.memory_space<vmem>> -> memref<1x125xi32, #tpu.memory_space<vmem>>
      %dma_wait3A_202 = arith.constant 0 : i32
      %dma_wait3A_203 = arith.constant 0 : i32
      %dma_wait3A_204 = tpu.memref_slice %arg4[%add3A, %dma_wait3A_196, %dma_wait3A_202, %dma_wait3A_203] : memref<32x80x1x125xi32, #tpu.memory_space<hbm>> -> memref<1x1x1x125xi32, #tpu.memory_space<hbm>>
      %dma_wait3A_205 = tpu.memref_squeeze %dma_wait3A_204 : memref<1x1x1x125xi32, #tpu.memory_space<hbm>> -> memref<1x125xi32, #tpu.memory_space<hbm>>
      %dma_wait3A_206 = arith.constant 0 : i32
      %dma_wait3A_207 = arith.constant 0 : i32
      %dma_wait3A_208 = tpu.memref_slice %arg8[%dma_wait3A_197, %dma_wait3A_206, %dma_wait3A_207] : memref<4x1x125xi32, #tpu.memory_space<vmem>> -> memref<1x1x125xi32, #tpu.memory_space<vmem>>
      %dma_wait3A_209 = tpu.memref_squeeze %dma_wait3A_208 : memref<1x1x125xi32, #tpu.memory_space<vmem>> -> memref<1x125xi32, #tpu.memory_space<vmem>>
      %dma_wait3A_210 = arith.constant 0 : i32
      %dma_wait3A_211 = arith.constant 0 : i32
      %dma_wait3A_212 = tpu.memref_slice %arg4[%add3A, %dma_wait3A_196, %dma_wait3A_210, %dma_wait3A_211] : memref<32x80x1x125xi32, #tpu.memory_space<hbm>> -> memref<1x1x1x125xi32, #tpu.memory_space<hbm>>
      %dma_wait3A_213 = tpu.memref_squeeze %dma_wait3A_212 : memref<1x1x1x125xi32, #tpu.memory_space<hbm>> -> memref<1x125xi32, #tpu.memory_space<hbm>>
      tpu.wait_dma2 semaphore(%arg14 : memref<!tpu.dma_semaphore, #tpu.memory_space<semaphore_mem>>) src(%dma_wait3A_213 : memref<1x125xi32, #tpu.memory_space<hbm>>) dst(%dma_wait3A_209 : memref<1x125xi32, #tpu.memory_space<vmem>>)
      %run_scoped3A = arith.constant 0 : i32
      %run_scoped3A_214 = arith.constant 0 : i32
      "tpu.region"() ({
        %run_scoped3A_438 = tpu.sem_alloc : memref<!tpu.dma_semaphore, #tpu.memory_space<semaphore_mem>>
        %dma_start3A_439 = arith.constant 0 : i32
        %dma_start3A_440 = tpu.memref_slice %arg8[%run_scoped3A, %run_scoped3A_214, %dma_start3A_439] : memref<4x1x125xi32, #tpu.memory_space<vmem>> -> memref<1x1x125xi32, #tpu.memory_space<vmem>>
        %dma_start3A_441 = tpu.memref_squeeze %dma_start3A_440 : memref<1x1x125xi32, #tpu.memory_space<vmem>> -> memref<125xi32, #tpu.memory_space<vmem>>
        %dma_start3A_442 = arith.constant 0 : i32
        %dma_start3A_443 = arith.constant 0 : i32
        %dma_start3A_444 = tpu.memref_slice %arg11[%dma_start3A_442, %dma_start3A_443] : memref<10240x128xf32, #tpu.memory_space<vmem_shared>> -> memref<10240x128xf32, #tpu.memory_space<vmem_shared>>
        tpu.enqueue_indirect_dma source(%arg9 : memref<125x128xf32, #tpu.memory_space<vmem>>) target(%dma_start3A_444 : memref<10240x128xf32, #tpu.memory_space<vmem_shared>>) offsets(%dma_start3A_441 : memref<125xi32, #tpu.memory_space<vmem>>) semaphore(%run_scoped3A_438 : memref<!tpu.dma_semaphore, #tpu.memory_space<semaphore_mem>>) {add = true}
        %dma_wait3A_445 = arith.constant 0 : i32
        %dma_wait3A_446 = tpu.memref_slice %arg8[%run_scoped3A, %run_scoped3A_214, %dma_wait3A_445] : memref<4x1x125xi32, #tpu.memory_space<vmem>> -> memref<1x1x125xi32, #tpu.memory_space<vmem>>
        %dma_wait3A_447 = tpu.memref_squeeze %dma_wait3A_446 : memref<1x1x125xi32, #tpu.memory_space<vmem>> -> memref<125xi32, #tpu.memory_space<vmem>>
        %dma_wait3A_448 = arith.constant 0 : i32
        %dma_wait3A_449 = arith.constant 0 : i32
        %dma_wait3A_450 = tpu.memref_slice %arg11[%dma_wait3A_448, %dma_wait3A_449] : memref<10240x128xf32, #tpu.memory_space<vmem_shared>> -> memref<10240x128xf32, #tpu.memory_space<vmem_shared>>
        tpu.wait_indirect_dma semaphore(%run_scoped3A_438 : memref<!tpu.dma_semaphore, #tpu.memory_space<semaphore_mem>>) src(%arg9 : memref<125x128xf32, #tpu.memory_space<vmem>>) dst(%dma_wait3A_450 : memref<10240x128xf32, #tpu.memory_space<vmem_shared>>)
        tpu.yield
      }) : () -> ()
      %add3A_215 = arith.constant 4 : i32
      %add3A_216 = arith.addi %add3A_187, %add3A_215 : i32
      %min3A = arith.constant 79 : i32
      %min3A_217 = arith.minsi %add3A_216, %min3A : i32
      %dma_start3A_218 = arith.constant 0 : i32
      %dma_start3A_219 = arith.constant 0 : i32
      %dma_start3A_220 = arith.constant 0 : i32
      %dma_start3A_221 = tpu.memref_slice %arg8[%dma_start3A_218, %dma_start3A_219, %dma_start3A_220] : memref<4x1x125xi32, #tpu.memory_space<vmem>> -> memref<1x1x125xi32, #tpu.memory_space<vmem>>
      %dma_start3A_222 = tpu.memref_squeeze %dma_start3A_221 : memref<1x1x125xi32, #tpu.memory_space<vmem>> -> memref<1x125xi32, #tpu.memory_space<vmem>>
      %dma_start3A_223 = arith.constant 0 : i32
      %dma_start3A_224 = arith.constant 0 : i32
      %dma_start3A_225 = tpu.memref_slice %arg4[%add3A, %min3A_217, %dma_start3A_223, %dma_start3A_224] : memref<32x80x1x125xi32, #tpu.memory_space<hbm>> -> memref<1x1x1x125xi32, #tpu.memory_space<hbm>>
      %dma_start3A_226 = tpu.memref_squeeze %dma_start3A_225 : memref<1x1x1x125xi32, #tpu.memory_space<hbm>> -> memref<1x125xi32, #tpu.memory_space<hbm>>
      %dma_start3A_227 = arith.constant 0 : i32
      %dma_start3A_228 = arith.constant 0 : i32
      %dma_start3A_229 = tpu.memref_slice %arg8[%dma_start3A_218, %dma_start3A_227, %dma_start3A_228] : memref<4x1x125xi32, #tpu.memory_space<vmem>> -> memref<1x1x125xi32, #tpu.memory_space<vmem>>
      %dma_start3A_230 = tpu.memref_squeeze %dma_start3A_229 : memref<1x1x125xi32, #tpu.memory_space<vmem>> -> memref<1x125xi32, #tpu.memory_space<vmem>>
      %dma_start3A_231 = arith.constant 0 : i32
      %dma_start3A_232 = arith.constant 0 : i32
      %dma_start3A_233 = tpu.memref_slice %arg4[%add3A, %min3A_217, %dma_start3A_231, %dma_start3A_232] : memref<32x80x1x125xi32, #tpu.memory_space<hbm>> -> memref<1x1x1x125xi32, #tpu.memory_space<hbm>>
      %dma_start3A_234 = tpu.memref_squeeze %dma_start3A_233 : memref<1x1x1x125xi32, #tpu.memory_space<hbm>> -> memref<1x125xi32, #tpu.memory_space<hbm>>
      tpu.enqueue_dma source(%dma_start3A_234 : memref<1x125xi32, #tpu.memory_space<hbm>>) target(%dma_start3A_230 : memref<1x125xi32, #tpu.memory_space<vmem>>) target_semaphore(%arg14 : memref<!tpu.dma_semaphore, #tpu.memory_space<semaphore_mem>>)
      %add3A_235 = arith.constant 2 : i32
      %add3A_236 = arith.addi %add3A_187, %add3A_235 : i32
      %min3A_237 = arith.constant 79 : i32
      %min3A_238 = arith.minsi %add3A_236, %min3A_237 : i32
      %dma_start3A_239 = arith.constant 0 : i32
      %dma_start3A_240 = arith.constant 0 : i32
      %dma_start3A_241 = tpu.memref_slice %arg7[%min3A_238, %dma_start3A_239, %dma_start3A_240] : memref<80x1x125xi32, #tpu.memory_space<vmem>> -> memref<1x1x125xi32, #tpu.memory_space<vmem>>
      %dma_start3A_242 = tpu.memref_squeeze %dma_start3A_241 : memref<1x1x125xi32, #tpu.memory_space<vmem>> -> memref<125xi32, #tpu.memory_space<vmem>>
      %dma_start3A_243 = arith.constant 0 : i32
      %dma_start3A_244 = arith.constant 0 : i32
      %dma_start3A_245 = tpu.memref_slice %arg2[%dma_start3A_243, %dma_start3A_244] : memref<10240x128xf32, #tpu.memory_space<hbm>> -> memref<10240x128xf32, #tpu.memory_space<hbm>>
      tpu.enqueue_indirect_dma source(%dma_start3A_245 : memref<10240x128xf32, #tpu.memory_space<hbm>>) target(%arg9 : memref<125x128xf32, #tpu.memory_space<vmem>>) offsets(%dma_start3A_242 : memref<125xi32, #tpu.memory_space<vmem>>) semaphore(%arg12 : memref<!tpu.dma_semaphore, #tpu.memory_space<semaphore_mem>>)
      %mul3A_246 = arith.constant 4 : i32
      %mul3A_247 = arith.muli %scan3A_183, %mul3A_246 : i32
      %add3A_248 = arith.constant 1 : i32
      %add3A_249 = arith.addi %mul3A_247, %add3A_248 : i32
      %dma_wait3A_250 = arith.constant 1 : i32
      %dma_wait3A_251 = arith.constant 0 : i32
      %dma_wait3A_252 = arith.constant 0 : i32
      %dma_wait3A_253 = tpu.memref_slice %arg7[%dma_wait3A_250, %dma_wait3A_251, %dma_wait3A_252] : memref<80x1x125xi32, #tpu.memory_space<vmem>> -> memref<1x1x125xi32, #tpu.memory_space<vmem>>
      %dma_wait3A_254 = tpu.memref_squeeze %dma_wait3A_253 : memref<1x1x125xi32, #tpu.memory_space<vmem>> -> memref<125xi32, #tpu.memory_space<vmem>>
      %dma_wait3A_255 = arith.constant 0 : i32
      %dma_wait3A_256 = arith.constant 0 : i32
      %dma_wait3A_257 = tpu.memref_slice %arg2[%dma_wait3A_255, %dma_wait3A_256] : memref<10240x128xf32, #tpu.memory_space<hbm>> -> memref<10240x128xf32, #tpu.memory_space<hbm>>
      tpu.wait_indirect_dma semaphore(%arg13 : memref<!tpu.dma_semaphore, #tpu.memory_space<semaphore_mem>>) src(%dma_wait3A_257 : memref<10240x128xf32, #tpu.memory_space<hbm>>) dst(%arg10 : memref<125x128xf32, #tpu.memory_space<vmem>>)
      %dma_wait3A_258 = arith.constant 0 : i32
      %dma_wait3A_259 = arith.constant 1 : i32
      %dma_wait3A_260 = arith.constant 0 : i32
      %dma_wait3A_261 = arith.constant 0 : i32
      %dma_wait3A_262 = tpu.memref_slice %arg8[%dma_wait3A_259, %dma_wait3A_260, %dma_wait3A_261] : memref<4x1x125xi32, #tpu.memory_space<vmem>> -> memref<1x1x125xi32, #tpu.memory_space<vmem>>
      %dma_wait3A_263 = tpu.memref_squeeze %dma_wait3A_262 : memref<1x1x125xi32, #tpu.memory_space<vmem>> -> memref<1x125xi32, #tpu.memory_space<vmem>>
      %dma_wait3A_264 = arith.constant 0 : i32
      %dma_wait3A_265 = arith.constant 0 : i32
      %dma_wait3A_266 = tpu.memref_slice %arg4[%add3A, %dma_wait3A_258, %dma_wait3A_264, %dma_wait3A_265] : memref<32x80x1x125xi32, #tpu.memory_space<hbm>> -> memref<1x1x1x125xi32, #tpu.memory_space<hbm>>
      %dma_wait3A_267 = tpu.memref_squeeze %dma_wait3A_266 : memref<1x1x1x125xi32, #tpu.memory_space<hbm>> -> memref<1x125xi32, #tpu.memory_space<hbm>>
      %dma_wait3A_268 = arith.constant 0 : i32
      %dma_wait3A_269 = arith.constant 0 : i32
      %dma_wait3A_270 = tpu.memref_slice %arg8[%dma_wait3A_259, %dma_wait3A_268, %dma_wait3A_269] : memref<4x1x125xi32, #tpu.memory_space<vmem>> -> memref<1x1x125xi32, #tpu.memory_space<vmem>>
      %dma_wait3A_271 = tpu.memref_squeeze %dma_wait3A_270 : memref<1x1x125xi32, #tpu.memory_space<vmem>> -> memref<1x125xi32, #tpu.memory_space<vmem>>
      %dma_wait3A_272 = arith.constant 0 : i32
      %dma_wait3A_273 = arith.constant 0 : i32
      %dma_wait3A_274 = tpu.memref_slice %arg4[%add3A, %dma_wait3A_258, %dma_wait3A_272, %dma_wait3A_273] : memref<32x80x1x125xi32, #tpu.memory_space<hbm>> -> memref<1x1x1x125xi32, #tpu.memory_space<hbm>>
      %dma_wait3A_275 = tpu.memref_squeeze %dma_wait3A_274 : memref<1x1x1x125xi32, #tpu.memory_space<hbm>> -> memref<1x125xi32, #tpu.memory_space<hbm>>
      tpu.wait_dma2 semaphore(%arg15 : memref<!tpu.dma_semaphore, #tpu.memory_space<semaphore_mem>>) src(%dma_wait3A_275 : memref<1x125xi32, #tpu.memory_space<hbm>>) dst(%dma_wait3A_271 : memref<1x125xi32, #tpu.memory_space<vmem>>)
      %run_scoped3A_276 = arith.constant 1 : i32
      %run_scoped3A_277 = arith.constant 0 : i32
      "tpu.region"() ({
        %run_scoped3A_438 = tpu.sem_alloc : memref<!tpu.dma_semaphore, #tpu.memory_space<semaphore_mem>>
        %dma_start3A_439 = arith.constant 0 : i32
        %dma_start3A_440 = tpu.memref_slice %arg8[%run_scoped3A_276, %run_scoped3A_277, %dma_start3A_439] : memref<4x1x125xi32, #tpu.memory_space<vmem>> -> memref<1x1x125xi32, #tpu.memory_space<vmem>>
        %dma_start3A_441 = tpu.memref_squeeze %dma_start3A_440 : memref<1x1x125xi32, #tpu.memory_space<vmem>> -> memref<125xi32, #tpu.memory_space<vmem>>
        %dma_start3A_442 = arith.constant 0 : i32
        %dma_start3A_443 = arith.constant 0 : i32
        %dma_start3A_444 = tpu.memref_slice %arg11[%dma_start3A_442, %dma_start3A_443] : memref<10240x128xf32, #tpu.memory_space<vmem_shared>> -> memref<10240x128xf32, #tpu.memory_space<vmem_shared>>
        tpu.enqueue_indirect_dma source(%arg10 : memref<125x128xf32, #tpu.memory_space<vmem>>) target(%dma_start3A_444 : memref<10240x128xf32, #tpu.memory_space<vmem_shared>>) offsets(%dma_start3A_441 : memref<125xi32, #tpu.memory_space<vmem>>) semaphore(%run_scoped3A_438 : memref<!tpu.dma_semaphore, #tpu.memory_space<semaphore_mem>>) {add = true}
        %dma_wait3A_445 = arith.constant 0 : i32
        %dma_wait3A_446 = tpu.memref_slice %arg8[%run_scoped3A_276, %run_scoped3A_277, %dma_wait3A_445] : memref<4x1x125xi32, #tpu.memory_space<vmem>> -> memref<1x1x125xi32, #tpu.memory_space<vmem>>
        %dma_wait3A_447 = tpu.memref_squeeze %dma_wait3A_446 : memref<1x1x125xi32, #tpu.memory_space<vmem>> -> memref<125xi32, #tpu.memory_space<vmem>>
        %dma_wait3A_448 = arith.constant 0 : i32
        %dma_wait3A_449 = arith.constant 0 : i32
        %dma_wait3A_450 = tpu.memref_slice %arg11[%dma_wait3A_448, %dma_wait3A_449] : memref<10240x128xf32, #tpu.memory_space<vmem_shared>> -> memref<10240x128xf32, #tpu.memory_space<vmem_shared>>
        tpu.wait_indirect_dma semaphore(%run_scoped3A_438 : memref<!tpu.dma_semaphore, #tpu.memory_space<semaphore_mem>>) src(%arg10 : memref<125x128xf32, #tpu.memory_space<vmem>>) dst(%dma_wait3A_450 : memref<10240x128xf32, #tpu.memory_space<vmem_shared>>)
        tpu.yield
      }) : () -> ()
      %add3A_278 = arith.constant 4 : i32
      %add3A_279 = arith.addi %add3A_249, %add3A_278 : i32
      %min3A_280 = arith.constant 79 : i32
      %min3A_281 = arith.minsi %add3A_279, %min3A_280 : i32
      %dma_start3A_282 = arith.constant 1 : i32
      %dma_start3A_283 = arith.constant 0 : i32
      %dma_start3A_284 = arith.constant 0 : i32
      %dma_start3A_285 = tpu.memref_slice %arg8[%dma_start3A_282, %dma_start3A_283, %dma_start3A_284] : memref<4x1x125xi32, #tpu.memory_space<vmem>> -> memref<1x1x125xi32, #tpu.memory_space<vmem>>
      %dma_start3A_286 = tpu.memref_squeeze %dma_start3A_285 : memref<1x1x125xi32, #tpu.memory_space<vmem>> -> memref<1x125xi32, #tpu.memory_space<vmem>>
      %dma_start3A_287 = arith.constant 0 : i32
      %dma_start3A_288 = arith.constant 0 : i32
      %dma_start3A_289 = tpu.memref_slice %arg4[%add3A, %min3A_281, %dma_start3A_287, %dma_start3A_288] : memref<32x80x1x125xi32, #tpu.memory_space<hbm>> -> memref<1x1x1x125xi32, #tpu.memory_space<hbm>>
      %dma_start3A_290 = tpu.memref_squeeze %dma_start3A_289 : memref<1x1x1x125xi32, #tpu.memory_space<hbm>> -> memref<1x125xi32, #tpu.memory_space<hbm>>
      %dma_start3A_291 = arith.constant 0 : i32
      %dma_start3A_292 = arith.constant 0 : i32
      %dma_start3A_293 = tpu.memref_slice %arg8[%dma_start3A_282, %dma_start3A_291, %dma_start3A_292] : memref<4x1x125xi32, #tpu.memory_space<vmem>> -> memref<1x1x125xi32, #tpu.memory_space<vmem>>
      %dma_start3A_294 = tpu.memref_squeeze %dma_start3A_293 : memref<1x1x125xi32, #tpu.memory_space<vmem>> -> memref<1x125xi32, #tpu.memory_space<vmem>>
      %dma_start3A_295 = arith.constant 0 : i32
      %dma_start3A_296 = arith.constant 0 : i32
      %dma_start3A_297 = tpu.memref_slice %arg4[%add3A, %min3A_281, %dma_start3A_295, %dma_start3A_296] : memref<32x80x1x125xi32, #tpu.memory_space<hbm>> -> memref<1x1x1x125xi32, #tpu.memory_space<hbm>>
      %dma_start3A_298 = tpu.memref_squeeze %dma_start3A_297 : memref<1x1x1x125xi32, #tpu.memory_space<hbm>> -> memref<1x125xi32, #tpu.memory_space<hbm>>
      tpu.enqueue_dma source(%dma_start3A_298 : memref<1x125xi32, #tpu.memory_space<hbm>>) target(%dma_start3A_294 : memref<1x125xi32, #tpu.memory_space<vmem>>) target_semaphore(%arg15 : memref<!tpu.dma_semaphore, #tpu.memory_space<semaphore_mem>>)
      %add3A_299 = arith.constant 2 : i32
      %add3A_300 = arith.addi %add3A_249, %add3A_299 : i32
      %min3A_301 = arith.constant 79 : i32
      %min3A_302 = arith.minsi %add3A_300, %min3A_301 : i32
      %dma_start3A_303 = arith.constant 0 : i32
      %dma_start3A_304 = arith.constant 0 : i32
      %dma_start3A_305 = tpu.memref_slice %arg7[%min3A_302, %dma_start3A_303, %dma_start3A_304] : memref<80x1x125xi32, #tpu.memory_space<vmem>> -> memref<1x1x125xi32, #tpu.memory_space<vmem>>
      %dma_start3A_306 = tpu.memref_squeeze %dma_start3A_305 : memref<1x1x125xi32, #tpu.memory_space<vmem>> -> memref<125xi32, #tpu.memory_space<vmem>>
      %dma_start3A_307 = arith.constant 0 : i32
      %dma_start3A_308 = arith.constant 0 : i32
      %dma_start3A_309 = tpu.memref_slice %arg2[%dma_start3A_307, %dma_start3A_308] : memref<10240x128xf32, #tpu.memory_space<hbm>> -> memref<10240x128xf32, #tpu.memory_space<hbm>>
      tpu.enqueue_indirect_dma source(%dma_start3A_309 : memref<10240x128xf32, #tpu.memory_space<hbm>>) target(%arg10 : memref<125x128xf32, #tpu.memory_space<vmem>>) offsets(%dma_start3A_306 : memref<125xi32, #tpu.memory_space<vmem>>) semaphore(%arg13 : memref<!tpu.dma_semaphore, #tpu.memory_space<semaphore_mem>>)
      %mul3A_310 = arith.constant 4 : i32
      %mul3A_311 = arith.muli %scan3A_183, %mul3A_310 : i32
      %add3A_312 = arith.constant 2 : i32
      %add3A_313 = arith.addi %mul3A_311, %add3A_312 : i32
      %dma_wait3A_314 = arith.constant 2 : i32
      %dma_wait3A_315 = arith.constant 0 : i32
      %dma_wait3A_316 = arith.constant 0 : i32
      %dma_wait3A_317 = tpu.memref_slice %arg7[%dma_wait3A_314, %dma_wait3A_315, %dma_wait3A_316] : memref<80x1x125xi32, #tpu.memory_space<vmem>> -> memref<1x1x125xi32, #tpu.memory_space<vmem>>
      %dma_wait3A_318 = tpu.memref_squeeze %dma_wait3A_317 : memref<1x1x125xi32, #tpu.memory_space<vmem>> -> memref<125xi32, #tpu.memory_space<vmem>>
      %dma_wait3A_319 = arith.constant 0 : i32
      %dma_wait3A_320 = arith.constant 0 : i32
      %dma_wait3A_321 = tpu.memref_slice %arg2[%dma_wait3A_319, %dma_wait3A_320] : memref<10240x128xf32, #tpu.memory_space<hbm>> -> memref<10240x128xf32, #tpu.memory_space<hbm>>
      tpu.wait_indirect_dma semaphore(%arg12 : memref<!tpu.dma_semaphore, #tpu.memory_space<semaphore_mem>>) src(%dma_wait3A_321 : memref<10240x128xf32, #tpu.memory_space<hbm>>) dst(%arg9 : memref<125x128xf32, #tpu.memory_space<vmem>>)
      %dma_wait3A_322 = arith.constant 0 : i32
      %dma_wait3A_323 = arith.constant 2 : i32
      %dma_wait3A_324 = arith.constant 0 : i32
      %dma_wait3A_325 = arith.constant 0 : i32
      %dma_wait3A_326 = tpu.memref_slice %arg8[%dma_wait3A_323, %dma_wait3A_324, %dma_wait3A_325] : memref<4x1x125xi32, #tpu.memory_space<vmem>> -> memref<1x1x125xi32, #tpu.memory_space<vmem>>
      %dma_wait3A_327 = tpu.memref_squeeze %dma_wait3A_326 : memref<1x1x125xi32, #tpu.memory_space<vmem>> -> memref<1x125xi32, #tpu.memory_space<vmem>>
      %dma_wait3A_328 = arith.constant 0 : i32
      %dma_wait3A_329 = arith.constant 0 : i32
      %dma_wait3A_330 = tpu.memref_slice %arg4[%add3A, %dma_wait3A_322, %dma_wait3A_328, %dma_wait3A_329] : memref<32x80x1x125xi32, #tpu.memory_space<hbm>> -> memref<1x1x1x125xi32, #tpu.memory_space<hbm>>
      %dma_wait3A_331 = tpu.memref_squeeze %dma_wait3A_330 : memref<1x1x1x125xi32, #tpu.memory_space<hbm>> -> memref<1x125xi32, #tpu.memory_space<hbm>>
      %dma_wait3A_332 = arith.constant 0 : i32
      %dma_wait3A_333 = arith.constant 0 : i32
      %dma_wait3A_334 = tpu.memref_slice %arg8[%dma_wait3A_323, %dma_wait3A_332, %dma_wait3A_333] : memref<4x1x125xi32, #tpu.memory_space<vmem>> -> memref<1x1x125xi32, #tpu.memory_space<vmem>>
      %dma_wait3A_335 = tpu.memref_squeeze %dma_wait3A_334 : memref<1x1x125xi32, #tpu.memory_space<vmem>> -> memref<1x125xi32, #tpu.memory_space<vmem>>
      %dma_wait3A_336 = arith.constant 0 : i32
      %dma_wait3A_337 = arith.constant 0 : i32
      %dma_wait3A_338 = tpu.memref_slice %arg4[%add3A, %dma_wait3A_322, %dma_wait3A_336, %dma_wait3A_337] : memref<32x80x1x125xi32, #tpu.memory_space<hbm>> -> memref<1x1x1x125xi32, #tpu.memory_space<hbm>>
      %dma_wait3A_339 = tpu.memref_squeeze %dma_wait3A_338 : memref<1x1x1x125xi32, #tpu.memory_space<hbm>> -> memref<1x125xi32, #tpu.memory_space<hbm>>
      tpu.wait_dma2 semaphore(%arg16 : memref<!tpu.dma_semaphore, #tpu.memory_space<semaphore_mem>>) src(%dma_wait3A_339 : memref<1x125xi32, #tpu.memory_space<hbm>>) dst(%dma_wait3A_335 : memref<1x125xi32, #tpu.memory_space<vmem>>)
      %run_scoped3A_340 = arith.constant 2 : i32
      %run_scoped3A_341 = arith.constant 0 : i32
      "tpu.region"() ({
        %run_scoped3A_438 = tpu.sem_alloc : memref<!tpu.dma_semaphore, #tpu.memory_space<semaphore_mem>>
        %dma_start3A_439 = arith.constant 0 : i32
        %dma_start3A_440 = tpu.memref_slice %arg8[%run_scoped3A_340, %run_scoped3A_341, %dma_start3A_439] : memref<4x1x125xi32, #tpu.memory_space<vmem>> -> memref<1x1x125xi32, #tpu.memory_space<vmem>>
        %dma_start3A_441 = tpu.memref_squeeze %dma_start3A_440 : memref<1x1x125xi32, #tpu.memory_space<vmem>> -> memref<125xi32, #tpu.memory_space<vmem>>
        %dma_start3A_442 = arith.constant 0 : i32
        %dma_start3A_443 = arith.constant 0 : i32
        %dma_start3A_444 = tpu.memref_slice %arg11[%dma_start3A_442, %dma_start3A_443] : memref<10240x128xf32, #tpu.memory_space<vmem_shared>> -> memref<10240x128xf32, #tpu.memory_space<vmem_shared>>
        tpu.enqueue_indirect_dma source(%arg9 : memref<125x128xf32, #tpu.memory_space<vmem>>) target(%dma_start3A_444 : memref<10240x128xf32, #tpu.memory_space<vmem_shared>>) offsets(%dma_start3A_441 : memref<125xi32, #tpu.memory_space<vmem>>) semaphore(%run_scoped3A_438 : memref<!tpu.dma_semaphore, #tpu.memory_space<semaphore_mem>>) {add = true}
        %dma_wait3A_445 = arith.constant 0 : i32
        %dma_wait3A_446 = tpu.memref_slice %arg8[%run_scoped3A_340, %run_scoped3A_341, %dma_wait3A_445] : memref<4x1x125xi32, #tpu.memory_space<vmem>> -> memref<1x1x125xi32, #tpu.memory_space<vmem>>
        %dma_wait3A_447 = tpu.memref_squeeze %dma_wait3A_446 : memref<1x1x125xi32, #tpu.memory_space<vmem>> -> memref<125xi32, #tpu.memory_space<vmem>>
        %dma_wait3A_448 = arith.constant 0 : i32
        %dma_wait3A_449 = arith.constant 0 : i32
        %dma_wait3A_450 = tpu.memref_slice %arg11[%dma_wait3A_448, %dma_wait3A_449] : memref<10240x128xf32, #tpu.memory_space<vmem_shared>> -> memref<10240x128xf32, #tpu.memory_space<vmem_shared>>
        tpu.wait_indirect_dma semaphore(%run_scoped3A_438 : memref<!tpu.dma_semaphore, #tpu.memory_space<semaphore_mem>>) src(%arg9 : memref<125x128xf32, #tpu.memory_space<vmem>>) dst(%dma_wait3A_450 : memref<10240x128xf32, #tpu.memory_space<vmem_shared>>)
        tpu.yield
      }) : () -> ()
      %add3A_342 = arith.constant 4 : i32
      %add3A_343 = arith.addi %add3A_313, %add3A_342 : i32
      %min3A_344 = arith.constant 79 : i32
      %min3A_345 = arith.minsi %add3A_343, %min3A_344 : i32
      %dma_start3A_346 = arith.constant 2 : i32
      %dma_start3A_347 = arith.constant 0 : i32
      %dma_start3A_348 = arith.constant 0 : i32
      %dma_start3A_349 = tpu.memref_slice %arg8[%dma_start3A_346, %dma_start3A_347, %dma_start3A_348] : memref<4x1x125xi32, #tpu.memory_space<vmem>> -> memref<1x1x125xi32, #tpu.memory_space<vmem>>
      %dma_start3A_350 = tpu.memref_squeeze %dma_start3A_349 : memref<1x1x125xi32, #tpu.memory_space<vmem>> -> memref<1x125xi32, #tpu.memory_space<vmem>>
      %dma_start3A_351 = arith.constant 0 : i32
      %dma_start3A_352 = arith.constant 0 : i32
      %dma_start3A_353 = tpu.memref_slice %arg4[%add3A, %min3A_345, %dma_start3A_351, %dma_start3A_352] : memref<32x80x1x125xi32, #tpu.memory_space<hbm>> -> memref<1x1x1x125xi32, #tpu.memory_space<hbm>>
      %dma_start3A_354 = tpu.memref_squeeze %dma_start3A_353 : memref<1x1x1x125xi32, #tpu.memory_space<hbm>> -> memref<1x125xi32, #tpu.memory_space<hbm>>
      %dma_start3A_355 = arith.constant 0 : i32
      %dma_start3A_356 = arith.constant 0 : i32
      %dma_start3A_357 = tpu.memref_slice %arg8[%dma_start3A_346, %dma_start3A_355, %dma_start3A_356] : memref<4x1x125xi32, #tpu.memory_space<vmem>> -> memref<1x1x125xi32, #tpu.memory_space<vmem>>
      %dma_start3A_358 = tpu.memref_squeeze %dma_start3A_357 : memref<1x1x125xi32, #tpu.memory_space<vmem>> -> memref<1x125xi32, #tpu.memory_space<vmem>>
      %dma_start3A_359 = arith.constant 0 : i32
      %dma_start3A_360 = arith.constant 0 : i32
      %dma_start3A_361 = tpu.memref_slice %arg4[%add3A, %min3A_345, %dma_start3A_359, %dma_start3A_360] : memref<32x80x1x125xi32, #tpu.memory_space<hbm>> -> memref<1x1x1x125xi32, #tpu.memory_space<hbm>>
      %dma_start3A_362 = tpu.memref_squeeze %dma_start3A_361 : memref<1x1x1x125xi32, #tpu.memory_space<hbm>> -> memref<1x125xi32, #tpu.memory_space<hbm>>
      tpu.enqueue_dma source(%dma_start3A_362 : memref<1x125xi32, #tpu.memory_space<hbm>>) target(%dma_start3A_358 : memref<1x125xi32, #tpu.memory_space<vmem>>) target_semaphore(%arg16 : memref<!tpu.dma_semaphore, #tpu.memory_space<semaphore_mem>>)
      %add3A_363 = arith.constant 2 : i32
      %add3A_364 = arith.addi %add3A_313, %add3A_363 : i32
      %min3A_365 = arith.constant 79 : i32
      %min3A_366 = arith.minsi %add3A_364, %min3A_365 : i32
      %dma_start3A_367 = arith.constant 0 : i32
      %dma_start3A_368 = arith.constant 0 : i32
      %dma_start3A_369 = tpu.memref_slice %arg7[%min3A_366, %dma_start3A_367, %dma_start3A_368] : memref<80x1x125xi32, #tpu.memory_space<vmem>> -> memref<1x1x125xi32, #tpu.memory_space<vmem>>
      %dma_start3A_370 = tpu.memref_squeeze %dma_start3A_369 : memref<1x1x125xi32, #tpu.memory_space<vmem>> -> memref<125xi32, #tpu.memory_space<vmem>>
      %dma_start3A_371 = arith.constant 0 : i32
      %dma_start3A_372 = arith.constant 0 : i32
      %dma_start3A_373 = tpu.memref_slice %arg2[%dma_start3A_371, %dma_start3A_372] : memref<10240x128xf32, #tpu.memory_space<hbm>> -> memref<10240x128xf32, #tpu.memory_space<hbm>>
      tpu.enqueue_indirect_dma source(%dma_start3A_373 : memref<10240x128xf32, #tpu.memory_space<hbm>>) target(%arg9 : memref<125x128xf32, #tpu.memory_space<vmem>>) offsets(%dma_start3A_370 : memref<125xi32, #tpu.memory_space<vmem>>) semaphore(%arg12 : memref<!tpu.dma_semaphore, #tpu.memory_space<semaphore_mem>>)
      %mul3A_374 = arith.constant 4 : i32
      %mul3A_375 = arith.muli %scan3A_183, %mul3A_374 : i32
      %add3A_376 = arith.constant 3 : i32
      %add3A_377 = arith.addi %mul3A_375, %add3A_376 : i32
      %dma_wait3A_378 = arith.constant 3 : i32
      %dma_wait3A_379 = arith.constant 0 : i32
      %dma_wait3A_380 = arith.constant 0 : i32
      %dma_wait3A_381 = tpu.memref_slice %arg7[%dma_wait3A_378, %dma_wait3A_379, %dma_wait3A_380] : memref<80x1x125xi32, #tpu.memory_space<vmem>> -> memref<1x1x125xi32, #tpu.memory_space<vmem>>
      %dma_wait3A_382 = tpu.memref_squeeze %dma_wait3A_381 : memref<1x1x125xi32, #tpu.memory_space<vmem>> -> memref<125xi32, #tpu.memory_space<vmem>>
      %dma_wait3A_383 = arith.constant 0 : i32
      %dma_wait3A_384 = arith.constant 0 : i32
      %dma_wait3A_385 = tpu.memref_slice %arg2[%dma_wait3A_383, %dma_wait3A_384] : memref<10240x128xf32, #tpu.memory_space<hbm>> -> memref<10240x128xf32, #tpu.memory_space<hbm>>
      tpu.wait_indirect_dma semaphore(%arg13 : memref<!tpu.dma_semaphore, #tpu.memory_space<semaphore_mem>>) src(%dma_wait3A_385 : memref<10240x128xf32, #tpu.memory_space<hbm>>) dst(%arg10 : memref<125x128xf32, #tpu.memory_space<vmem>>)
      %dma_wait3A_386 = arith.constant 0 : i32
      %dma_wait3A_387 = arith.constant 3 : i32
      %dma_wait3A_388 = arith.constant 0 : i32
      %dma_wait3A_389 = arith.constant 0 : i32
      %dma_wait3A_390 = tpu.memref_slice %arg8[%dma_wait3A_387, %dma_wait3A_388, %dma_wait3A_389] : memref<4x1x125xi32, #tpu.memory_space<vmem>> -> memref<1x1x125xi32, #tpu.memory_space<vmem>>
      %dma_wait3A_391 = tpu.memref_squeeze %dma_wait3A_390 : memref<1x1x125xi32, #tpu.memory_space<vmem>> -> memref<1x125xi32, #tpu.memory_space<vmem>>
      %dma_wait3A_392 = arith.constant 0 : i32
      %dma_wait3A_393 = arith.constant 0 : i32
      %dma_wait3A_394 = tpu.memref_slice %arg4[%add3A, %dma_wait3A_386, %dma_wait3A_392, %dma_wait3A_393] : memref<32x80x1x125xi32, #tpu.memory_space<hbm>> -> memref<1x1x1x125xi32, #tpu.memory_space<hbm>>
      %dma_wait3A_395 = tpu.memref_squeeze %dma_wait3A_394 : memref<1x1x1x125xi32, #tpu.memory_space<hbm>> -> memref<1x125xi32, #tpu.memory_space<hbm>>
      %dma_wait3A_396 = arith.constant 0 : i32
      %dma_wait3A_397 = arith.constant 0 : i32
      %dma_wait3A_398 = tpu.memref_slice %arg8[%dma_wait3A_387, %dma_wait3A_396, %dma_wait3A_397] : memref<4x1x125xi32, #tpu.memory_space<vmem>> -> memref<1x1x125xi32, #tpu.memory_space<vmem>>
      %dma_wait3A_399 = tpu.memref_squeeze %dma_wait3A_398 : memref<1x1x125xi32, #tpu.memory_space<vmem>> -> memref<1x125xi32, #tpu.memory_space<vmem>>
      %dma_wait3A_400 = arith.constant 0 : i32
      %dma_wait3A_401 = arith.constant 0 : i32
      %dma_wait3A_402 = tpu.memref_slice %arg4[%add3A, %dma_wait3A_386, %dma_wait3A_400, %dma_wait3A_401] : memref<32x80x1x125xi32, #tpu.memory_space<hbm>> -> memref<1x1x1x125xi32, #tpu.memory_space<hbm>>
      %dma_wait3A_403 = tpu.memref_squeeze %dma_wait3A_402 : memref<1x1x1x125xi32, #tpu.memory_space<hbm>> -> memref<1x125xi32, #tpu.memory_space<hbm>>
      tpu.wait_dma2 semaphore(%arg17 : memref<!tpu.dma_semaphore, #tpu.memory_space<semaphore_mem>>) src(%dma_wait3A_403 : memref<1x125xi32, #tpu.memory_space<hbm>>) dst(%dma_wait3A_399 : memref<1x125xi32, #tpu.memory_space<vmem>>)
      %run_scoped3A_404 = arith.constant 3 : i32
      %run_scoped3A_405 = arith.constant 0 : i32
      "tpu.region"() ({
        %run_scoped3A_438 = tpu.sem_alloc : memref<!tpu.dma_semaphore, #tpu.memory_space<semaphore_mem>>
        %dma_start3A_439 = arith.constant 0 : i32
        %dma_start3A_440 = tpu.memref_slice %arg8[%run_scoped3A_404, %run_scoped3A_405, %dma_start3A_439] : memref<4x1x125xi32, #tpu.memory_space<vmem>> -> memref<1x1x125xi32, #tpu.memory_space<vmem>>
        %dma_start3A_441 = tpu.memref_squeeze %dma_start3A_440 : memref<1x1x125xi32, #tpu.memory_space<vmem>> -> memref<125xi32, #tpu.memory_space<vmem>>
        %dma_start3A_442 = arith.constant 0 : i32
        %dma_start3A_443 = arith.constant 0 : i32
        %dma_start3A_444 = tpu.memref_slice %arg11[%dma_start3A_442, %dma_start3A_443] : memref<10240x128xf32, #tpu.memory_space<vmem_shared>> -> memref<10240x128xf32, #tpu.memory_space<vmem_shared>>
        tpu.enqueue_indirect_dma source(%arg10 : memref<125x128xf32, #tpu.memory_space<vmem>>) target(%dma_start3A_444 : memref<10240x128xf32, #tpu.memory_space<vmem_shared>>) offsets(%dma_start3A_441 : memref<125xi32, #tpu.memory_space<vmem>>) semaphore(%run_scoped3A_438 : memref<!tpu.dma_semaphore, #tpu.memory_space<semaphore_mem>>) {add = true}
        %dma_wait3A_445 = arith.constant 0 : i32
        %dma_wait3A_446 = tpu.memref_slice %arg8[%run_scoped3A_404, %run_scoped3A_405, %dma_wait3A_445] : memref<4x1x125xi32, #tpu.memory_space<vmem>> -> memref<1x1x125xi32, #tpu.memory_space<vmem>>
        %dma_wait3A_447 = tpu.memref_squeeze %dma_wait3A_446 : memref<1x1x125xi32, #tpu.memory_space<vmem>> -> memref<125xi32, #tpu.memory_space<vmem>>
        %dma_wait3A_448 = arith.constant 0 : i32
        %dma_wait3A_449 = arith.constant 0 : i32
        %dma_wait3A_450 = tpu.memref_slice %arg11[%dma_wait3A_448, %dma_wait3A_449] : memref<10240x128xf32, #tpu.memory_space<vmem_shared>> -> memref<10240x128xf32, #tpu.memory_space<vmem_shared>>
        tpu.wait_indirect_dma semaphore(%run_scoped3A_438 : memref<!tpu.dma_semaphore, #tpu.memory_space<semaphore_mem>>) src(%arg10 : memref<125x128xf32, #tpu.memory_space<vmem>>) dst(%dma_wait3A_450 : memref<10240x128xf32, #tpu.memory_space<vmem_shared>>)
        tpu.yield
      }) : () -> ()
      %add3A_406 = arith.constant 4 : i32
      %add3A_407 = arith.addi %add3A_377, %add3A_406 : i32
      %min3A_408 = arith.constant 79 : i32
      %min3A_409 = arith.minsi %add3A_407, %min3A_408 : i32
      %dma_start3A_410 = arith.constant 3 : i32
      %dma_start3A_411 = arith.constant 0 : i32
      %dma_start3A_412 = arith.constant 0 : i32
      %dma_start3A_413 = tpu.memref_slice %arg8[%dma_start3A_410, %dma_start3A_411, %dma_start3A_412] : memref<4x1x125xi32, #tpu.memory_space<vmem>> -> memref<1x1x125xi32, #tpu.memory_space<vmem>>
      %dma_start3A_414 = tpu.memref_squeeze %dma_start3A_413 : memref<1x1x125xi32, #tpu.memory_space<vmem>> -> memref<1x125xi32, #tpu.memory_space<vmem>>
      %dma_start3A_415 = arith.constant 0 : i32
      %dma_start3A_416 = arith.constant 0 : i32
      %dma_start3A_417 = tpu.memref_slice %arg4[%add3A, %min3A_409, %dma_start3A_415, %dma_start3A_416] : memref<32x80x1x125xi32, #tpu.memory_space<hbm>> -> memref<1x1x1x125xi32, #tpu.memory_space<hbm>>
      %dma_start3A_418 = tpu.memref_squeeze %dma_start3A_417 : memref<1x1x1x125xi32, #tpu.memory_space<hbm>> -> memref<1x125xi32, #tpu.memory_space<hbm>>
      %dma_start3A_419 = arith.constant 0 : i32
      %dma_start3A_420 = arith.constant 0 : i32
      %dma_start3A_421 = tpu.memref_slice %arg8[%dma_start3A_410, %dma_start3A_419, %dma_start3A_420] : memref<4x1x125xi32, #tpu.memory_space<vmem>> -> memref<1x1x125xi32, #tpu.memory_space<vmem>>
      %dma_start3A_422 = tpu.memref_squeeze %dma_start3A_421 : memref<1x1x125xi32, #tpu.memory_space<vmem>> -> memref<1x125xi32, #tpu.memory_space<vmem>>
      %dma_start3A_423 = arith.constant 0 : i32
      %dma_start3A_424 = arith.constant 0 : i32
      %dma_start3A_425 = tpu.memref_slice %arg4[%add3A, %min3A_409, %dma_start3A_423, %dma_start3A_424] : memref<32x80x1x125xi32, #tpu.memory_space<hbm>> -> memref<1x1x1x125xi32, #tpu.memory_space<hbm>>
      %dma_start3A_426 = tpu.memref_squeeze %dma_start3A_425 : memref<1x1x1x125xi32, #tpu.memory_space<hbm>> -> memref<1x125xi32, #tpu.memory_space<hbm>>
      tpu.enqueue_dma source(%dma_start3A_426 : memref<1x125xi32, #tpu.memory_space<hbm>>) target(%dma_start3A_422 : memref<1x125xi32, #tpu.memory_space<vmem>>) target_semaphore(%arg17 : memref<!tpu.dma_semaphore, #tpu.memory_space<semaphore_mem>>)
      %add3A_427 = arith.constant 2 : i32
      %add3A_428 = arith.addi %add3A_377, %add3A_427 : i32
      %min3A_429 = arith.constant 79 : i32
      %min3A_430 = arith.minsi %add3A_428, %min3A_429 : i32
      %dma_start3A_431 = arith.constant 0 : i32
      %dma_start3A_432 = arith.constant 0 : i32
      %dma_start3A_433 = tpu.memref_slice %arg7[%min3A_430, %dma_start3A_431, %dma_start3A_432] : memref<80x1x125xi32, #tpu.memory_space<vmem>> -> memref<1x1x125xi32, #tpu.memory_space<vmem>>
      %dma_start3A_434 = tpu.memref_squeeze %dma_start3A_433 : memref<1x1x125xi32, #tpu.memory_space<vmem>> -> memref<125xi32, #tpu.memory_space<vmem>>
      %dma_start3A_435 = arith.constant 0 : i32
      %dma_start3A_436 = arith.constant 0 : i32
      %dma_start3A_437 = tpu.memref_slice %arg2[%dma_start3A_435, %dma_start3A_436] : memref<10240x128xf32, #tpu.memory_space<hbm>> -> memref<10240x128xf32, #tpu.memory_space<hbm>>
      tpu.enqueue_indirect_dma source(%dma_start3A_437 : memref<10240x128xf32, #tpu.memory_space<hbm>>) target(%arg10 : memref<125x128xf32, #tpu.memory_space<vmem>>) offsets(%dma_start3A_434 : memref<125xi32, #tpu.memory_space<vmem>>) semaphore(%arg13 : memref<!tpu.dma_semaphore, #tpu.memory_space<semaphore_mem>>)
    }
    %scan3A_94 = arith.constant 20 : i32
    %dma_wait3A = arith.constant 0 : i32
    %dma_wait3A_95 = arith.constant 0 : i32
    %dma_wait3A_96 = arith.constant 0 : i32
    %dma_wait3A_97 = tpu.memref_slice %arg7[%dma_wait3A, %dma_wait3A_95, %dma_wait3A_96] : memref<80x1x125xi32, #tpu.memory_space<vmem>> -> memref<1x1x125xi32, #tpu.memory_space<vmem>>
    %dma_wait3A_98 = tpu.memref_squeeze %dma_wait3A_97 : memref<1x1x125xi32, #tpu.memory_space<vmem>> -> memref<125xi32, #tpu.memory_space<vmem>>
    %dma_wait3A_99 = arith.constant 0 : i32
    %dma_wait3A_100 = arith.constant 0 : i32
    %dma_wait3A_101 = tpu.memref_slice %arg2[%dma_wait3A_99, %dma_wait3A_100] : memref<10240x128xf32, #tpu.memory_space<hbm>> -> memref<10240x128xf32, #tpu.memory_space<hbm>>
    tpu.wait_indirect_dma semaphore(%arg12 : memref<!tpu.dma_semaphore, #tpu.memory_space<semaphore_mem>>) src(%dma_wait3A_101 : memref<10240x128xf32, #tpu.memory_space<hbm>>) dst(%arg9 : memref<125x128xf32, #tpu.memory_space<vmem>>)
    %dma_wait3A_102 = arith.constant 1 : i32
    %dma_wait3A_103 = arith.constant 0 : i32
    %dma_wait3A_104 = arith.constant 0 : i32
    %dma_wait3A_105 = tpu.memref_slice %arg7[%dma_wait3A_102, %dma_wait3A_103, %dma_wait3A_104] : memref<80x1x125xi32, #tpu.memory_space<vmem>> -> memref<1x1x125xi32, #tpu.memory_space<vmem>>
    %dma_wait3A_106 = tpu.memref_squeeze %dma_wait3A_105 : memref<1x1x125xi32, #tpu.memory_space<vmem>> -> memref<125xi32, #tpu.memory_space<vmem>>
    %dma_wait3A_107 = arith.constant 0 : i32
    %dma_wait3A_108 = arith.constant 0 : i32
    %dma_wait3A_109 = tpu.memref_slice %arg2[%dma_wait3A_107, %dma_wait3A_108] : memref<10240x128xf32, #tpu.memory_space<hbm>> -> memref<10240x128xf32, #tpu.memory_space<hbm>>
    tpu.wait_indirect_dma semaphore(%arg13 : memref<!tpu.dma_semaphore, #tpu.memory_space<semaphore_mem>>) src(%dma_wait3A_109 : memref<10240x128xf32, #tpu.memory_space<hbm>>) dst(%arg10 : memref<125x128xf32, #tpu.memory_space<vmem>>)
    %dma_wait3A_110 = arith.constant 0 : i32
    %dma_wait3A_111 = arith.constant 0 : i32
    %dma_wait3A_112 = arith.constant 0 : i32
    %dma_wait3A_113 = arith.constant 0 : i32
    %dma_wait3A_114 = tpu.memref_slice %arg8[%dma_wait3A_111, %dma_wait3A_112, %dma_wait3A_113] : memref<4x1x125xi32, #tpu.memory_space<vmem>> -> memref<1x1x125xi32, #tpu.memory_space<vmem>>
    %dma_wait3A_115 = tpu.memref_squeeze %dma_wait3A_114 : memref<1x1x125xi32, #tpu.memory_space<vmem>> -> memref<1x125xi32, #tpu.memory_space<vmem>>
    %dma_wait3A_116 = arith.constant 0 : i32
    %dma_wait3A_117 = arith.constant 0 : i32
    %dma_wait3A_118 = tpu.memref_slice %arg4[%add3A, %dma_wait3A_110, %dma_wait3A_116, %dma_wait3A_117] : memref<32x80x1x125xi32, #tpu.memory_space<hbm>> -> memref<1x1x1x125xi32, #tpu.memory_space<hbm>>
    %dma_wait3A_119 = tpu.memref_squeeze %dma_wait3A_118 : memref<1x1x1x125xi32, #tpu.memory_space<hbm>> -> memref<1x125xi32, #tpu.memory_space<hbm>>
    %dma_wait3A_120 = arith.constant 0 : i32
    %dma_wait3A_121 = arith.constant 0 : i32
    %dma_wait3A_122 = tpu.memref_slice %arg8[%dma_wait3A_111, %dma_wait3A_120, %dma_wait3A_121] : memref<4x1x125xi32, #tpu.memory_space<vmem>> -> memref<1x1x125xi32, #tpu.memory_space<vmem>>
    %dma_wait3A_123 = tpu.memref_squeeze %dma_wait3A_122 : memref<1x1x125xi32, #tpu.memory_space<vmem>> -> memref<1x125xi32, #tpu.memory_space<vmem>>
    %dma_wait3A_124 = arith.constant 0 : i32
    %dma_wait3A_125 = arith.constant 0 : i32
    %dma_wait3A_126 = tpu.memref_slice %arg4[%add3A, %dma_wait3A_110, %dma_wait3A_124, %dma_wait3A_125] : memref<32x80x1x125xi32, #tpu.memory_space<hbm>> -> memref<1x1x1x125xi32, #tpu.memory_space<hbm>>
    %dma_wait3A_127 = tpu.memref_squeeze %dma_wait3A_126 : memref<1x1x1x125xi32, #tpu.memory_space<hbm>> -> memref<1x125xi32, #tpu.memory_space<hbm>>
    tpu.wait_dma2 semaphore(%arg14 : memref<!tpu.dma_semaphore, #tpu.memory_space<semaphore_mem>>) src(%dma_wait3A_127 : memref<1x125xi32, #tpu.memory_space<hbm>>) dst(%dma_wait3A_123 : memref<1x125xi32, #tpu.memory_space<vmem>>)
    %dma_wait3A_128 = arith.constant 0 : i32
    %dma_wait3A_129 = arith.constant 1 : i32
    %dma_wait3A_130 = arith.constant 0 : i32
    %dma_wait3A_131 = arith.constant 0 : i32
    %dma_wait3A_132 = tpu.memref_slice %arg8[%dma_wait3A_129, %dma_wait3A_130, %dma_wait3A_131] : memref<4x1x125xi32, #tpu.memory_space<vmem>> -> memref<1x1x125xi32, #tpu.memory_space<vmem>>
    %dma_wait3A_133 = tpu.memref_squeeze %dma_wait3A_132 : memref<1x1x125xi32, #tpu.memory_space<vmem>> -> memref<1x125xi32, #tpu.memory_space<vmem>>
    %dma_wait3A_134 = arith.constant 0 : i32
    %dma_wait3A_135 = arith.constant 0 : i32
    %dma_wait3A_136 = tpu.memref_slice %arg4[%add3A, %dma_wait3A_128, %dma_wait3A_134, %dma_wait3A_135] : memref<32x80x1x125xi32, #tpu.memory_space<hbm>> -> memref<1x1x1x125xi32, #tpu.memory_space<hbm>>
    %dma_wait3A_137 = tpu.memref_squeeze %dma_wait3A_136 : memref<1x1x1x125xi32, #tpu.memory_space<hbm>> -> memref<1x125xi32, #tpu.memory_space<hbm>>
    %dma_wait3A_138 = arith.constant 0 : i32
    %dma_wait3A_139 = arith.constant 0 : i32
    %dma_wait3A_140 = tpu.memref_slice %arg8[%dma_wait3A_129, %dma_wait3A_138, %dma_wait3A_139] : memref<4x1x125xi32, #tpu.memory_space<vmem>> -> memref<1x1x125xi32, #tpu.memory_space<vmem>>
    %dma_wait3A_141 = tpu.memref_squeeze %dma_wait3A_140 : memref<1x1x125xi32, #tpu.memory_space<vmem>> -> memref<1x125xi32, #tpu.memory_space<vmem>>
    %dma_wait3A_142 = arith.constant 0 : i32
    %dma_wait3A_143 = arith.constant 0 : i32
    %dma_wait3A_144 = tpu.memref_slice %arg4[%add3A, %dma_wait3A_128, %dma_wait3A_142, %dma_wait3A_143] : memref<32x80x1x125xi32, #tpu.memory_space<hbm>> -> memref<1x1x1x125xi32, #tpu.memory_space<hbm>>
    %dma_wait3A_145 = tpu.memref_squeeze %dma_wait3A_144 : memref<1x1x1x125xi32, #tpu.memory_space<hbm>> -> memref<1x125xi32, #tpu.memory_space<hbm>>
    tpu.wait_dma2 semaphore(%arg15 : memref<!tpu.dma_semaphore, #tpu.memory_space<semaphore_mem>>) src(%dma_wait3A_145 : memref<1x125xi32, #tpu.memory_space<hbm>>) dst(%dma_wait3A_141 : memref<1x125xi32, #tpu.memory_space<vmem>>)
    %dma_wait3A_146 = arith.constant 0 : i32
    %dma_wait3A_147 = arith.constant 2 : i32
    %dma_wait3A_148 = arith.constant 0 : i32
    %dma_wait3A_149 = arith.constant 0 : i32
    %dma_wait3A_150 = tpu.memref_slice %arg8[%dma_wait3A_147, %dma_wait3A_148, %dma_wait3A_149] : memref<4x1x125xi32, #tpu.memory_space<vmem>> -> memref<1x1x125xi32, #tpu.memory_space<vmem>>
    %dma_wait3A_151 = tpu.memref_squeeze %dma_wait3A_150 : memref<1x1x125xi32, #tpu.memory_space<vmem>> -> memref<1x125xi32, #tpu.memory_space<vmem>>
    %dma_wait3A_152 = arith.constant 0 : i32
    %dma_wait3A_153 = arith.constant 0 : i32
    %dma_wait3A_154 = tpu.memref_slice %arg4[%add3A, %dma_wait3A_146, %dma_wait3A_152, %dma_wait3A_153] : memref<32x80x1x125xi32, #tpu.memory_space<hbm>> -> memref<1x1x1x125xi32, #tpu.memory_space<hbm>>
    %dma_wait3A_155 = tpu.memref_squeeze %dma_wait3A_154 : memref<1x1x1x125xi32, #tpu.memory_space<hbm>> -> memref<1x125xi32, #tpu.memory_space<hbm>>
    %dma_wait3A_156 = arith.constant 0 : i32
    %dma_wait3A_157 = arith.constant 0 : i32
    %dma_wait3A_158 = tpu.memref_slice %arg8[%dma_wait3A_147, %dma_wait3A_156, %dma_wait3A_157] : memref<4x1x125xi32, #tpu.memory_space<vmem>> -> memref<1x1x125xi32, #tpu.memory_space<vmem>>
    %dma_wait3A_159 = tpu.memref_squeeze %dma_wait3A_158 : memref<1x1x125xi32, #tpu.memory_space<vmem>> -> memref<1x125xi32, #tpu.memory_space<vmem>>
    %dma_wait3A_160 = arith.constant 0 : i32
    %dma_wait3A_161 = arith.constant 0 : i32
    %dma_wait3A_162 = tpu.memref_slice %arg4[%add3A, %dma_wait3A_146, %dma_wait3A_160, %dma_wait3A_161] : memref<32x80x1x125xi32, #tpu.memory_space<hbm>> -> memref<1x1x1x125xi32, #tpu.memory_space<hbm>>
    %dma_wait3A_163 = tpu.memref_squeeze %dma_wait3A_162 : memref<1x1x1x125xi32, #tpu.memory_space<hbm>> -> memref<1x125xi32, #tpu.memory_space<hbm>>
    tpu.wait_dma2 semaphore(%arg16 : memref<!tpu.dma_semaphore, #tpu.memory_space<semaphore_mem>>) src(%dma_wait3A_163 : memref<1x125xi32, #tpu.memory_space<hbm>>) dst(%dma_wait3A_159 : memref<1x125xi32, #tpu.memory_space<vmem>>)
    %dma_wait3A_164 = arith.constant 0 : i32
    %dma_wait3A_165 = arith.constant 3 : i32
    %dma_wait3A_166 = arith.constant 0 : i32
    %dma_wait3A_167 = arith.constant 0 : i32
    %dma_wait3A_168 = tpu.memref_slice %arg8[%dma_wait3A_165, %dma_wait3A_166, %dma_wait3A_167] : memref<4x1x125xi32, #tpu.memory_space<vmem>> -> memref<1x1x125xi32, #tpu.memory_space<vmem>>
    %dma_wait3A_169 = tpu.memref_squeeze %dma_wait3A_168 : memref<1x1x125xi32, #tpu.memory_space<vmem>> -> memref<1x125xi32, #tpu.memory_space<vmem>>
    %dma_wait3A_170 = arith.constant 0 : i32
    %dma_wait3A_171 = arith.constant 0 : i32
    %dma_wait3A_172 = tpu.memref_slice %arg4[%add3A, %dma_wait3A_164, %dma_wait3A_170, %dma_wait3A_171] : memref<32x80x1x125xi32, #tpu.memory_space<hbm>> -> memref<1x1x1x125xi32, #tpu.memory_space<hbm>>
    %dma_wait3A_173 = tpu.memref_squeeze %dma_wait3A_172 : memref<1x1x1x125xi32, #tpu.memory_space<hbm>> -> memref<1x125xi32, #tpu.memory_space<hbm>>
    %dma_wait3A_174 = arith.constant 0 : i32
    %dma_wait3A_175 = arith.constant 0 : i32
    %dma_wait3A_176 = tpu.memref_slice %arg8[%dma_wait3A_165, %dma_wait3A_174, %dma_wait3A_175] : memref<4x1x125xi32, #tpu.memory_space<vmem>> -> memref<1x1x125xi32, #tpu.memory_space<vmem>>
    %dma_wait3A_177 = tpu.memref_squeeze %dma_wait3A_176 : memref<1x1x125xi32, #tpu.memory_space<vmem>> -> memref<1x125xi32, #tpu.memory_space<vmem>>
    %dma_wait3A_178 = arith.constant 0 : i32
    %dma_wait3A_179 = arith.constant 0 : i32
    %dma_wait3A_180 = tpu.memref_slice %arg4[%add3A, %dma_wait3A_164, %dma_wait3A_178, %dma_wait3A_179] : memref<32x80x1x125xi32, #tpu.memory_space<hbm>> -> memref<1x1x1x125xi32, #tpu.memory_space<hbm>>
    %dma_wait3A_181 = tpu.memref_squeeze %dma_wait3A_180 : memref<1x1x1x125xi32, #tpu.memory_space<hbm>> -> memref<1x125xi32, #tpu.memory_space<hbm>>
    tpu.wait_dma2 semaphore(%arg17 : memref<!tpu.dma_semaphore, #tpu.memory_space<semaphore_mem>>) src(%dma_wait3A_181 : memref<1x125xi32, #tpu.memory_space<hbm>>) dst(%dma_wait3A_177 : memref<1x125xi32, #tpu.memory_space<vmem>>)
    %barrier3A_182 = arith.constant 0 : index
    tpu.barrier barrier_id(%barrier3A_182)
    "tpu.region"() ({
      %run_scoped3A = tpu.sem_alloc : memref<!tpu.dma_semaphore, #tpu.memory_space<semaphore_mem>>
      %dma_start3A_183 = arith.constant 0 : i32
      %dma_start3A_184 = tpu.memref_slice %arg6[%arg0, %mul3A_2, %dma_start3A_183] : memref<2x10240x128xf32, #tpu.memory_space<hbm>> -> memref<1x640x128xf32, #tpu.memory_space<hbm>>
      %dma_start3A_185 = tpu.memref_squeeze %dma_start3A_184 : memref<1x640x128xf32, #tpu.memory_space<hbm>> -> memref<640x128xf32, #tpu.memory_space<hbm>>
      %dma_start3A_186 = arith.constant 0 : i32
      %dma_start3A_187 = tpu.memref_slice %arg11[%mul3A_2, %dma_start3A_186] : memref<10240x128xf32, #tpu.memory_space<vmem_shared>> -> memref<640x128xf32, #tpu.memory_space<vmem_shared>>
      tpu.enqueue_dma source(%dma_start3A_187 : memref<640x128xf32, #tpu.memory_space<vmem_shared>>) target(%dma_start3A_185 : memref<640x128xf32, #tpu.memory_space<hbm>>) target_semaphore(%run_scoped3A : memref<!tpu.dma_semaphore, #tpu.memory_space<semaphore_mem>>)
      %dma_wait3A_188 = arith.constant 0 : i32
      %dma_wait3A_189 = tpu.memref_slice %arg6[%arg0, %mul3A_2, %dma_wait3A_188] : memref<2x10240x128xf32, #tpu.memory_space<hbm>> -> memref<1x640x128xf32, #tpu.memory_space<hbm>>
      %dma_wait3A_190 = tpu.memref_squeeze %dma_wait3A_189 : memref<1x640x128xf32, #tpu.memory_space<hbm>> -> memref<640x128xf32, #tpu.memory_space<hbm>>
      %dma_wait3A_191 = arith.constant 0 : i32
      %dma_wait3A_192 = tpu.memref_slice %arg11[%mul3A_2, %dma_wait3A_191] : memref<10240x128xf32, #tpu.memory_space<vmem_shared>> -> memref<640x128xf32, #tpu.memory_space<vmem_shared>>
      tpu.wait_dma2 semaphore(%run_scoped3A : memref<!tpu.dma_semaphore, #tpu.memory_space<semaphore_mem>>) src(%dma_wait3A_192 : memref<640x128xf32, #tpu.memory_space<vmem_shared>>) dst(%dma_wait3A_190 : memref<640x128xf32, #tpu.memory_space<hbm>>)
      tpu.yield
    }) : () -> ()
    return
  }
}

#map = affine_map<(d0, d1) -> (0, 0)>
#map1 = affine_map<(d0, d1) -> (0, 0, 0, 0)>
#map2 = affine_map<(d0, d1) -> (0, 0, 0)>
module attributes {stable_mosaic.version = 14 : i64} {
  func.func @body(%arg0: i32, %arg1: i32, %arg2: memref<10240x128xf32, #tpu.memory_space<hbm>>, %arg3: memref<32x80x1x125xi32, #tpu.memory_space<hbm>>, %arg4: memref<32x80x1x125xi32, #tpu.memory_space<hbm>>, %arg5: memref<640x128xf32, #tpu.memory_space<hbm>>, %arg6: memref<2x10240x128xf32, #tpu.memory_space<hbm>>, %arg7: memref<80x1x125xi32, #tpu.memory_space<vmem>>, %arg8: memref<4x1x125xi32, #tpu.memory_space<vmem>>, %arg9: memref<125x128xf32, #tpu.memory_space<vmem>>, %arg10: memref<125x128xf32, #tpu.memory_space<vmem>>, %arg11: memref<10240x128xf32, #tpu.memory_space<vmem_shared>>, %arg12: memref<!tpu.dma_semaphore, #tpu.memory_space<semaphore_mem>>, %arg13: memref<!tpu.dma_semaphore, #tpu.memory_space<semaphore_mem>>, %arg14: memref<!tpu.dma_semaphore, #tpu.memory_space<semaphore_mem>>, %arg15: memref<!tpu.dma_semaphore, #tpu.memory_space<semaphore_mem>>, %arg16: memref<!tpu.dma_semaphore, #tpu.memory_space<semaphore_mem>>, %arg17: memref<!tpu.dma_semaphore, #tpu.memory_space<semaphore_mem>>) attributes {dimension_semantics = [#tpu.dimension_semantics<core_parallel>, #tpu.dimension_semantics<subcore_parallel>], iteration_bounds = array<i64: 2, 16>, scalar_prefetch = 0 : i64, scratch_operands = 11 : i64, tpu.core_type = #tpu.core_type<sc_vector_subcore>, window_params = [{transform_indices = #map}, {transform_indices = #map1}, {transform_indices = #map1}, {transform_indices = #map}, {transform_indices = #map2}]} {
    %mul3A = arith.constant 16 : i32
    %mul3A_0 = arith.muli %arg0, %mul3A : i32
    %add3A = arith.addi %mul3A_0, %arg1 : i32
    %mul3A_1 = arith.constant 640 : i32
    %mul3A_2 = arith.muli %arg1, %mul3A_1 : i32
    "tpu.region"() ({
      %run_scoped3A = tpu.sem_alloc : memref<!tpu.dma_semaphore, #tpu.memory_space<semaphore_mem>>
      %dma_start3A_183 = arith.constant 0 : i32
      %dma_start3A_184 = tpu.memref_slice %arg11[%mul3A_2, %dma_start3A_183] : memref<10240x128xf32, #tpu.memory_space<vmem_shared>> -> memref<640x128xf32, #tpu.memory_space<vmem_shared>>
      tpu.enqueue_dma source(%arg5 : memref<640x128xf32, #tpu.memory_space<hbm>>) target(%dma_start3A_184 : memref<640x128xf32, #tpu.memory_space<vmem_shared>>) target_semaphore(%run_scoped3A : memref<!tpu.dma_semaphore, #tpu.memory_space<semaphore_mem>>)
      %dma_wait3A_185 = arith.constant 0 : i32
      %dma_wait3A_186 = tpu.memref_slice %arg11[%mul3A_2, %dma_wait3A_185] : memref<10240x128xf32, #tpu.memory_space<vmem_shared>> -> memref<640x128xf32, #tpu.memory_space<vmem_shared>>
      tpu.wait_dma2 semaphore(%run_scoped3A : memref<!tpu.dma_semaphore, #tpu.memory_space<semaphore_mem>>) src(%arg5 : memref<640x128xf32, #tpu.memory_space<hbm>>) dst(%dma_wait3A_186 : memref<640x128xf32, #tpu.memory_space<vmem_shared>>)
      tpu.yield
    }) : () -> ()
    "tpu.region"() ({
      %run_scoped3A = tpu.sem_alloc : memref<!tpu.dma_semaphore, #tpu.memory_space<semaphore_mem>>
      %dma_start3A_183 = arith.constant 0 : i32
      %dma_start3A_184 = arith.constant 0 : i32
      %dma_start3A_185 = arith.constant 0 : i32
      %dma_start3A_186 = tpu.memref_slice %arg3[%add3A, %dma_start3A_183, %dma_start3A_184, %dma_start3A_185] : memref<32x80x1x125xi32, #tpu.memory_space<hbm>> -> memref<1x80x1x125xi32, #tpu.memory_space<hbm>>
      %dma_start3A_187 = tpu.memref_squeeze %dma_start3A_186 : memref<1x80x1x125xi32, #tpu.memory_space<hbm>> -> memref<80x1x125xi32, #tpu.memory_space<hbm>>
      %dma_start3A_188 = arith.constant 0 : i32
      %dma_start3A_189 = arith.constant 0 : i32
      %dma_start3A_190 = arith.constant 0 : i32
      %dma_start3A_191 = tpu.memref_slice %arg3[%add3A, %dma_start3A_188, %dma_start3A_189, %dma_start3A_190] : memref<32x80x1x125xi32, #tpu.memory_space<hbm>> -> memref<1x80x1x125xi32, #tpu.memory_space<hbm>>
      %dma_start3A_192 = tpu.memref_squeeze %dma_start3A_191 : memref<1x80x1x125xi32, #tpu.memory_space<hbm>> -> memref<80x1x125xi32, #tpu.memory_space<hbm>>
      tpu.enqueue_dma source(%dma_start3A_192 : memref<80x1x125xi32, #tpu.memory_space<hbm>>) target(%arg7 : memref<80x1x125xi32, #tpu.memory_space<vmem>>) target_semaphore(%run_scoped3A : memref<!tpu.dma_semaphore, #tpu.memory_space<semaphore_mem>>)
      %dma_wait3A_193 = arith.constant 0 : i32
      %dma_wait3A_194 = arith.constant 0 : i32
      %dma_wait3A_195 = arith.constant 0 : i32
      %dma_wait3A_196 = tpu.memref_slice %arg3[%add3A, %dma_wait3A_193, %dma_wait3A_194, %dma_wait3A_195] : memref<32x80x1x125xi32, #tpu.memory_space<hbm>> -> memref<1x80x1x125xi32, #tpu.memory_space<hbm>>
      %dma_wait3A_197 = tpu.memref_squeeze %dma_wait3A_196 : memref<1x80x1x125xi32, #tpu.memory_space<hbm>> -> memref<80x1x125xi32, #tpu.memory_space<hbm>>
      %dma_wait3A_198 = arith.constant 0 : i32
      %dma_wait3A_199 = arith.constant 0 : i32
      %dma_wait3A_200 = arith.constant 0 : i32
      %dma_wait3A_201 = tpu.memref_slice %arg3[%add3A, %dma_wait3A_198, %dma_wait3A_199, %dma_wait3A_200] : memref<32x80x1x125xi32, #tpu.memory_space<hbm>> -> memref<1x80x1x125xi32, #tpu.memory_space<hbm>>
      %dma_wait3A_202 = tpu.memref_squeeze %dma_wait3A_201 : memref<1x80x1x125xi32, #tpu.memory_space<hbm>> -> memref<80x1x125xi32, #tpu.memory_space<hbm>>
      tpu.wait_dma2 semaphore(%run_scoped3A : memref<!tpu.dma_semaphore, #tpu.memory_space<semaphore_mem>>) src(%dma_wait3A_202 : memref<80x1x125xi32, #tpu.memory_space<hbm>>) dst(%arg7 : memref<80x1x125xi32, #tpu.memory_space<vmem>>)
      tpu.yield
    }) : () -> ()
    %dma_start3A = arith.constant 0 : i32
    %dma_start3A_3 = arith.constant 0 : i32
    %dma_start3A_4 = arith.constant 0 : i32
    %dma_start3A_5 = arith.constant 0 : i32
    %dma_start3A_6 = tpu.memref_slice %arg8[%dma_start3A_3, %dma_start3A_4, %dma_start3A_5] : memref<4x1x125xi32, #tpu.memory_space<vmem>> -> memref<1x1x125xi32, #tpu.memory_space<vmem>>
    %dma_start3A_7 = tpu.memref_squeeze %dma_start3A_6 : memref<1x1x125xi32, #tpu.memory_space<vmem>> -> memref<1x125xi32, #tpu.memory_space<vmem>>
    %dma_start3A_8 = arith.constant 0 : i32
    %dma_start3A_9 = arith.constant 0 : i32
    %dma_start3A_10 = tpu.memref_slice %arg4[%add3A, %dma_start3A, %dma_start3A_8, %dma_start3A_9] : memref<32x80x1x125xi32, #tpu.memory_space<hbm>> -> memref<1x1x1x125xi32, #tpu.memory_space<hbm>>
    %dma_start3A_11 = tpu.memref_squeeze %dma_start3A_10 : memref<1x1x1x125xi32, #tpu.memory_space<hbm>> -> memref<1x125xi32, #tpu.memory_space<hbm>>
    %dma_start3A_12 = arith.constant 0 : i32
    %dma_start3A_13 = arith.constant 0 : i32
    %dma_start3A_14 = tpu.memref_slice %arg8[%dma_start3A_3, %dma_start3A_12, %dma_start3A_13] : memref<4x1x125xi32, #tpu.memory_space<vmem>> -> memref<1x1x125xi32, #tpu.memory_space<vmem>>
    %dma_start3A_15 = tpu.memref_squeeze %dma_start3A_14 : memref<1x1x125xi32, #tpu.memory_space<vmem>> -> memref<1x125xi32, #tpu.memory_space<vmem>>
    %dma_start3A_16 = arith.constant 0 : i32
    %dma_start3A_17 = arith.constant 0 : i32
    %dma_start3A_18 = tpu.memref_slice %arg4[%add3A, %dma_start3A, %dma_start3A_16, %dma_start3A_17] : memref<32x80x1x125xi32, #tpu.memory_space<hbm>> -> memref<1x1x1x125xi32, #tpu.memory_space<hbm>>
    %dma_start3A_19 = tpu.memref_squeeze %dma_start3A_18 : memref<1x1x1x125xi32, #tpu.memory_space<hbm>> -> memref<1x125xi32, #tpu.memory_space<hbm>>
    tpu.enqueue_dma source(%dma_start3A_19 : memref<1x125xi32, #tpu.memory_space<hbm>>) target(%dma_start3A_15 : memref<1x125xi32, #tpu.memory_space<vmem>>) target_semaphore(%arg14 : memref<!tpu.dma_semaphore, #tpu.memory_space<semaphore_mem>>)
    %dma_start3A_20 = arith.constant 1 : i32
    %dma_start3A_21 = arith.constant 1 : i32
    %dma_start3A_22 = arith.constant 0 : i32
    %dma_start3A_23 = arith.constant 0 : i32
    %dma_start3A_24 = tpu.memref_slice %arg8[%dma_start3A_21, %dma_start3A_22, %dma_start3A_23] : memref<4x1x125xi32, #tpu.memory_space<vmem>> -> memref<1x1x125xi32, #tpu.memory_space<vmem>>
    %dma_start3A_25 = tpu.memref_squeeze %dma_start3A_24 : memref<1x1x125xi32, #tpu.memory_space<vmem>> -> memref<1x125xi32, #tpu.memory_space<vmem>>
    %dma_start3A_26 = arith.constant 0 : i32
    %dma_start3A_27 = arith.constant 0 : i32
    %dma_start3A_28 = tpu.memref_slice %arg4[%add3A, %dma_start3A_20, %dma_start3A_26, %dma_start3A_27] : memref<32x80x1x125xi32, #tpu.memory_space<hbm>> -> memref<1x1x1x125xi32, #tpu.memory_space<hbm>>
    %dma_start3A_29 = tpu.memref_squeeze %dma_start3A_28 : memref<1x1x1x125xi32, #tpu.memory_space<hbm>> -> memref<1x125xi32, #tpu.memory_space<hbm>>
    %dma_start3A_30 = arith.constant 0 : i32
    %dma_start3A_31 = arith.constant 0 : i32
    %dma_start3A_32 = tpu.memref_slice %arg8[%dma_start3A_21, %dma_start3A_30, %dma_start3A_31] : memref<4x1x125xi32, #tpu.memory_space<vmem>> -> memref<1x1x125xi32, #tpu.memory_space<vmem>>
    %dma_start3A_33 = tpu.memref_squeeze %dma_start3A_32 : memref<1x1x125xi32, #tpu.memory_space<vmem>> -> memref<1x125xi32, #tpu.memory_space<vmem>>
    %dma_start3A_34 = arith.constant 0 : i32
    %dma_start3A_35 = arith.constant 0 : i32
    %dma_start3A_36 = tpu.memref_slice %arg4[%add3A, %dma_start3A_20, %dma_start3A_34, %dma_start3A_35] : memref<32x80x1x125xi32, #tpu.memory_space<hbm>> -> memref<1x1x1x125xi32, #tpu.memory_space<hbm>>
    %dma_start3A_37 = tpu.memref_squeeze %dma_start3A_36 : memref<1x1x1x125xi32, #tpu.memory_space<hbm>> -> memref<1x125xi32, #tpu.memory_space<hbm>>
    tpu.enqueue_dma source(%dma_start3A_37 : memref<1x125xi32, #tpu.memory_space<hbm>>) target(%dma_start3A_33 : memref<1x125xi32, #tpu.memory_space<vmem>>) target_semaphore(%arg15 : memref<!tpu.dma_semaphore, #tpu.memory_space<semaphore_mem>>)
    %dma_start3A_38 = arith.constant 2 : i32
    %dma_start3A_39 = arith.constant 2 : i32
    %dma_start3A_40 = arith.constant 0 : i32
    %dma_start3A_41 = arith.constant 0 : i32
    %dma_start3A_42 = tpu.memref_slice %arg8[%dma_start3A_39, %dma_start3A_40, %dma_start3A_41] : memref<4x1x125xi32, #tpu.memory_space<vmem>> -> memref<1x1x125xi32, #tpu.memory_space<vmem>>
    %dma_start3A_43 = tpu.memref_squeeze %dma_start3A_42 : memref<1x1x125xi32, #tpu.memory_space<vmem>> -> memref<1x125xi32, #tpu.memory_space<vmem>>
    %dma_start3A_44 = arith.constant 0 : i32
    %dma_start3A_45 = arith.constant 0 : i32
    %dma_start3A_46 = tpu.memref_slice %arg4[%add3A, %dma_start3A_38, %dma_start3A_44, %dma_start3A_45] : memref<32x80x1x125xi32, #tpu.memory_space<hbm>> -> memref<1x1x1x125xi32, #tpu.memory_space<hbm>>
    %dma_start3A_47 = tpu.memref_squeeze %dma_start3A_46 : memref<1x1x1x125xi32, #tpu.memory_space<hbm>> -> memref<1x125xi32, #tpu.memory_space<hbm>>
    %dma_start3A_48 = arith.constant 0 : i32
    %dma_start3A_49 = arith.constant 0 : i32
    %dma_start3A_50 = tpu.memref_slice %arg8[%dma_start3A_39, %dma_start3A_48, %dma_start3A_49] : memref<4x1x125xi32, #tpu.memory_space<vmem>> -> memref<1x1x125xi32, #tpu.memory_space<vmem>>
    %dma_start3A_51 = tpu.memref_squeeze %dma_start3A_50 : memref<1x1x125xi32, #tpu.memory_space<vmem>> -> memref<1x125xi32, #tpu.memory_space<vmem>>
    %dma_start3A_52 = arith.constant 0 : i32
    %dma_start3A_53 = arith.constant 0 : i32
    %dma_start3A_54 = tpu.memref_slice %arg4[%add3A, %dma_start3A_38, %dma_start3A_52, %dma_start3A_53] : memref<32x80x1x125xi32, #tpu.memory_space<hbm>> -> memref<1x1x1x125xi32, #tpu.memory_space<hbm>>
    %dma_start3A_55 = tpu.memref_squeeze %dma_start3A_54 : memref<1x1x1x125xi32, #tpu.memory_space<hbm>> -> memref<1x125xi32, #tpu.memory_space<hbm>>
    tpu.enqueue_dma source(%dma_start3A_55 : memref<1x125xi32, #tpu.memory_space<hbm>>) target(%dma_start3A_51 : memref<1x125xi32, #tpu.memory_space<vmem>>) target_semaphore(%arg16 : memref<!tpu.dma_semaphore, #tpu.memory_space<semaphore_mem>>)
    %dma_start3A_56 = arith.constant 3 : i32
    %dma_start3A_57 = arith.constant 3 : i32
    %dma_start3A_58 = arith.constant 0 : i32
    %dma_start3A_59 = arith.constant 0 : i32
    %dma_start3A_60 = tpu.memref_slice %arg8[%dma_start3A_57, %dma_start3A_58, %dma_start3A_59] : memref<4x1x125xi32, #tpu.memory_space<vmem>> -> memref<1x1x125xi32, #tpu.memory_space<vmem>>
    %dma_start3A_61 = tpu.memref_squeeze %dma_start3A_60 : memref<1x1x125xi32, #tpu.memory_space<vmem>> -> memref<1x125xi32, #tpu.memory_space<vmem>>
    %dma_start3A_62 = arith.constant 0 : i32
    %dma_start3A_63 = arith.constant 0 : i32
    %dma_start3A_64 = tpu.memref_slice %arg4[%add3A, %dma_start3A_56, %dma_start3A_62, %dma_start3A_63] : memref<32x80x1x125xi32, #tpu.memory_space<hbm>> -> memref<1x1x1x125xi32, #tpu.memory_space<hbm>>
    %dma_start3A_65 = tpu.memref_squeeze %dma_start3A_64 : memref<1x1x1x125xi32, #tpu.memory_space<hbm>> -> memref<1x125xi32, #tpu.memory_space<hbm>>
    %dma_start3A_66 = arith.constant 0 : i32
    %dma_start3A_67 = arith.constant 0 : i32
    %dma_start3A_68 = tpu.memref_slice %arg8[%dma_start3A_57, %dma_start3A_66, %dma_start3A_67] : memref<4x1x125xi32, #tpu.memory_space<vmem>> -> memref<1x1x125xi32, #tpu.memory_space<vmem>>
    %dma_start3A_69 = tpu.memref_squeeze %dma_start3A_68 : memref<1x1x125xi32, #tpu.memory_space<vmem>> -> memref<1x125xi32, #tpu.memory_space<vmem>>
    %dma_start3A_70 = arith.constant 0 : i32
    %dma_start3A_71 = arith.constant 0 : i32
    %dma_start3A_72 = tpu.memref_slice %arg4[%add3A, %dma_start3A_56, %dma_start3A_70, %dma_start3A_71] : memref<32x80x1x125xi32, #tpu.memory_space<hbm>> -> memref<1x1x1x125xi32, #tpu.memory_space<hbm>>
    %dma_start3A_73 = tpu.memref_squeeze %dma_start3A_72 : memref<1x1x1x125xi32, #tpu.memory_space<hbm>> -> memref<1x125xi32, #tpu.memory_space<hbm>>
    tpu.enqueue_dma source(%dma_start3A_73 : memref<1x125xi32, #tpu.memory_space<hbm>>) target(%dma_start3A_69 : memref<1x125xi32, #tpu.memory_space<vmem>>) target_semaphore(%arg17 : memref<!tpu.dma_semaphore, #tpu.memory_space<semaphore_mem>>)
    %dma_start3A_74 = arith.constant 0 : i32
    %dma_start3A_75 = arith.constant 0 : i32
    %dma_start3A_76 = arith.constant 0 : i32
    %dma_start3A_77 = tpu.memref_slice %arg7[%dma_start3A_74, %dma_start3A_75, %dma_start3A_76] : memref<80x1x125xi32, #tpu.memory_space<vmem>> -> memref<1x1x125xi32, #tpu.memory_space<vmem>>
    %dma_start3A_78 = tpu.memref_squeeze %dma_start3A_77 : memref<1x1x125xi32, #tpu.memory_space<vmem>> -> memref<125xi32, #tpu.memory_space<vmem>>
    %dma_start3A_79 = arith.constant 0 : i32
    %dma_start3A_80 = arith.constant 0 : i32
    %dma_start3A_81 = tpu.memref_slice %arg2[%dma_start3A_79, %dma_start3A_80] : memref<10240x128xf32, #tpu.memory_space<hbm>> -> memref<10240x128xf32, #tpu.memory_space<hbm>>
    tpu.enqueue_indirect_dma source(%dma_start3A_81 : memref<10240x128xf32, #tpu.memory_space<hbm>>) target(%arg9 : memref<125x128xf32, #tpu.memory_space<vmem>>) offsets(%dma_start3A_78 : memref<125xi32, #tpu.memory_space<vmem>>) semaphore(%arg12 : memref<!tpu.dma_semaphore, #tpu.memory_space<semaphore_mem>>)
    %dma_start3A_82 = arith.constant 1 : i32
    %dma_start3A_83 = arith.constant 0 : i32
    %dma_start3A_84 = arith.constant 0 : i32
    %dma_start3A_85 = tpu.memref_slice %arg7[%dma_start3A_82, %dma_start3A_83, %dma_start3A_84] : memref<80x1x125xi32, #tpu.memory_space<vmem>> -> memref<1x1x125xi32, #tpu.memory_space<vmem>>
    %dma_start3A_86 = tpu.memref_squeeze %dma_start3A_85 : memref<1x1x125xi32, #tpu.memory_space<vmem>> -> memref<125xi32, #tpu.memory_space<vmem>>
    %dma_start3A_87 = arith.constant 0 : i32
    %dma_start3A_88 = arith.constant 0 : i32
    %dma_start3A_89 = tpu.memref_slice %arg2[%dma_start3A_87, %dma_start3A_88] : memref<10240x128xf32, #tpu.memory_space<hbm>> -> memref<10240x128xf32, #tpu.memory_space<hbm>>
    tpu.enqueue_indirect_dma source(%dma_start3A_89 : memref<10240x128xf32, #tpu.memory_space<hbm>>) target(%arg10 : memref<125x128xf32, #tpu.memory_space<vmem>>) offsets(%dma_start3A_86 : memref<125xi32, #tpu.memory_space<vmem>>) semaphore(%arg13 : memref<!tpu.dma_semaphore, #tpu.memory_space<semaphore_mem>>)
    %barrier3A = arith.constant 0 : index
    tpu.barrier barrier_id(%barrier3A)
    %scan3A = arith.constant 0 : i32
    %scan3A_90 = arith.constant 0 : i32
    %scan3A_91 = arith.constant 20 : i32
    %scan3A_92 = arith.addi %scan3A_90, %scan3A_91 : i32
    %scan3A_93 = arith.constant 1 : i32
    scf.for %scan3A_183 = %scan3A_90 to %scan3A_92 step %scan3A_93  : i32 {
      %mul3A_184 = arith.constant 4 : i32
      %mul3A_185 = arith.muli %scan3A_183, %mul3A_184 : i32
      %add3A_186 = arith.constant 0 : i32
      %add3A_187 = arith.addi %mul3A_185, %add3A_186 : i32
      %dma_wait3A_188 = arith.constant 0 : i32
      %dma_wait3A_189 = arith.constant 0 : i32
      %dma_wait3A_190 = arith.constant 0 : i32
      %dma_wait3A_191 = tpu.memref_slice %arg7[%dma_wait3A_188, %dma_wait3A_189, %dma_wait3A_190] : memref<80x1x125xi32, #tpu.memory_space<vmem>> -> memref<1x1x125xi32, #tpu.memory_space<vmem>>
      %dma_wait3A_192 = tpu.memref_squeeze %dma_wait3A_191 : memref<1x1x125xi32, #tpu.memory_space<vmem>> -> memref<125xi32, #tpu.memory_space<vmem>>
      %dma_wait3A_193 = arith.constant 0 : i32
      %dma_wait3A_194 = arith.constant 0 : i32
      %dma_wait3A_195 = tpu.memref_slice %arg2[%dma_wait3A_193, %dma_wait3A_194] : memref<10240x128xf32, #tpu.memory_space<hbm>> -> memref<10240x128xf32, #tpu.memory_space<hbm>>
      tpu.wait_indirect_dma semaphore(%arg12 : memref<!tpu.dma_semaphore, #tpu.memory_space<semaphore_mem>>) src(%dma_wait3A_195 : memref<10240x128xf32, #tpu.memory_space<hbm>>) dst(%arg9 : memref<125x128xf32, #tpu.memory_space<vmem>>)
      %dma_wait3A_196 = arith.constant 0 : i32
      %dma_wait3A_197 = arith.constant 0 : i32
      %dma_wait3A_198 = arith.constant 0 : i32
      %dma_wait3A_199 = arith.constant 0 : i32
      %dma_wait3A_200 = tpu.memref_slice %arg8[%dma_wait3A_197, %dma_wait3A_198, %dma_wait3A_199] : memref<4x1x125xi32, #tpu.memory_space<vmem>> -> memref<1x1x125xi32, #tpu.memory_space<vmem>>
      %dma_wait3A_201 = tpu.memref_squeeze %dma_wait3A_200 : memref<1x1x125xi32, #tpu.memory_space<vmem>> -> memref<1x125xi32, #tpu.memory_space<vmem>>
      %dma_wait3A_202 = arith.constant 0 : i32
      %dma_wait3A_203 = arith.constant 0 : i32
      %dma_wait3A_204 = tpu.memref_slice %arg4[%add3A, %dma_wait3A_196, %dma_wait3A_202, %dma_wait3A_203] : memref<32x80x1x125xi32, #tpu.memory_space<hbm>> -> memref<1x1x1x125xi32, #tpu.memory_space<hbm>>
      %dma_wait3A_205 = tpu.memref_squeeze %dma_wait3A_204 : memref<1x1x1x125xi32, #tpu.memory_space<hbm>> -> memref<1x125xi32, #tpu.memory_space<hbm>>
      %dma_wait3A_206 = arith.constant 0 : i32
      %dma_wait3A_207 = arith.constant 0 : i32
      %dma_wait3A_208 = tpu.memref_slice %arg8[%dma_wait3A_197, %dma_wait3A_206, %dma_wait3A_207] : memref<4x1x125xi32, #tpu.memory_space<vmem>> -> memref<1x1x125xi32, #tpu.memory_space<vmem>>
      %dma_wait3A_209 = tpu.memref_squeeze %dma_wait3A_208 : memref<1x1x125xi32, #tpu.memory_space<vmem>> -> memref<1x125xi32, #tpu.memory_space<vmem>>
      %dma_wait3A_210 = arith.constant 0 : i32
      %dma_wait3A_211 = arith.constant 0 : i32
      %dma_wait3A_212 = tpu.memref_slice %arg4[%add3A, %dma_wait3A_196, %dma_wait3A_210, %dma_wait3A_211] : memref<32x80x1x125xi32, #tpu.memory_space<hbm>> -> memref<1x1x1x125xi32, #tpu.memory_space<hbm>>
      %dma_wait3A_213 = tpu.memref_squeeze %dma_wait3A_212 : memref<1x1x1x125xi32, #tpu.memory_space<hbm>> -> memref<1x125xi32, #tpu.memory_space<hbm>>
      tpu.wait_dma2 semaphore(%arg14 : memref<!tpu.dma_semaphore, #tpu.memory_space<semaphore_mem>>) src(%dma_wait3A_213 : memref<1x125xi32, #tpu.memory_space<hbm>>) dst(%dma_wait3A_209 : memref<1x125xi32, #tpu.memory_space<vmem>>)
      %run_scoped3A = arith.constant 0 : i32
      %run_scoped3A_214 = arith.constant 0 : i32
      "tpu.region"() ({
        %run_scoped3A_438 = tpu.sem_alloc : memref<!tpu.dma_semaphore, #tpu.memory_space<semaphore_mem>>
        %dma_start3A_439 = arith.constant 0 : i32
        %dma_start3A_440 = tpu.memref_slice %arg8[%run_scoped3A, %run_scoped3A_214, %dma_start3A_439] : memref<4x1x125xi32, #tpu.memory_space<vmem>> -> memref<1x1x125xi32, #tpu.memory_space<vmem>>
        %dma_start3A_441 = tpu.memref_squeeze %dma_start3A_440 : memref<1x1x125xi32, #tpu.memory_space<vmem>> -> memref<125xi32, #tpu.memory_space<vmem>>
        %dma_start3A_442 = arith.constant 0 : i32
        %dma_start3A_443 = arith.constant 0 : i32
        %dma_start3A_444 = tpu.memref_slice %arg11[%dma_start3A_442, %dma_start3A_443] : memref<10240x128xf32, #tpu.memory_space<vmem_shared>> -> memref<10240x128xf32, #tpu.memory_space<vmem_shared>>
        tpu.enqueue_indirect_dma source(%arg9 : memref<125x128xf32, #tpu.memory_space<vmem>>) target(%dma_start3A_444 : memref<10240x128xf32, #tpu.memory_space<vmem_shared>>) offsets(%dma_start3A_441 : memref<125xi32, #tpu.memory_space<vmem>>) semaphore(%run_scoped3A_438 : memref<!tpu.dma_semaphore, #tpu.memory_space<semaphore_mem>>) {add = true}
        %dma_wait3A_445 = arith.constant 0 : i32
        %dma_wait3A_446 = tpu.memref_slice %arg8[%run_scoped3A, %run_scoped3A_214, %dma_wait3A_445] : memref<4x1x125xi32, #tpu.memory_space<vmem>> -> memref<1x1x125xi32, #tpu.memory_space<vmem>>
        %dma_wait3A_447 = tpu.memref_squeeze %dma_wait3A_446 : memref<1x1x125xi32, #tpu.memory_space<vmem>> -> memref<125xi32, #tpu.memory_space<vmem>>
        %dma_wait3A_448 = arith.constant 0 : i32
        %dma_wait3A_449 = arith.constant 0 : i32
        %dma_wait3A_450 = tpu.memref_slice %arg11[%dma_wait3A_448, %dma_wait3A_449] : memref<10240x128xf32, #tpu.memory_space<vmem_shared>> -> memref<10240x128xf32, #tpu.memory_space<vmem_shared>>
        tpu.wait_indirect_dma semaphore(%run_scoped3A_438 : memref<!tpu.dma_semaphore, #tpu.memory_space<semaphore_mem>>) src(%arg9 : memref<125x128xf32, #tpu.memory_space<vmem>>) dst(%dma_wait3A_450 : memref<10240x128xf32, #tpu.memory_space<vmem_shared>>)
        tpu.yield
      }) : () -> ()
      %add3A_215 = arith.constant 4 : i32
      %add3A_216 = arith.addi %add3A_187, %add3A_215 : i32
      %min3A = arith.constant 79 : i32
      %min3A_217 = arith.minsi %add3A_216, %min3A : i32
      %dma_start3A_218 = arith.constant 0 : i32
      %dma_start3A_219 = arith.constant 0 : i32
      %dma_start3A_220 = arith.constant 0 : i32
      %dma_start3A_221 = tpu.memref_slice %arg8[%dma_start3A_218, %dma_start3A_219, %dma_start3A_220] : memref<4x1x125xi32, #tpu.memory_space<vmem>> -> memref<1x1x125xi32, #tpu.memory_space<vmem>>
      %dma_start3A_222 = tpu.memref_squeeze %dma_start3A_221 : memref<1x1x125xi32, #tpu.memory_space<vmem>> -> memref<1x125xi32, #tpu.memory_space<vmem>>
      %dma_start3A_223 = arith.constant 0 : i32
      %dma_start3A_224 = arith.constant 0 : i32
      %dma_start3A_225 = tpu.memref_slice %arg4[%add3A, %min3A_217, %dma_start3A_223, %dma_start3A_224] : memref<32x80x1x125xi32, #tpu.memory_space<hbm>> -> memref<1x1x1x125xi32, #tpu.memory_space<hbm>>
      %dma_start3A_226 = tpu.memref_squeeze %dma_start3A_225 : memref<1x1x1x125xi32, #tpu.memory_space<hbm>> -> memref<1x125xi32, #tpu.memory_space<hbm>>
      %dma_start3A_227 = arith.constant 0 : i32
      %dma_start3A_228 = arith.constant 0 : i32
      %dma_start3A_229 = tpu.memref_slice %arg8[%dma_start3A_218, %dma_start3A_227, %dma_start3A_228] : memref<4x1x125xi32, #tpu.memory_space<vmem>> -> memref<1x1x125xi32, #tpu.memory_space<vmem>>
      %dma_start3A_230 = tpu.memref_squeeze %dma_start3A_229 : memref<1x1x125xi32, #tpu.memory_space<vmem>> -> memref<1x125xi32, #tpu.memory_space<vmem>>
      %dma_start3A_231 = arith.constant 0 : i32
      %dma_start3A_232 = arith.constant 0 : i32
      %dma_start3A_233 = tpu.memref_slice %arg4[%add3A, %min3A_217, %dma_start3A_231, %dma_start3A_232] : memref<32x80x1x125xi32, #tpu.memory_space<hbm>> -> memref<1x1x1x125xi32, #tpu.memory_space<hbm>>
      %dma_start3A_234 = tpu.memref_squeeze %dma_start3A_233 : memref<1x1x1x125xi32, #tpu.memory_space<hbm>> -> memref<1x125xi32, #tpu.memory_space<hbm>>
      tpu.enqueue_dma source(%dma_start3A_234 : memref<1x125xi32, #tpu.memory_space<hbm>>) target(%dma_start3A_230 : memref<1x125xi32, #tpu.memory_space<vmem>>) target_semaphore(%arg14 : memref<!tpu.dma_semaphore, #tpu.memory_space<semaphore_mem>>)
      %add3A_235 = arith.constant 2 : i32
      %add3A_236 = arith.addi %add3A_187, %add3A_235 : i32
      %min3A_237 = arith.constant 79 : i32
      %min3A_238 = arith.minsi %add3A_236, %min3A_237 : i32
      %dma_start3A_239 = arith.constant 0 : i32
      %dma_start3A_240 = arith.constant 0 : i32
      %dma_start3A_241 = tpu.memref_slice %arg7[%min3A_238, %dma_start3A_239, %dma_start3A_240] : memref<80x1x125xi32, #tpu.memory_space<vmem>> -> memref<1x1x125xi32, #tpu.memory_space<vmem>>
      %dma_start3A_242 = tpu.memref_squeeze %dma_start3A_241 : memref<1x1x125xi32, #tpu.memory_space<vmem>> -> memref<125xi32, #tpu.memory_space<vmem>>
      %dma_start3A_243 = arith.constant 0 : i32
      %dma_start3A_244 = arith.constant 0 : i32
      %dma_start3A_245 = tpu.memref_slice %arg2[%dma_start3A_243, %dma_start3A_244] : memref<10240x128xf32, #tpu.memory_space<hbm>> -> memref<10240x128xf32, #tpu.memory_space<hbm>>
      tpu.enqueue_indirect_dma source(%dma_start3A_245 : memref<10240x128xf32, #tpu.memory_space<hbm>>) target(%arg9 : memref<125x128xf32, #tpu.memory_space<vmem>>) offsets(%dma_start3A_242 : memref<125xi32, #tpu.memory_space<vmem>>) semaphore(%arg12 : memref<!tpu.dma_semaphore, #tpu.memory_space<semaphore_mem>>)
      %mul3A_246 = arith.constant 4 : i32
      %mul3A_247 = arith.muli %scan3A_183, %mul3A_246 : i32
      %add3A_248 = arith.constant 1 : i32
      %add3A_249 = arith.addi %mul3A_247, %add3A_248 : i32
      %dma_wait3A_250 = arith.constant 1 : i32
      %dma_wait3A_251 = arith.constant 0 : i32
      %dma_wait3A_252 = arith.constant 0 : i32
      %dma_wait3A_253 = tpu.memref_slice %arg7[%dma_wait3A_250, %dma_wait3A_251, %dma_wait3A_252] : memref<80x1x125xi32, #tpu.memory_space<vmem>> -> memref<1x1x125xi32, #tpu.memory_space<vmem>>
      %dma_wait3A_254 = tpu.memref_squeeze %dma_wait3A_253 : memref<1x1x125xi32, #tpu.memory_space<vmem>> -> memref<125xi32, #tpu.memory_space<vmem>>
      %dma_wait3A_255 = arith.constant 0 : i32
      %dma_wait3A_256 = arith.constant 0 : i32
      %dma_wait3A_257 = tpu.memref_slice %arg2[%dma_wait3A_255, %dma_wait3A_256] : memref<10240x128xf32, #tpu.memory_space<hbm>> -> memref<10240x128xf32, #tpu.memory_space<hbm>>
      tpu.wait_indirect_dma semaphore(%arg13 : memref<!tpu.dma_semaphore, #tpu.memory_space<semaphore_mem>>) src(%dma_wait3A_257 : memref<10240x128xf32, #tpu.memory_space<hbm>>) dst(%arg10 : memref<125x128xf32, #tpu.memory_space<vmem>>)
      %dma_wait3A_258 = arith.constant 0 : i32
      %dma_wait3A_259 = arith.constant 1 : i32
      %dma_wait3A_260 = arith.constant 0 : i32
      %dma_wait3A_261 = arith.constant 0 : i32
      %dma_wait3A_262 = tpu.memref_slice %arg8[%dma_wait3A_259, %dma_wait3A_260, %dma_wait3A_261] : memref<4x1x125xi32, #tpu.memory_space<vmem>> -> memref<1x1x125xi32, #tpu.memory_space<vmem>>
      %dma_wait3A_263 = tpu.memref_squeeze %dma_wait3A_262 : memref<1x1x125xi32, #tpu.memory_space<vmem>> -> memref<1x125xi32, #tpu.memory_space<vmem>>
      %dma_wait3A_264 = arith.constant 0 : i32
      %dma_wait3A_265 = arith.constant 0 : i32
      %dma_wait3A_266 = tpu.memref_slice %arg4[%add3A, %dma_wait3A_258, %dma_wait3A_264, %dma_wait3A_265] : memref<32x80x1x125xi32, #tpu.memory_space<hbm>> -> memref<1x1x1x125xi32, #tpu.memory_space<hbm>>
      %dma_wait3A_267 = tpu.memref_squeeze %dma_wait3A_266 : memref<1x1x1x125xi32, #tpu.memory_space<hbm>> -> memref<1x125xi32, #tpu.memory_space<hbm>>
      %dma_wait3A_268 = arith.constant 0 : i32
      %dma_wait3A_269 = arith.constant 0 : i32
      %dma_wait3A_270 = tpu.memref_slice %arg8[%dma_wait3A_259, %dma_wait3A_268, %dma_wait3A_269] : memref<4x1x125xi32, #tpu.memory_space<vmem>> -> memref<1x1x125xi32, #tpu.memory_space<vmem>>
      %dma_wait3A_271 = tpu.memref_squeeze %dma_wait3A_270 : memref<1x1x125xi32, #tpu.memory_space<vmem>> -> memref<1x125xi32, #tpu.memory_space<vmem>>
      %dma_wait3A_272 = arith.constant 0 : i32
      %dma_wait3A_273 = arith.constant 0 : i32
      %dma_wait3A_274 = tpu.memref_slice %arg4[%add3A, %dma_wait3A_258, %dma_wait3A_272, %dma_wait3A_273] : memref<32x80x1x125xi32, #tpu.memory_space<hbm>> -> memref<1x1x1x125xi32, #tpu.memory_space<hbm>>
      %dma_wait3A_275 = tpu.memref_squeeze %dma_wait3A_274 : memref<1x1x1x125xi32, #tpu.memory_space<hbm>> -> memref<1x125xi32, #tpu.memory_space<hbm>>
      tpu.wait_dma2 semaphore(%arg15 : memref<!tpu.dma_semaphore, #tpu.memory_space<semaphore_mem>>) src(%dma_wait3A_275 : memref<1x125xi32, #tpu.memory_space<hbm>>) dst(%dma_wait3A_271 : memref<1x125xi32, #tpu.memory_space<vmem>>)
      %run_scoped3A_276 = arith.constant 1 : i32
      %run_scoped3A_277 = arith.constant 0 : i32
      "tpu.region"() ({
        %run_scoped3A_438 = tpu.sem_alloc : memref<!tpu.dma_semaphore, #tpu.memory_space<semaphore_mem>>
        %dma_start3A_439 = arith.constant 0 : i32
        %dma_start3A_440 = tpu.memref_slice %arg8[%run_scoped3A_276, %run_scoped3A_277, %dma_start3A_439] : memref<4x1x125xi32, #tpu.memory_space<vmem>> -> memref<1x1x125xi32, #tpu.memory_space<vmem>>
        %dma_start3A_441 = tpu.memref_squeeze %dma_start3A_440 : memref<1x1x125xi32, #tpu.memory_space<vmem>> -> memref<125xi32, #tpu.memory_space<vmem>>
        %dma_start3A_442 = arith.constant 0 : i32
        %dma_start3A_443 = arith.constant 0 : i32
        %dma_start3A_444 = tpu.memref_slice %arg11[%dma_start3A_442, %dma_start3A_443] : memref<10240x128xf32, #tpu.memory_space<vmem_shared>> -> memref<10240x128xf32, #tpu.memory_space<vmem_shared>>
        tpu.enqueue_indirect_dma source(%arg10 : memref<125x128xf32, #tpu.memory_space<vmem>>) target(%dma_start3A_444 : memref<10240x128xf32, #tpu.memory_space<vmem_shared>>) offsets(%dma_start3A_441 : memref<125xi32, #tpu.memory_space<vmem>>) semaphore(%run_scoped3A_438 : memref<!tpu.dma_semaphore, #tpu.memory_space<semaphore_mem>>) {add = true}
        %dma_wait3A_445 = arith.constant 0 : i32
        %dma_wait3A_446 = tpu.memref_slice %arg8[%run_scoped3A_276, %run_scoped3A_277, %dma_wait3A_445] : memref<4x1x125xi32, #tpu.memory_space<vmem>> -> memref<1x1x125xi32, #tpu.memory_space<vmem>>
        %dma_wait3A_447 = tpu.memref_squeeze %dma_wait3A_446 : memref<1x1x125xi32, #tpu.memory_space<vmem>> -> memref<125xi32, #tpu.memory_space<vmem>>
        %dma_wait3A_448 = arith.constant 0 : i32
        %dma_wait3A_449 = arith.constant 0 : i32
        %dma_wait3A_450 = tpu.memref_slice %arg11[%dma_wait3A_448, %dma_wait3A_449] : memref<10240x128xf32, #tpu.memory_space<vmem_shared>> -> memref<10240x128xf32, #tpu.memory_space<vmem_shared>>
        tpu.wait_indirect_dma semaphore(%run_scoped3A_438 : memref<!tpu.dma_semaphore, #tpu.memory_space<semaphore_mem>>) src(%arg10 : memref<125x128xf32, #tpu.memory_space<vmem>>) dst(%dma_wait3A_450 : memref<10240x128xf32, #tpu.memory_space<vmem_shared>>)
        tpu.yield
      }) : () -> ()
      %add3A_278 = arith.constant 4 : i32
      %add3A_279 = arith.addi %add3A_249, %add3A_278 : i32
      %min3A_280 = arith.constant 79 : i32
      %min3A_281 = arith.minsi %add3A_279, %min3A_280 : i32
      %dma_start3A_282 = arith.constant 1 : i32
      %dma_start3A_283 = arith.constant 0 : i32
      %dma_start3A_284 = arith.constant 0 : i32
      %dma_start3A_285 = tpu.memref_slice %arg8[%dma_start3A_282, %dma_start3A_283, %dma_start3A_284] : memref<4x1x125xi32, #tpu.memory_space<vmem>> -> memref<1x1x125xi32, #tpu.memory_space<vmem>>
      %dma_start3A_286 = tpu.memref_squeeze %dma_start3A_285 : memref<1x1x125xi32, #tpu.memory_space<vmem>> -> memref<1x125xi32, #tpu.memory_space<vmem>>
      %dma_start3A_287 = arith.constant 0 : i32
      %dma_start3A_288 = arith.constant 0 : i32
      %dma_start3A_289 = tpu.memref_slice %arg4[%add3A, %min3A_281, %dma_start3A_287, %dma_start3A_288] : memref<32x80x1x125xi32, #tpu.memory_space<hbm>> -> memref<1x1x1x125xi32, #tpu.memory_space<hbm>>
      %dma_start3A_290 = tpu.memref_squeeze %dma_start3A_289 : memref<1x1x1x125xi32, #tpu.memory_space<hbm>> -> memref<1x125xi32, #tpu.memory_space<hbm>>
      %dma_start3A_291 = arith.constant 0 : i32
      %dma_start3A_292 = arith.constant 0 : i32
      %dma_start3A_293 = tpu.memref_slice %arg8[%dma_start3A_282, %dma_start3A_291, %dma_start3A_292] : memref<4x1x125xi32, #tpu.memory_space<vmem>> -> memref<1x1x125xi32, #tpu.memory_space<vmem>>
      %dma_start3A_294 = tpu.memref_squeeze %dma_start3A_293 : memref<1x1x125xi32, #tpu.memory_space<vmem>> -> memref<1x125xi32, #tpu.memory_space<vmem>>
      %dma_start3A_295 = arith.constant 0 : i32
      %dma_start3A_296 = arith.constant 0 : i32
      %dma_start3A_297 = tpu.memref_slice %arg4[%add3A, %min3A_281, %dma_start3A_295, %dma_start3A_296] : memref<32x80x1x125xi32, #tpu.memory_space<hbm>> -> memref<1x1x1x125xi32, #tpu.memory_space<hbm>>
      %dma_start3A_298 = tpu.memref_squeeze %dma_start3A_297 : memref<1x1x1x125xi32, #tpu.memory_space<hbm>> -> memref<1x125xi32, #tpu.memory_space<hbm>>
      tpu.enqueue_dma source(%dma_start3A_298 : memref<1x125xi32, #tpu.memory_space<hbm>>) target(%dma_start3A_294 : memref<1x125xi32, #tpu.memory_space<vmem>>) target_semaphore(%arg15 : memref<!tpu.dma_semaphore, #tpu.memory_space<semaphore_mem>>)
      %add3A_299 = arith.constant 2 : i32
      %add3A_300 = arith.addi %add3A_249, %add3A_299 : i32
      %min3A_301 = arith.constant 79 : i32
      %min3A_302 = arith.minsi %add3A_300, %min3A_301 : i32
      %dma_start3A_303 = arith.constant 0 : i32
      %dma_start3A_304 = arith.constant 0 : i32
      %dma_start3A_305 = tpu.memref_slice %arg7[%min3A_302, %dma_start3A_303, %dma_start3A_304] : memref<80x1x125xi32, #tpu.memory_space<vmem>> -> memref<1x1x125xi32, #tpu.memory_space<vmem>>
      %dma_start3A_306 = tpu.memref_squeeze %dma_start3A_305 : memref<1x1x125xi32, #tpu.memory_space<vmem>> -> memref<125xi32, #tpu.memory_space<vmem>>
      %dma_start3A_307 = arith.constant 0 : i32
      %dma_start3A_308 = arith.constant 0 : i32
      %dma_start3A_309 = tpu.memref_slice %arg2[%dma_start3A_307, %dma_start3A_308] : memref<10240x128xf32, #tpu.memory_space<hbm>> -> memref<10240x128xf32, #tpu.memory_space<hbm>>
      tpu.enqueue_indirect_dma source(%dma_start3A_309 : memref<10240x128xf32, #tpu.memory_space<hbm>>) target(%arg10 : memref<125x128xf32, #tpu.memory_space<vmem>>) offsets(%dma_start3A_306 : memref<125xi32, #tpu.memory_space<vmem>>) semaphore(%arg13 : memref<!tpu.dma_semaphore, #tpu.memory_space<semaphore_mem>>)
      %mul3A_310 = arith.constant 4 : i32
      %mul3A_311 = arith.muli %scan3A_183, %mul3A_310 : i32
      %add3A_312 = arith.constant 2 : i32
      %add3A_313 = arith.addi %mul3A_311, %add3A_312 : i32
      %dma_wait3A_314 = arith.constant 2 : i32
      %dma_wait3A_315 = arith.constant 0 : i32
      %dma_wait3A_316 = arith.constant 0 : i32
      %dma_wait3A_317 = tpu.memref_slice %arg7[%dma_wait3A_314, %dma_wait3A_315, %dma_wait3A_316] : memref<80x1x125xi32, #tpu.memory_space<vmem>> -> memref<1x1x125xi32, #tpu.memory_space<vmem>>
      %dma_wait3A_318 = tpu.memref_squeeze %dma_wait3A_317 : memref<1x1x125xi32, #tpu.memory_space<vmem>> -> memref<125xi32, #tpu.memory_space<vmem>>
      %dma_wait3A_319 = arith.constant 0 : i32
      %dma_wait3A_320 = arith.constant 0 : i32
      %dma_wait3A_321 = tpu.memref_slice %arg2[%dma_wait3A_319, %dma_wait3A_320] : memref<10240x128xf32, #tpu.memory_space<hbm>> -> memref<10240x128xf32, #tpu.memory_space<hbm>>
      tpu.wait_indirect_dma semaphore(%arg12 : memref<!tpu.dma_semaphore, #tpu.memory_space<semaphore_mem>>) src(%dma_wait3A_321 : memref<10240x128xf32, #tpu.memory_space<hbm>>) dst(%arg9 : memref<125x128xf32, #tpu.memory_space<vmem>>)
      %dma_wait3A_322 = arith.constant 0 : i32
      %dma_wait3A_323 = arith.constant 2 : i32
      %dma_wait3A_324 = arith.constant 0 : i32
      %dma_wait3A_325 = arith.constant 0 : i32
      %dma_wait3A_326 = tpu.memref_slice %arg8[%dma_wait3A_323, %dma_wait3A_324, %dma_wait3A_325] : memref<4x1x125xi32, #tpu.memory_space<vmem>> -> memref<1x1x125xi32, #tpu.memory_space<vmem>>
      %dma_wait3A_327 = tpu.memref_squeeze %dma_wait3A_326 : memref<1x1x125xi32, #tpu.memory_space<vmem>> -> memref<1x125xi32, #tpu.memory_space<vmem>>
      %dma_wait3A_328 = arith.constant 0 : i32
      %dma_wait3A_329 = arith.constant 0 : i32
      %dma_wait3A_330 = tpu.memref_slice %arg4[%add3A, %dma_wait3A_322, %dma_wait3A_328, %dma_wait3A_329] : memref<32x80x1x125xi32, #tpu.memory_space<hbm>> -> memref<1x1x1x125xi32, #tpu.memory_space<hbm>>
      %dma_wait3A_331 = tpu.memref_squeeze %dma_wait3A_330 : memref<1x1x1x125xi32, #tpu.memory_space<hbm>> -> memref<1x125xi32, #tpu.memory_space<hbm>>
      %dma_wait3A_332 = arith.constant 0 : i32
      %dma_wait3A_333 = arith.constant 0 : i32
      %dma_wait3A_334 = tpu.memref_slice %arg8[%dma_wait3A_323, %dma_wait3A_332, %dma_wait3A_333] : memref<4x1x125xi32, #tpu.memory_space<vmem>> -> memref<1x1x125xi32, #tpu.memory_space<vmem>>
      %dma_wait3A_335 = tpu.memref_squeeze %dma_wait3A_334 : memref<1x1x125xi32, #tpu.memory_space<vmem>> -> memref<1x125xi32, #tpu.memory_space<vmem>>
      %dma_wait3A_336 = arith.constant 0 : i32
      %dma_wait3A_337 = arith.constant 0 : i32
      %dma_wait3A_338 = tpu.memref_slice %arg4[%add3A, %dma_wait3A_322, %dma_wait3A_336, %dma_wait3A_337] : memref<32x80x1x125xi32, #tpu.memory_space<hbm>> -> memref<1x1x1x125xi32, #tpu.memory_space<hbm>>
      %dma_wait3A_339 = tpu.memref_squeeze %dma_wait3A_338 : memref<1x1x1x125xi32, #tpu.memory_space<hbm>> -> memref<1x125xi32, #tpu.memory_space<hbm>>
      tpu.wait_dma2 semaphore(%arg16 : memref<!tpu.dma_semaphore, #tpu.memory_space<semaphore_mem>>) src(%dma_wait3A_339 : memref<1x125xi32, #tpu.memory_space<hbm>>) dst(%dma_wait3A_335 : memref<1x125xi32, #tpu.memory_space<vmem>>)
      %run_scoped3A_340 = arith.constant 2 : i32
      %run_scoped3A_341 = arith.constant 0 : i32
      "tpu.region"() ({
        %run_scoped3A_438 = tpu.sem_alloc : memref<!tpu.dma_semaphore, #tpu.memory_space<semaphore_mem>>
        %dma_start3A_439 = arith.constant 0 : i32
        %dma_start3A_440 = tpu.memref_slice %arg8[%run_scoped3A_340, %run_scoped3A_341, %dma_start3A_439] : memref<4x1x125xi32, #tpu.memory_space<vmem>> -> memref<1x1x125xi32, #tpu.memory_space<vmem>>
        %dma_start3A_441 = tpu.memref_squeeze %dma_start3A_440 : memref<1x1x125xi32, #tpu.memory_space<vmem>> -> memref<125xi32, #tpu.memory_space<vmem>>
        %dma_start3A_442 = arith.constant 0 : i32
        %dma_start3A_443 = arith.constant 0 : i32
        %dma_start3A_444 = tpu.memref_slice %arg11[%dma_start3A_442, %dma_start3A_443] : memref<10240x128xf32, #tpu.memory_space<vmem_shared>> -> memref<10240x128xf32, #tpu.memory_space<vmem_shared>>
        tpu.enqueue_indirect_dma source(%arg9 : memref<125x128xf32, #tpu.memory_space<vmem>>) target(%dma_start3A_444 : memref<10240x128xf32, #tpu.memory_space<vmem_shared>>) offsets(%dma_start3A_441 : memref<125xi32, #tpu.memory_space<vmem>>) semaphore(%run_scoped3A_438 : memref<!tpu.dma_semaphore, #tpu.memory_space<semaphore_mem>>) {add = true}
        %dma_wait3A_445 = arith.constant 0 : i32
        %dma_wait3A_446 = tpu.memref_slice %arg8[%run_scoped3A_340, %run_scoped3A_341, %dma_wait3A_445] : memref<4x1x125xi32, #tpu.memory_space<vmem>> -> memref<1x1x125xi32, #tpu.memory_space<vmem>>
        %dma_wait3A_447 = tpu.memref_squeeze %dma_wait3A_446 : memref<1x1x125xi32, #tpu.memory_space<vmem>> -> memref<125xi32, #tpu.memory_space<vmem>>
        %dma_wait3A_448 = arith.constant 0 : i32
        %dma_wait3A_449 = arith.constant 0 : i32
        %dma_wait3A_450 = tpu.memref_slice %arg11[%dma_wait3A_448, %dma_wait3A_449] : memref<10240x128xf32, #tpu.memory_space<vmem_shared>> -> memref<10240x128xf32, #tpu.memory_space<vmem_shared>>
        tpu.wait_indirect_dma semaphore(%run_scoped3A_438 : memref<!tpu.dma_semaphore, #tpu.memory_space<semaphore_mem>>) src(%arg9 : memref<125x128xf32, #tpu.memory_space<vmem>>) dst(%dma_wait3A_450 : memref<10240x128xf32, #tpu.memory_space<vmem_shared>>)
        tpu.yield
      }) : () -> ()
      %add3A_342 = arith.constant 4 : i32
      %add3A_343 = arith.addi %add3A_313, %add3A_342 : i32
      %min3A_344 = arith.constant 79 : i32
      %min3A_345 = arith.minsi %add3A_343, %min3A_344 : i32
      %dma_start3A_346 = arith.constant 2 : i32
      %dma_start3A_347 = arith.constant 0 : i32
      %dma_start3A_348 = arith.constant 0 : i32
      %dma_start3A_349 = tpu.memref_slice %arg8[%dma_start3A_346, %dma_start3A_347, %dma_start3A_348] : memref<4x1x125xi32, #tpu.memory_space<vmem>> -> memref<1x1x125xi32, #tpu.memory_space<vmem>>
      %dma_start3A_350 = tpu.memref_squeeze %dma_start3A_349 : memref<1x1x125xi32, #tpu.memory_space<vmem>> -> memref<1x125xi32, #tpu.memory_space<vmem>>
      %dma_start3A_351 = arith.constant 0 : i32
      %dma_start3A_352 = arith.constant 0 : i32
      %dma_start3A_353 = tpu.memref_slice %arg4[%add3A, %min3A_345, %dma_start3A_351, %dma_start3A_352] : memref<32x80x1x125xi32, #tpu.memory_space<hbm>> -> memref<1x1x1x125xi32, #tpu.memory_space<hbm>>
      %dma_start3A_354 = tpu.memref_squeeze %dma_start3A_353 : memref<1x1x1x125xi32, #tpu.memory_space<hbm>> -> memref<1x125xi32, #tpu.memory_space<hbm>>
      %dma_start3A_355 = arith.constant 0 : i32
      %dma_start3A_356 = arith.constant 0 : i32
      %dma_start3A_357 = tpu.memref_slice %arg8[%dma_start3A_346, %dma_start3A_355, %dma_start3A_356] : memref<4x1x125xi32, #tpu.memory_space<vmem>> -> memref<1x1x125xi32, #tpu.memory_space<vmem>>
      %dma_start3A_358 = tpu.memref_squeeze %dma_start3A_357 : memref<1x1x125xi32, #tpu.memory_space<vmem>> -> memref<1x125xi32, #tpu.memory_space<vmem>>
      %dma_start3A_359 = arith.constant 0 : i32
      %dma_start3A_360 = arith.constant 0 : i32
      %dma_start3A_361 = tpu.memref_slice %arg4[%add3A, %min3A_345, %dma_start3A_359, %dma_start3A_360] : memref<32x80x1x125xi32, #tpu.memory_space<hbm>> -> memref<1x1x1x125xi32, #tpu.memory_space<hbm>>
      %dma_start3A_362 = tpu.memref_squeeze %dma_start3A_361 : memref<1x1x1x125xi32, #tpu.memory_space<hbm>> -> memref<1x125xi32, #tpu.memory_space<hbm>>
      tpu.enqueue_dma source(%dma_start3A_362 : memref<1x125xi32, #tpu.memory_space<hbm>>) target(%dma_start3A_358 : memref<1x125xi32, #tpu.memory_space<vmem>>) target_semaphore(%arg16 : memref<!tpu.dma_semaphore, #tpu.memory_space<semaphore_mem>>)
      %add3A_363 = arith.constant 2 : i32
      %add3A_364 = arith.addi %add3A_313, %add3A_363 : i32
      %min3A_365 = arith.constant 79 : i32
      %min3A_366 = arith.minsi %add3A_364, %min3A_365 : i32
      %dma_start3A_367 = arith.constant 0 : i32
      %dma_start3A_368 = arith.constant 0 : i32
      %dma_start3A_369 = tpu.memref_slice %arg7[%min3A_366, %dma_start3A_367, %dma_start3A_368] : memref<80x1x125xi32, #tpu.memory_space<vmem>> -> memref<1x1x125xi32, #tpu.memory_space<vmem>>
      %dma_start3A_370 = tpu.memref_squeeze %dma_start3A_369 : memref<1x1x125xi32, #tpu.memory_space<vmem>> -> memref<125xi32, #tpu.memory_space<vmem>>
      %dma_start3A_371 = arith.constant 0 : i32
      %dma_start3A_372 = arith.constant 0 : i32
      %dma_start3A_373 = tpu.memref_slice %arg2[%dma_start3A_371, %dma_start3A_372] : memref<10240x128xf32, #tpu.memory_space<hbm>> -> memref<10240x128xf32, #tpu.memory_space<hbm>>
      tpu.enqueue_indirect_dma source(%dma_start3A_373 : memref<10240x128xf32, #tpu.memory_space<hbm>>) target(%arg9 : memref<125x128xf32, #tpu.memory_space<vmem>>) offsets(%dma_start3A_370 : memref<125xi32, #tpu.memory_space<vmem>>) semaphore(%arg12 : memref<!tpu.dma_semaphore, #tpu.memory_space<semaphore_mem>>)
      %mul3A_374 = arith.constant 4 : i32
      %mul3A_375 = arith.muli %scan3A_183, %mul3A_374 : i32
      %add3A_376 = arith.constant 3 : i32
      %add3A_377 = arith.addi %mul3A_375, %add3A_376 : i32
      %dma_wait3A_378 = arith.constant 3 : i32
      %dma_wait3A_379 = arith.constant 0 : i32
      %dma_wait3A_380 = arith.constant 0 : i32
      %dma_wait3A_381 = tpu.memref_slice %arg7[%dma_wait3A_378, %dma_wait3A_379, %dma_wait3A_380] : memref<80x1x125xi32, #tpu.memory_space<vmem>> -> memref<1x1x125xi32, #tpu.memory_space<vmem>>
      %dma_wait3A_382 = tpu.memref_squeeze %dma_wait3A_381 : memref<1x1x125xi32, #tpu.memory_space<vmem>> -> memref<125xi32, #tpu.memory_space<vmem>>
      %dma_wait3A_383 = arith.constant 0 : i32
      %dma_wait3A_384 = arith.constant 0 : i32
      %dma_wait3A_385 = tpu.memref_slice %arg2[%dma_wait3A_383, %dma_wait3A_384] : memref<10240x128xf32, #tpu.memory_space<hbm>> -> memref<10240x128xf32, #tpu.memory_space<hbm>>
      tpu.wait_indirect_dma semaphore(%arg13 : memref<!tpu.dma_semaphore, #tpu.memory_space<semaphore_mem>>) src(%dma_wait3A_385 : memref<10240x128xf32, #tpu.memory_space<hbm>>) dst(%arg10 : memref<125x128xf32, #tpu.memory_space<vmem>>)
      %dma_wait3A_386 = arith.constant 0 : i32
      %dma_wait3A_387 = arith.constant 3 : i32
      %dma_wait3A_388 = arith.constant 0 : i32
      %dma_wait3A_389 = arith.constant 0 : i32
      %dma_wait3A_390 = tpu.memref_slice %arg8[%dma_wait3A_387, %dma_wait3A_388, %dma_wait3A_389] : memref<4x1x125xi32, #tpu.memory_space<vmem>> -> memref<1x1x125xi32, #tpu.memory_space<vmem>>
      %dma_wait3A_391 = tpu.memref_squeeze %dma_wait3A_390 : memref<1x1x125xi32, #tpu.memory_space<vmem>> -> memref<1x125xi32, #tpu.memory_space<vmem>>
      %dma_wait3A_392 = arith.constant 0 : i32
      %dma_wait3A_393 = arith.constant 0 : i32
      %dma_wait3A_394 = tpu.memref_slice %arg4[%add3A, %dma_wait3A_386, %dma_wait3A_392, %dma_wait3A_393] : memref<32x80x1x125xi32, #tpu.memory_space<hbm>> -> memref<1x1x1x125xi32, #tpu.memory_space<hbm>>
      %dma_wait3A_395 = tpu.memref_squeeze %dma_wait3A_394 : memref<1x1x1x125xi32, #tpu.memory_space<hbm>> -> memref<1x125xi32, #tpu.memory_space<hbm>>
      %dma_wait3A_396 = arith.constant 0 : i32
      %dma_wait3A_397 = arith.constant 0 : i32
      %dma_wait3A_398 = tpu.memref_slice %arg8[%dma_wait3A_387, %dma_wait3A_396, %dma_wait3A_397] : memref<4x1x125xi32, #tpu.memory_space<vmem>> -> memref<1x1x125xi32, #tpu.memory_space<vmem>>
      %dma_wait3A_399 = tpu.memref_squeeze %dma_wait3A_398 : memref<1x1x125xi32, #tpu.memory_space<vmem>> -> memref<1x125xi32, #tpu.memory_space<vmem>>
      %dma_wait3A_400 = arith.constant 0 : i32
      %dma_wait3A_401 = arith.constant 0 : i32
      %dma_wait3A_402 = tpu.memref_slice %arg4[%add3A, %dma_wait3A_386, %dma_wait3A_400, %dma_wait3A_401] : memref<32x80x1x125xi32, #tpu.memory_space<hbm>> -> memref<1x1x1x125xi32, #tpu.memory_space<hbm>>
      %dma_wait3A_403 = tpu.memref_squeeze %dma_wait3A_402 : memref<1x1x1x125xi32, #tpu.memory_space<hbm>> -> memref<1x125xi32, #tpu.memory_space<hbm>>
      tpu.wait_dma2 semaphore(%arg17 : memref<!tpu.dma_semaphore, #tpu.memory_space<semaphore_mem>>) src(%dma_wait3A_403 : memref<1x125xi32, #tpu.memory_space<hbm>>) dst(%dma_wait3A_399 : memref<1x125xi32, #tpu.memory_space<vmem>>)
      %run_scoped3A_404 = arith.constant 3 : i32
      %run_scoped3A_405 = arith.constant 0 : i32
      "tpu.region"() ({
        %run_scoped3A_438 = tpu.sem_alloc : memref<!tpu.dma_semaphore, #tpu.memory_space<semaphore_mem>>
        %dma_start3A_439 = arith.constant 0 : i32
        %dma_start3A_440 = tpu.memref_slice %arg8[%run_scoped3A_404, %run_scoped3A_405, %dma_start3A_439] : memref<4x1x125xi32, #tpu.memory_space<vmem>> -> memref<1x1x125xi32, #tpu.memory_space<vmem>>
        %dma_start3A_441 = tpu.memref_squeeze %dma_start3A_440 : memref<1x1x125xi32, #tpu.memory_space<vmem>> -> memref<125xi32, #tpu.memory_space<vmem>>
        %dma_start3A_442 = arith.constant 0 : i32
        %dma_start3A_443 = arith.constant 0 : i32
        %dma_start3A_444 = tpu.memref_slice %arg11[%dma_start3A_442, %dma_start3A_443] : memref<10240x128xf32, #tpu.memory_space<vmem_shared>> -> memref<10240x128xf32, #tpu.memory_space<vmem_shared>>
        tpu.enqueue_indirect_dma source(%arg10 : memref<125x128xf32, #tpu.memory_space<vmem>>) target(%dma_start3A_444 : memref<10240x128xf32, #tpu.memory_space<vmem_shared>>) offsets(%dma_start3A_441 : memref<125xi32, #tpu.memory_space<vmem>>) semaphore(%run_scoped3A_438 : memref<!tpu.dma_semaphore, #tpu.memory_space<semaphore_mem>>) {add = true}
        %dma_wait3A_445 = arith.constant 0 : i32
        %dma_wait3A_446 = tpu.memref_slice %arg8[%run_scoped3A_404, %run_scoped3A_405, %dma_wait3A_445] : memref<4x1x125xi32, #tpu.memory_space<vmem>> -> memref<1x1x125xi32, #tpu.memory_space<vmem>>
        %dma_wait3A_447 = tpu.memref_squeeze %dma_wait3A_446 : memref<1x1x125xi32, #tpu.memory_space<vmem>> -> memref<125xi32, #tpu.memory_space<vmem>>
        %dma_wait3A_448 = arith.constant 0 : i32
        %dma_wait3A_449 = arith.constant 0 : i32
        %dma_wait3A_450 = tpu.memref_slice %arg11[%dma_wait3A_448, %dma_wait3A_449] : memref<10240x128xf32, #tpu.memory_space<vmem_shared>> -> memref<10240x128xf32, #tpu.memory_space<vmem_shared>>
        tpu.wait_indirect_dma semaphore(%run_scoped3A_438 : memref<!tpu.dma_semaphore, #tpu.memory_space<semaphore_mem>>) src(%arg10 : memref<125x128xf32, #tpu.memory_space<vmem>>) dst(%dma_wait3A_450 : memref<10240x128xf32, #tpu.memory_space<vmem_shared>>)
        tpu.yield
      }) : () -> ()
      %add3A_406 = arith.constant 4 : i32
      %add3A_407 = arith.addi %add3A_377, %add3A_406 : i32
      %min3A_408 = arith.constant 79 : i32
      %min3A_409 = arith.minsi %add3A_407, %min3A_408 : i32
      %dma_start3A_410 = arith.constant 3 : i32
      %dma_start3A_411 = arith.constant 0 : i32
      %dma_start3A_412 = arith.constant 0 : i32
      %dma_start3A_413 = tpu.memref_slice %arg8[%dma_start3A_410, %dma_start3A_411, %dma_start3A_412] : memref<4x1x125xi32, #tpu.memory_space<vmem>> -> memref<1x1x125xi32, #tpu.memory_space<vmem>>
      %dma_start3A_414 = tpu.memref_squeeze %dma_start3A_413 : memref<1x1x125xi32, #tpu.memory_space<vmem>> -> memref<1x125xi32, #tpu.memory_space<vmem>>
      %dma_start3A_415 = arith.constant 0 : i32
      %dma_start3A_416 = arith.constant 0 : i32
      %dma_start3A_417 = tpu.memref_slice %arg4[%add3A, %min3A_409, %dma_start3A_415, %dma_start3A_416] : memref<32x80x1x125xi32, #tpu.memory_space<hbm>> -> memref<1x1x1x125xi32, #tpu.memory_space<hbm>>
      %dma_start3A_418 = tpu.memref_squeeze %dma_start3A_417 : memref<1x1x1x125xi32, #tpu.memory_space<hbm>> -> memref<1x125xi32, #tpu.memory_space<hbm>>
      %dma_start3A_419 = arith.constant 0 : i32
      %dma_start3A_420 = arith.constant 0 : i32
      %dma_start3A_421 = tpu.memref_slice %arg8[%dma_start3A_410, %dma_start3A_419, %dma_start3A_420] : memref<4x1x125xi32, #tpu.memory_space<vmem>> -> memref<1x1x125xi32, #tpu.memory_space<vmem>>
      %dma_start3A_422 = tpu.memref_squeeze %dma_start3A_421 : memref<1x1x125xi32, #tpu.memory_space<vmem>> -> memref<1x125xi32, #tpu.memory_space<vmem>>
      %dma_start3A_423 = arith.constant 0 : i32
      %dma_start3A_424 = arith.constant 0 : i32
      %dma_start3A_425 = tpu.memref_slice %arg4[%add3A, %min3A_409, %dma_start3A_423, %dma_start3A_424] : memref<32x80x1x125xi32, #tpu.memory_space<hbm>> -> memref<1x1x1x125xi32, #tpu.memory_space<hbm>>
      %dma_start3A_426 = tpu.memref_squeeze %dma_start3A_425 : memref<1x1x1x125xi32, #tpu.memory_space<hbm>> -> memref<1x125xi32, #tpu.memory_space<hbm>>
      tpu.enqueue_dma source(%dma_start3A_426 : memref<1x125xi32, #tpu.memory_space<hbm>>) target(%dma_start3A_422 : memref<1x125xi32, #tpu.memory_space<vmem>>) target_semaphore(%arg17 : memref<!tpu.dma_semaphore, #tpu.memory_space<semaphore_mem>>)
      %add3A_427 = arith.constant 2 : i32
      %add3A_428 = arith.addi %add3A_377, %add3A_427 : i32
      %min3A_429 = arith.constant 79 : i32
      %min3A_430 = arith.minsi %add3A_428, %min3A_429 : i32
      %dma_start3A_431 = arith.constant 0 : i32
      %dma_start3A_432 = arith.constant 0 : i32
      %dma_start3A_433 = tpu.memref_slice %arg7[%min3A_430, %dma_start3A_431, %dma_start3A_432] : memref<80x1x125xi32, #tpu.memory_space<vmem>> -> memref<1x1x125xi32, #tpu.memory_space<vmem>>
      %dma_start3A_434 = tpu.memref_squeeze %dma_start3A_433 : memref<1x1x125xi32, #tpu.memory_space<vmem>> -> memref<125xi32, #tpu.memory_space<vmem>>
      %dma_start3A_435 = arith.constant 0 : i32
      %dma_start3A_436 = arith.constant 0 : i32
      %dma_start3A_437 = tpu.memref_slice %arg2[%dma_start3A_435, %dma_start3A_436] : memref<10240x128xf32, #tpu.memory_space<hbm>> -> memref<10240x128xf32, #tpu.memory_space<hbm>>
      tpu.enqueue_indirect_dma source(%dma_start3A_437 : memref<10240x128xf32, #tpu.memory_space<hbm>>) target(%arg10 : memref<125x128xf32, #tpu.memory_space<vmem>>) offsets(%dma_start3A_434 : memref<125xi32, #tpu.memory_space<vmem>>) semaphore(%arg13 : memref<!tpu.dma_semaphore, #tpu.memory_space<semaphore_mem>>)
    }
    %scan3A_94 = arith.constant 20 : i32
    %dma_wait3A = arith.constant 0 : i32
    %dma_wait3A_95 = arith.constant 0 : i32
    %dma_wait3A_96 = arith.constant 0 : i32
    %dma_wait3A_97 = tpu.memref_slice %arg7[%dma_wait3A, %dma_wait3A_95, %dma_wait3A_96] : memref<80x1x125xi32, #tpu.memory_space<vmem>> -> memref<1x1x125xi32, #tpu.memory_space<vmem>>
    %dma_wait3A_98 = tpu.memref_squeeze %dma_wait3A_97 : memref<1x1x125xi32, #tpu.memory_space<vmem>> -> memref<125xi32, #tpu.memory_space<vmem>>
    %dma_wait3A_99 = arith.constant 0 : i32
    %dma_wait3A_100 = arith.constant 0 : i32
    %dma_wait3A_101 = tpu.memref_slice %arg2[%dma_wait3A_99, %dma_wait3A_100] : memref<10240x128xf32, #tpu.memory_space<hbm>> -> memref<10240x128xf32, #tpu.memory_space<hbm>>
    tpu.wait_indirect_dma semaphore(%arg12 : memref<!tpu.dma_semaphore, #tpu.memory_space<semaphore_mem>>) src(%dma_wait3A_101 : memref<10240x128xf32, #tpu.memory_space<hbm>>) dst(%arg9 : memref<125x128xf32, #tpu.memory_space<vmem>>)
    %dma_wait3A_102 = arith.constant 1 : i32
    %dma_wait3A_103 = arith.constant 0 : i32
    %dma_wait3A_104 = arith.constant 0 : i32
    %dma_wait3A_105 = tpu.memref_slice %arg7[%dma_wait3A_102, %dma_wait3A_103, %dma_wait3A_104] : memref<80x1x125xi32, #tpu.memory_space<vmem>> -> memref<1x1x125xi32, #tpu.memory_space<vmem>>
    %dma_wait3A_106 = tpu.memref_squeeze %dma_wait3A_105 : memref<1x1x125xi32, #tpu.memory_space<vmem>> -> memref<125xi32, #tpu.memory_space<vmem>>
    %dma_wait3A_107 = arith.constant 0 : i32
    %dma_wait3A_108 = arith.constant 0 : i32
    %dma_wait3A_109 = tpu.memref_slice %arg2[%dma_wait3A_107, %dma_wait3A_108] : memref<10240x128xf32, #tpu.memory_space<hbm>> -> memref<10240x128xf32, #tpu.memory_space<hbm>>
    tpu.wait_indirect_dma semaphore(%arg13 : memref<!tpu.dma_semaphore, #tpu.memory_space<semaphore_mem>>) src(%dma_wait3A_109 : memref<10240x128xf32, #tpu.memory_space<hbm>>) dst(%arg10 : memref<125x128xf32, #tpu.memory_space<vmem>>)
    %dma_wait3A_110 = arith.constant 0 : i32
    %dma_wait3A_111 = arith.constant 0 : i32
    %dma_wait3A_112 = arith.constant 0 : i32
    %dma_wait3A_113 = arith.constant 0 : i32
    %dma_wait3A_114 = tpu.memref_slice %arg8[%dma_wait3A_111, %dma_wait3A_112, %dma_wait3A_113] : memref<4x1x125xi32, #tpu.memory_space<vmem>> -> memref<1x1x125xi32, #tpu.memory_space<vmem>>
    %dma_wait3A_115 = tpu.memref_squeeze %dma_wait3A_114 : memref<1x1x125xi32, #tpu.memory_space<vmem>> -> memref<1x125xi32, #tpu.memory_space<vmem>>
    %dma_wait3A_116 = arith.constant 0 : i32
    %dma_wait3A_117 = arith.constant 0 : i32
    %dma_wait3A_118 = tpu.memref_slice %arg4[%add3A, %dma_wait3A_110, %dma_wait3A_116, %dma_wait3A_117] : memref<32x80x1x125xi32, #tpu.memory_space<hbm>> -> memref<1x1x1x125xi32, #tpu.memory_space<hbm>>
    %dma_wait3A_119 = tpu.memref_squeeze %dma_wait3A_118 : memref<1x1x1x125xi32, #tpu.memory_space<hbm>> -> memref<1x125xi32, #tpu.memory_space<hbm>>
    %dma_wait3A_120 = arith.constant 0 : i32
    %dma_wait3A_121 = arith.constant 0 : i32
    %dma_wait3A_122 = tpu.memref_slice %arg8[%dma_wait3A_111, %dma_wait3A_120, %dma_wait3A_121] : memref<4x1x125xi32, #tpu.memory_space<vmem>> -> memref<1x1x125xi32, #tpu.memory_space<vmem>>
    %dma_wait3A_123 = tpu.memref_squeeze %dma_wait3A_122 : memref<1x1x125xi32, #tpu.memory_space<vmem>> -> memref<1x125xi32, #tpu.memory_space<vmem>>
    %dma_wait3A_124 = arith.constant 0 : i32
    %dma_wait3A_125 = arith.constant 0 : i32
    %dma_wait3A_126 = tpu.memref_slice %arg4[%add3A, %dma_wait3A_110, %dma_wait3A_124, %dma_wait3A_125] : memref<32x80x1x125xi32, #tpu.memory_space<hbm>> -> memref<1x1x1x125xi32, #tpu.memory_space<hbm>>
    %dma_wait3A_127 = tpu.memref_squeeze %dma_wait3A_126 : memref<1x1x1x125xi32, #tpu.memory_space<hbm>> -> memref<1x125xi32, #tpu.memory_space<hbm>>
    tpu.wait_dma2 semaphore(%arg14 : memref<!tpu.dma_semaphore, #tpu.memory_space<semaphore_mem>>) src(%dma_wait3A_127 : memref<1x125xi32, #tpu.memory_space<hbm>>) dst(%dma_wait3A_123 : memref<1x125xi32, #tpu.memory_space<vmem>>)
    %dma_wait3A_128 = arith.constant 0 : i32
    %dma_wait3A_129 = arith.constant 1 : i32
    %dma_wait3A_130 = arith.constant 0 : i32
    %dma_wait3A_131 = arith.constant 0 : i32
    %dma_wait3A_132 = tpu.memref_slice %arg8[%dma_wait3A_129, %dma_wait3A_130, %dma_wait3A_131] : memref<4x1x125xi32, #tpu.memory_space<vmem>> -> memref<1x1x125xi32, #tpu.memory_space<vmem>>
    %dma_wait3A_133 = tpu.memref_squeeze %dma_wait3A_132 : memref<1x1x125xi32, #tpu.memory_space<vmem>> -> memref<1x125xi32, #tpu.memory_space<vmem>>
    %dma_wait3A_134 = arith.constant 0 : i32
    %dma_wait3A_135 = arith.constant 0 : i32
    %dma_wait3A_136 = tpu.memref_slice %arg4[%add3A, %dma_wait3A_128, %dma_wait3A_134, %dma_wait3A_135] : memref<32x80x1x125xi32, #tpu.memory_space<hbm>> -> memref<1x1x1x125xi32, #tpu.memory_space<hbm>>
    %dma_wait3A_137 = tpu.memref_squeeze %dma_wait3A_136 : memref<1x1x1x125xi32, #tpu.memory_space<hbm>> -> memref<1x125xi32, #tpu.memory_space<hbm>>
    %dma_wait3A_138 = arith.constant 0 : i32
    %dma_wait3A_139 = arith.constant 0 : i32
    %dma_wait3A_140 = tpu.memref_slice %arg8[%dma_wait3A_129, %dma_wait3A_138, %dma_wait3A_139] : memref<4x1x125xi32, #tpu.memory_space<vmem>> -> memref<1x1x125xi32, #tpu.memory_space<vmem>>
    %dma_wait3A_141 = tpu.memref_squeeze %dma_wait3A_140 : memref<1x1x125xi32, #tpu.memory_space<vmem>> -> memref<1x125xi32, #tpu.memory_space<vmem>>
    %dma_wait3A_142 = arith.constant 0 : i32
    %dma_wait3A_143 = arith.constant 0 : i32
    %dma_wait3A_144 = tpu.memref_slice %arg4[%add3A, %dma_wait3A_128, %dma_wait3A_142, %dma_wait3A_143] : memref<32x80x1x125xi32, #tpu.memory_space<hbm>> -> memref<1x1x1x125xi32, #tpu.memory_space<hbm>>
    %dma_wait3A_145 = tpu.memref_squeeze %dma_wait3A_144 : memref<1x1x1x125xi32, #tpu.memory_space<hbm>> -> memref<1x125xi32, #tpu.memory_space<hbm>>
    tpu.wait_dma2 semaphore(%arg15 : memref<!tpu.dma_semaphore, #tpu.memory_space<semaphore_mem>>) src(%dma_wait3A_145 : memref<1x125xi32, #tpu.memory_space<hbm>>) dst(%dma_wait3A_141 : memref<1x125xi32, #tpu.memory_space<vmem>>)
    %dma_wait3A_146 = arith.constant 0 : i32
    %dma_wait3A_147 = arith.constant 2 : i32
    %dma_wait3A_148 = arith.constant 0 : i32
    %dma_wait3A_149 = arith.constant 0 : i32
    %dma_wait3A_150 = tpu.memref_slice %arg8[%dma_wait3A_147, %dma_wait3A_148, %dma_wait3A_149] : memref<4x1x125xi32, #tpu.memory_space<vmem>> -> memref<1x1x125xi32, #tpu.memory_space<vmem>>
    %dma_wait3A_151 = tpu.memref_squeeze %dma_wait3A_150 : memref<1x1x125xi32, #tpu.memory_space<vmem>> -> memref<1x125xi32, #tpu.memory_space<vmem>>
    %dma_wait3A_152 = arith.constant 0 : i32
    %dma_wait3A_153 = arith.constant 0 : i32
    %dma_wait3A_154 = tpu.memref_slice %arg4[%add3A, %dma_wait3A_146, %dma_wait3A_152, %dma_wait3A_153] : memref<32x80x1x125xi32, #tpu.memory_space<hbm>> -> memref<1x1x1x125xi32, #tpu.memory_space<hbm>>
    %dma_wait3A_155 = tpu.memref_squeeze %dma_wait3A_154 : memref<1x1x1x125xi32, #tpu.memory_space<hbm>> -> memref<1x125xi32, #tpu.memory_space<hbm>>
    %dma_wait3A_156 = arith.constant 0 : i32
    %dma_wait3A_157 = arith.constant 0 : i32
    %dma_wait3A_158 = tpu.memref_slice %arg8[%dma_wait3A_147, %dma_wait3A_156, %dma_wait3A_157] : memref<4x1x125xi32, #tpu.memory_space<vmem>> -> memref<1x1x125xi32, #tpu.memory_space<vmem>>
    %dma_wait3A_159 = tpu.memref_squeeze %dma_wait3A_158 : memref<1x1x125xi32, #tpu.memory_space<vmem>> -> memref<1x125xi32, #tpu.memory_space<vmem>>
    %dma_wait3A_160 = arith.constant 0 : i32
    %dma_wait3A_161 = arith.constant 0 : i32
    %dma_wait3A_162 = tpu.memref_slice %arg4[%add3A, %dma_wait3A_146, %dma_wait3A_160, %dma_wait3A_161] : memref<32x80x1x125xi32, #tpu.memory_space<hbm>> -> memref<1x1x1x125xi32, #tpu.memory_space<hbm>>
    %dma_wait3A_163 = tpu.memref_squeeze %dma_wait3A_162 : memref<1x1x1x125xi32, #tpu.memory_space<hbm>> -> memref<1x125xi32, #tpu.memory_space<hbm>>
    tpu.wait_dma2 semaphore(%arg16 : memref<!tpu.dma_semaphore, #tpu.memory_space<semaphore_mem>>) src(%dma_wait3A_163 : memref<1x125xi32, #tpu.memory_space<hbm>>) dst(%dma_wait3A_159 : memref<1x125xi32, #tpu.memory_space<vmem>>)
    %dma_wait3A_164 = arith.constant 0 : i32
    %dma_wait3A_165 = arith.constant 3 : i32
    %dma_wait3A_166 = arith.constant 0 : i32
    %dma_wait3A_167 = arith.constant 0 : i32
    %dma_wait3A_168 = tpu.memref_slice %arg8[%dma_wait3A_165, %dma_wait3A_166, %dma_wait3A_167] : memref<4x1x125xi32, #tpu.memory_space<vmem>> -> memref<1x1x125xi32, #tpu.memory_space<vmem>>
    %dma_wait3A_169 = tpu.memref_squeeze %dma_wait3A_168 : memref<1x1x125xi32, #tpu.memory_space<vmem>> -> memref<1x125xi32, #tpu.memory_space<vmem>>
    %dma_wait3A_170 = arith.constant 0 : i32
    %dma_wait3A_171 = arith.constant 0 : i32
    %dma_wait3A_172 = tpu.memref_slice %arg4[%add3A, %dma_wait3A_164, %dma_wait3A_170, %dma_wait3A_171] : memref<32x80x1x125xi32, #tpu.memory_space<hbm>> -> memref<1x1x1x125xi32, #tpu.memory_space<hbm>>
    %dma_wait3A_173 = tpu.memref_squeeze %dma_wait3A_172 : memref<1x1x1x125xi32, #tpu.memory_space<hbm>> -> memref<1x125xi32, #tpu.memory_space<hbm>>
    %dma_wait3A_174 = arith.constant 0 : i32
    %dma_wait3A_175 = arith.constant 0 : i32
    %dma_wait3A_176 = tpu.memref_slice %arg8[%dma_wait3A_165, %dma_wait3A_174, %dma_wait3A_175] : memref<4x1x125xi32, #tpu.memory_space<vmem>> -> memref<1x1x125xi32, #tpu.memory_space<vmem>>
    %dma_wait3A_177 = tpu.memref_squeeze %dma_wait3A_176 : memref<1x1x125xi32, #tpu.memory_space<vmem>> -> memref<1x125xi32, #tpu.memory_space<vmem>>
    %dma_wait3A_178 = arith.constant 0 : i32
    %dma_wait3A_179 = arith.constant 0 : i32
    %dma_wait3A_180 = tpu.memref_slice %arg4[%add3A, %dma_wait3A_164, %dma_wait3A_178, %dma_wait3A_179] : memref<32x80x1x125xi32, #tpu.memory_space<hbm>> -> memref<1x1x1x125xi32, #tpu.memory_space<hbm>>
    %dma_wait3A_181 = tpu.memref_squeeze %dma_wait3A_180 : memref<1x1x1x125xi32, #tpu.memory_space<hbm>> -> memref<1x125xi32, #tpu.memory_space<hbm>>
    tpu.wait_dma2 semaphore(%arg17 : memref<!tpu.dma_semaphore, #tpu.memory_space<semaphore_mem>>) src(%dma_wait3A_181 : memref<1x125xi32, #tpu.memory_space<hbm>>) dst(%dma_wait3A_177 : memref<1x125xi32, #tpu.memory_space<vmem>>)
    %barrier3A_182 = arith.constant 0 : index
    tpu.barrier barrier_id(%barrier3A_182)
    "tpu.region"() ({
      %run_scoped3A = tpu.sem_alloc : memref<!tpu.dma_semaphore, #tpu.memory_space<semaphore_mem>>
      %dma_start3A_183 = arith.constant 0 : i32
      %dma_start3A_184 = tpu.memref_slice %arg6[%arg0, %mul3A_2, %dma_start3A_183] : memref<2x10240x128xf32, #tpu.memory_space<hbm>> -> memref<1x640x128xf32, #tpu.memory_space<hbm>>
      %dma_start3A_185 = tpu.memref_squeeze %dma_start3A_184 : memref<1x640x128xf32, #tpu.memory_space<hbm>> -> memref<640x128xf32, #tpu.memory_space<hbm>>
      %dma_start3A_186 = arith.constant 0 : i32
      %dma_start3A_187 = tpu.memref_slice %arg11[%mul3A_2, %dma_start3A_186] : memref<10240x128xf32, #tpu.memory_space<vmem_shared>> -> memref<640x128xf32, #tpu.memory_space<vmem_shared>>
      tpu.enqueue_dma source(%dma_start3A_187 : memref<640x128xf32, #tpu.memory_space<vmem_shared>>) target(%dma_start3A_185 : memref<640x128xf32, #tpu.memory_space<hbm>>) target_semaphore(%run_scoped3A : memref<!tpu.dma_semaphore, #tpu.memory_space<semaphore_mem>>)
      %dma_wait3A_188 = arith.constant 0 : i32
      %dma_wait3A_189 = tpu.memref_slice %arg6[%arg0, %mul3A_2, %dma_wait3A_188] : memref<2x10240x128xf32, #tpu.memory_space<hbm>> -> memref<1x640x128xf32, #tpu.memory_space<hbm>>
      %dma_wait3A_190 = tpu.memref_squeeze %dma_wait3A_189 : memref<1x640x128xf32, #tpu.memory_space<hbm>> -> memref<640x128xf32, #tpu.memory_space<hbm>>
      %dma_wait3A_191 = arith.constant 0 : i32
      %dma_wait3A_192 = tpu.memref_slice %arg11[%mul3A_2, %dma_wait3A_191] : memref<10240x128xf32, #tpu.memory_space<vmem_shared>> -> memref<640x128xf32, #tpu.memory_space<vmem_shared>>
      tpu.wait_dma2 semaphore(%run_scoped3A : memref<!tpu.dma_semaphore, #tpu.memory_space<semaphore_mem>>) src(%dma_wait3A_192 : memref<640x128xf32, #tpu.memory_space<vmem_shared>>) dst(%dma_wait3A_190 : memref<640x128xf32, #tpu.memory_space<hbm>>)
      tpu.yield
    }) : () -> ()
    return
  }
}

module attributes {stable_mosaic.version = 14 : i64} {
  func.func @body(%arg0: i32, %arg1: memref<2x1024x128xf32, #tpu.memory_space<vmem>>, %arg2: memref<1024x128xf32, #tpu.memory_space<vmem>>, %arg3: memref<128x128xf32, #tpu.memory_space<vmem>>, %arg4: memref<1x128xf32, #tpu.memory_space<vmem>>, %arg5: memref<128x128xf32, #tpu.memory_space<vmem>>, %arg6: memref<1024x128xf32, #tpu.memory_space<vmem>>, %arg7: memref<1024x1xf32, #tpu.memory_space<vmem>>) attributes {dimension_semantics = [#tpu.dimension_semantics<arbitrary>], iteration_bounds = array<i64: 10>, scalar_prefetch = 0 : i64, scratch_operands = 0 : i64, tpu.core_type = #tpu.core_type<tc>, window_params = [{transform_indices = @transform_0, window_bounds = array<i64: 2, 1024, 128>}, {transform_indices = @transform_1, window_bounds = array<i64: 1024, 128>}, {pipeline_mode = #tpu.pipeline_mode<synchronous>, transform_indices = @transform_2, window_bounds = array<i64: 128, 128>}, {pipeline_mode = #tpu.pipeline_mode<synchronous>, transform_indices = @transform_3, window_bounds = array<i64: 1, 128>}, {pipeline_mode = #tpu.pipeline_mode<synchronous>, transform_indices = @transform_4, window_bounds = array<i64: 128, 128>}, {transform_indices = @transform_5, window_bounds = array<i64: 1024, 128>}, {transform_indices = @transform_6, window_bounds = array<i64: 1024, 1>}]} {
    %get3A = arith.constant 0 : index
    %get3A_0 = arith.constant 0 : index
    %get3A_1 = arith.constant 0 : index
    %get3A_2 = vector.load %arg1[%get3A, %get3A_0, %get3A_1] : memref<2x1024x128xf32, #tpu.memory_space<vmem>>, vector<1x1024x128xf32>
    %get3A_3 = vector.shape_cast %get3A_2 : vector<1x1024x128xf32> to vector<1024x128xf32>
    %get3A_4 = arith.constant 1 : index
    %get3A_5 = arith.constant 0 : index
    %get3A_6 = arith.constant 0 : index
    %get3A_7 = vector.load %arg1[%get3A_4, %get3A_5, %get3A_6] : memref<2x1024x128xf32, #tpu.memory_space<vmem>>, vector<1x1024x128xf32>
    %get3A_8 = vector.shape_cast %get3A_7 : vector<1x1024x128xf32> to vector<1024x128xf32>
    %add3A = arith.addf %get3A_3, %get3A_8 : vector<1024x128xf32>
    %slice3A = vector.extract_strided_slice %add3A {offsets = [0, 5], sizes = [1024, 1], strides = [1, 1]} : vector<1024x128xf32> to vector<1024x1xf32>
    %max3A = arith.constant 1.000000e+00 : f32
    %max3A_9 = vector.broadcast %max3A : f32 to vector<1024x1xf32>
    %max3A_10 = arith.maximumf %slice3A, %max3A_9 : vector<1024x1xf32>
    %div3A = vector.broadcast %max3A_10 : vector<1024x1xf32> to vector<1024x128xf32>
    %div3A_11 = arith.divf %add3A, %div3A : vector<1024x128xf32>
    %get3A_12 = arith.constant 0 : index
    %get3A_13 = arith.constant 0 : index
    %get3A_14 = vector.load %arg3[%get3A_12, %get3A_13] : memref<128x128xf32, #tpu.memory_space<vmem>>, vector<128x128xf32>
    %dot_general3A = arith.constant dense<0.000000e+00> : vector<1024x128xf32>
    %dot_general3A_15 = tpu.matmul %div3A_11, %get3A_14, %dot_general3A {dimension_numbers = #tpu.dot_dimension_numbers<[1], [0], [0], [1], [0, 0, 1, 1], [], []>, transpose_lhs_hint = false} : vector<1024x128xf32>, vector<128x128xf32>, vector<1024x128xf32> -> vector<1024x128xf32>
    %get3A_16 = arith.constant 0 : index
    %get3A_17 = arith.constant 0 : index
    %get3A_18 = vector.load %arg4[%get3A_16, %get3A_17] : memref<1x128xf32, #tpu.memory_space<vmem>>, vector<1x128xf32>
    %add3A_19 = vector.broadcast %get3A_18 : vector<1x128xf32> to vector<1024x128xf32>
    %add3A_20 = arith.addf %dot_general3A_15, %add3A_19 : vector<1024x128xf32>
    %get3A_21 = arith.constant 0 : index
    %get3A_22 = arith.constant 0 : index
    %get3A_23 = vector.load %arg2[%get3A_21, %get3A_22] : memref<1024x128xf32, #tpu.memory_space<vmem>>, vector<1024x128xf32>
    %get3A_24 = arith.constant 0 : index
    %get3A_25 = arith.constant 0 : index
    %get3A_26 = vector.load %arg5[%get3A_24, %get3A_25] : memref<128x128xf32, #tpu.memory_space<vmem>>, vector<128x128xf32>
    %dot_general3A_27 = arith.constant dense<0.000000e+00> : vector<1024x128xf32>
    %dot_general3A_28 = tpu.matmul %get3A_23, %get3A_26, %dot_general3A_27 {dimension_numbers = #tpu.dot_dimension_numbers<[1], [0], [0], [1], [0, 0, 1, 1], [], []>, transpose_lhs_hint = false} : vector<1024x128xf32>, vector<128x128xf32>, vector<1024x128xf32> -> vector<1024x128xf32>
    %add3A_29 = arith.addf %add3A_20, %dot_general3A_28 : vector<1024x128xf32>
    %max3A_30 = arith.constant 0.000000e+00 : f32
    %max3A_31 = vector.broadcast %max3A_30 : f32 to vector<1024x128xf32>
    %max3A_32 = arith.maximumf %add3A_29, %max3A_31 : vector<1024x128xf32>
    %swap3A = arith.constant 0 : index
    %swap3A_33 = arith.constant 0 : index
    %swap3A_34 = vector.load %arg6[%swap3A, %swap3A_33] : memref<1024x128xf32, #tpu.memory_space<vmem>>, vector<1024x128xf32>
    tpu.vector_store %arg6[%swap3A, %swap3A_33], %max3A_32 {strides = array<i32>} : memref<1024x128xf32, #tpu.memory_space<vmem>>, vector<1024x128xf32>,
    %swap3A_35 = arith.constant 0 : index
    %swap3A_36 = arith.constant 0 : index
    %swap3A_37 = vector.load %arg7[%swap3A_35, %swap3A_36] : memref<1024x1xf32, #tpu.memory_space<vmem>>, vector<1024x1xf32>
    tpu.vector_store %arg7[%swap3A_35, %swap3A_36], %max3A_10 {strides = array<i32>} : memref<1024x1xf32, #tpu.memory_space<vmem>>, vector<1024x1xf32>,
    return
  }
  func.func @transform_0(%arg0: i32) -> (i32, i32, i32) {
    %c0_i32 = arith.constant 0 : i32
    %c0_i32_0 = arith.constant 0 : i32
    %c0_i32_1 = arith.constant 0 : i32
    return %c0_i32, %arg0, %c0_i32_0 : i32, i32, i32
  }
  func.func @transform_1(%arg0: i32) -> (i32, i32) {
    %c0_i32 = arith.constant 0 : i32
    %c0_i32_0 = arith.constant 0 : i32
    return %arg0, %c0_i32 : i32, i32
  }
  func.func @transform_2(%arg0: i32) -> (i32, i32) {
    %c0_i32 = arith.constant 0 : i32
    %c0_i32_0 = arith.constant 0 : i32
    %c0_i32_1 = arith.constant 0 : i32
    return %c0_i32, %c0_i32_0 : i32, i32
  }
  func.func @transform_3(%arg0: i32) -> (i32, i32) {
    %c0_i32 = arith.constant 0 : i32
    %c0_i32_0 = arith.constant 0 : i32
    %c0_i32_1 = arith.constant 0 : i32
    return %c0_i32, %c0_i32_0 : i32, i32
  }
  func.func @transform_4(%arg0: i32) -> (i32, i32) {
    %c0_i32 = arith.constant 0 : i32
    %c0_i32_0 = arith.constant 0 : i32
    %c0_i32_1 = arith.constant 0 : i32
    return %c0_i32, %c0_i32_0 : i32, i32
  }
  func.func @transform_5(%arg0: i32) -> (i32, i32) {
    %c0_i32 = arith.constant 0 : i32
    %c0_i32_0 = arith.constant 0 : i32
    return %arg0, %c0_i32 : i32, i32
  }
  func.func @transform_6(%arg0: i32) -> (i32, i32) {
    %c0_i32 = arith.constant 0 : i32
    %c0_i32_0 = arith.constant 0 : i32
    return %arg0, %c0_i32 : i32, i32
  }
}

module attributes {stable_mosaic.version = 14 : i64} {
  func.func @body(%arg0: i32, %arg1: memref<2x1024x128xf32, #tpu.memory_space<vmem>>, %arg2: memref<1024x1xf32, #tpu.memory_space<vmem>>, %arg3: memref<1024x128xf32, #tpu.memory_space<vmem>>, %arg4: memref<128x128xf32, #tpu.memory_space<vmem>>, %arg5: memref<1x128xf32, #tpu.memory_space<vmem>>, %arg6: memref<128x128xf32, #tpu.memory_space<vmem>>, %arg7: memref<1024x128xf32, #tpu.memory_space<vmem>>) attributes {dimension_semantics = [#tpu.dimension_semantics<arbitrary>], iteration_bounds = array<i64: 10>, scalar_prefetch = 0 : i64, scratch_operands = 0 : i64, tpu.core_type = #tpu.core_type<tc>, window_params = [{transform_indices = @transform_0, window_bounds = array<i64: 2, 1024, 128>}, {transform_indices = @transform_1, window_bounds = array<i64: 1024, 1>}, {transform_indices = @transform_2, window_bounds = array<i64: 1024, 128>}, {pipeline_mode = #tpu.pipeline_mode<synchronous>, transform_indices = @transform_3, window_bounds = array<i64: 128, 128>}, {pipeline_mode = #tpu.pipeline_mode<synchronous>, transform_indices = @transform_4, window_bounds = array<i64: 1, 128>}, {pipeline_mode = #tpu.pipeline_mode<synchronous>, transform_indices = @transform_5, window_bounds = array<i64: 128, 128>}, {transform_indices = @transform_6, window_bounds = array<i64: 1024, 128>}]} {
    %get3A = arith.constant 0 : index
    %get3A_0 = arith.constant 0 : index
    %get3A_1 = arith.constant 0 : index
    %get3A_2 = vector.load %arg1[%get3A, %get3A_0, %get3A_1] : memref<2x1024x128xf32, #tpu.memory_space<vmem>>, vector<1x1024x128xf32>
    %get3A_3 = vector.shape_cast %get3A_2 : vector<1x1024x128xf32> to vector<1024x128xf32>
    %get3A_4 = arith.constant 1 : index
    %get3A_5 = arith.constant 0 : index
    %get3A_6 = arith.constant 0 : index
    %get3A_7 = vector.load %arg1[%get3A_4, %get3A_5, %get3A_6] : memref<2x1024x128xf32, #tpu.memory_space<vmem>>, vector<1x1024x128xf32>
    %get3A_8 = vector.shape_cast %get3A_7 : vector<1x1024x128xf32> to vector<1024x128xf32>
    %add3A = arith.addf %get3A_3, %get3A_8 : vector<1024x128xf32>
    %get3A_9 = arith.constant 0 : index
    %get3A_10 = arith.constant 0 : index
    %get3A_11 = vector.load %arg2[%get3A_9, %get3A_10] : memref<1024x1xf32, #tpu.memory_space<vmem>>, vector<1024x1xf32>
    %div3A = vector.broadcast %get3A_11 : vector<1024x1xf32> to vector<1024x128xf32>
    %div3A_12 = arith.divf %add3A, %div3A : vector<1024x128xf32>
    %get3A_13 = arith.constant 0 : index
    %get3A_14 = arith.constant 0 : index
    %get3A_15 = vector.load %arg4[%get3A_13, %get3A_14] : memref<128x128xf32, #tpu.memory_space<vmem>>, vector<128x128xf32>
    %dot_general3A = arith.constant dense<0.000000e+00> : vector<1024x128xf32>
    %dot_general3A_16 = tpu.matmul %div3A_12, %get3A_15, %dot_general3A {dimension_numbers = #tpu.dot_dimension_numbers<[1], [0], [0], [1], [0, 0, 1, 1], [], []>, transpose_lhs_hint = false} : vector<1024x128xf32>, vector<128x128xf32>, vector<1024x128xf32> -> vector<1024x128xf32>
    %get3A_17 = arith.constant 0 : index
    %get3A_18 = arith.constant 0 : index
    %get3A_19 = vector.load %arg5[%get3A_17, %get3A_18] : memref<1x128xf32, #tpu.memory_space<vmem>>, vector<1x128xf32>
    %add3A_20 = vector.broadcast %get3A_19 : vector<1x128xf32> to vector<1024x128xf32>
    %add3A_21 = arith.addf %dot_general3A_16, %add3A_20 : vector<1024x128xf32>
    %get3A_22 = arith.constant 0 : index
    %get3A_23 = arith.constant 0 : index
    %get3A_24 = vector.load %arg3[%get3A_22, %get3A_23] : memref<1024x128xf32, #tpu.memory_space<vmem>>, vector<1024x128xf32>
    %get3A_25 = arith.constant 0 : index
    %get3A_26 = arith.constant 0 : index
    %get3A_27 = vector.load %arg6[%get3A_25, %get3A_26] : memref<128x128xf32, #tpu.memory_space<vmem>>, vector<128x128xf32>
    %dot_general3A_28 = arith.constant dense<0.000000e+00> : vector<1024x128xf32>
    %dot_general3A_29 = tpu.matmul %get3A_24, %get3A_27, %dot_general3A_28 {dimension_numbers = #tpu.dot_dimension_numbers<[1], [0], [0], [1], [0, 0, 1, 1], [], []>, transpose_lhs_hint = false} : vector<1024x128xf32>, vector<128x128xf32>, vector<1024x128xf32> -> vector<1024x128xf32>
    %add3A_30 = arith.addf %add3A_21, %dot_general3A_29 : vector<1024x128xf32>
    %max3A = arith.constant 0.000000e+00 : f32
    %max3A_31 = vector.broadcast %max3A : f32 to vector<1024x128xf32>
    %max3A_32 = arith.maximumf %add3A_30, %max3A_31 : vector<1024x128xf32>
    %swap3A = arith.constant 0 : index
    %swap3A_33 = arith.constant 0 : index
    %swap3A_34 = vector.load %arg7[%swap3A, %swap3A_33] : memref<1024x128xf32, #tpu.memory_space<vmem>>, vector<1024x128xf32>
    tpu.vector_store %arg7[%swap3A, %swap3A_33], %max3A_32 {strides = array<i32>} : memref<1024x128xf32, #tpu.memory_space<vmem>>, vector<1024x128xf32>,
    return
  }
  func.func @transform_0(%arg0: i32) -> (i32, i32, i32) {
    %c0_i32 = arith.constant 0 : i32
    %c0_i32_0 = arith.constant 0 : i32
    %c0_i32_1 = arith.constant 0 : i32
    return %c0_i32, %arg0, %c0_i32_0 : i32, i32, i32
  }
  func.func @transform_1(%arg0: i32) -> (i32, i32) {
    %c0_i32 = arith.constant 0 : i32
    %c0_i32_0 = arith.constant 0 : i32
    return %arg0, %c0_i32 : i32, i32
  }
  func.func @transform_2(%arg0: i32) -> (i32, i32) {
    %c0_i32 = arith.constant 0 : i32
    %c0_i32_0 = arith.constant 0 : i32
    return %arg0, %c0_i32 : i32, i32
  }
  func.func @transform_3(%arg0: i32) -> (i32, i32) {
    %c0_i32 = arith.constant 0 : i32
    %c0_i32_0 = arith.constant 0 : i32
    %c0_i32_1 = arith.constant 0 : i32
    return %c0_i32, %c0_i32_0 : i32, i32
  }
  func.func @transform_4(%arg0: i32) -> (i32, i32) {
    %c0_i32 = arith.constant 0 : i32
    %c0_i32_0 = arith.constant 0 : i32
    %c0_i32_1 = arith.constant 0 : i32
    return %c0_i32, %c0_i32_0 : i32, i32
  }
  func.func @transform_5(%arg0: i32) -> (i32, i32) {
    %c0_i32 = arith.constant 0 : i32
    %c0_i32_0 = arith.constant 0 : i32
    %c0_i32_1 = arith.constant 0 : i32
    return %c0_i32, %c0_i32_0 : i32, i32
  }
  func.func @transform_6(%arg0: i32) -> (i32, i32) {
    %c0_i32 = arith.constant 0 : i32
    %c0_i32_0 = arith.constant 0 : i32
    return %arg0, %c0_i32 : i32, i32
  }
}

module attributes {stable_mosaic.version = 14 : i64} {
  func.func @body(%arg0: i32, %arg1: memref<2x1024x128xf32, #tpu.memory_space<vmem>>, %arg2: memref<1024x1xf32, #tpu.memory_space<vmem>>, %arg3: memref<1024x128xf32, #tpu.memory_space<vmem>>, %arg4: memref<128x128xf32, #tpu.memory_space<vmem>>, %arg5: memref<1x128xf32, #tpu.memory_space<vmem>>, %arg6: memref<128x128xf32, #tpu.memory_space<vmem>>, %arg7: memref<1x1x1024xi32, #tpu.memory_space<vmem>>, %arg8: memref<128x1xf32, #tpu.memory_space<vmem>>, %arg9: memref<1x1xf32, #tpu.memory_space<vmem>>, %arg10: memref<64x1xf32, #tpu.memory_space<vmem>>, %arg11: memref<64x128xf32, #tpu.memory_space<vmem>>, %arg12: memref<64x1xf32, #tpu.memory_space<vmem>>) attributes {dimension_semantics = [#tpu.dimension_semantics<arbitrary>], iteration_bounds = array<i64: 10>, scalar_prefetch = 0 : i64, scratch_operands = 2 : i64, tpu.core_type = #tpu.core_type<tc>, window_params = [{transform_indices = @transform_0, window_bounds = array<i64: 2, 1024, 128>}, {transform_indices = @transform_1, window_bounds = array<i64: 1024, 1>}, {transform_indices = @transform_2, window_bounds = array<i64: 1024, 128>}, {pipeline_mode = #tpu.pipeline_mode<synchronous>, transform_indices = @transform_3, window_bounds = array<i64: 128, 128>}, {pipeline_mode = #tpu.pipeline_mode<synchronous>, transform_indices = @transform_4, window_bounds = array<i64: 1, 128>}, {pipeline_mode = #tpu.pipeline_mode<synchronous>, transform_indices = @transform_5, window_bounds = array<i64: 128, 128>}, {transform_indices = @transform_6, window_bounds = array<i64: 1, 1, 1024>}, {pipeline_mode = #tpu.pipeline_mode<synchronous>, transform_indices = @transform_7, window_bounds = array<i64: 128, 1>}, {pipeline_mode = #tpu.pipeline_mode<synchronous>, transform_indices = @transform_8, window_bounds = array<i64: 1, 1>}, {pipeline_mode = #tpu.pipeline_mode<synchronous>, transform_indices = @transform_9, window_bounds = array<i64: 64, 1>}]} {
    %eq3A = arith.constant 0 : i32
    %eq3A_0 = arith.cmpi eq, %arg0, %eq3A : i32
    %convert_element_type3A = arith.extui %eq3A_0 : i1 to i32
    %cond3A = arith.constant 0 : i32
    %cond3A_1 = arith.cmpi ne, %convert_element_type3A, %cond3A : i32
    scf.if %cond3A_1 {
      %broadcast_in_dim3A_64 = arith.constant 0.000000e+00 : f32
      %broadcast_in_dim3A_65 = vector.broadcast %broadcast_in_dim3A_64 : f32 to vector<64x128xf32>
      %swap3A_66 = arith.constant 0 : index
      %swap3A_67 = arith.constant 0 : index
      %swap3A_68 = vector.load %arg11[%swap3A_66, %swap3A_67] : memref<64x128xf32, #tpu.memory_space<vmem>>, vector<64x128xf32>
      tpu.vector_store %arg11[%swap3A_66, %swap3A_67], %broadcast_in_dim3A_65 {strides = array<i32>} : memref<64x128xf32, #tpu.memory_space<vmem>>, vector<64x128xf32>,
      %broadcast_in_dim3A_69 = arith.constant 0.000000e+00 : f32
      %broadcast_in_dim3A_70 = vector.broadcast %broadcast_in_dim3A_69 : f32 to vector<64x1xf32>
      %swap3A_71 = arith.constant 0 : index
      %swap3A_72 = arith.constant 0 : index
      %swap3A_73 = vector.load %arg12[%swap3A_71, %swap3A_72] : memref<64x1xf32, #tpu.memory_space<vmem>>, vector<64x1xf32>
      tpu.vector_store %arg12[%swap3A_71, %swap3A_72], %broadcast_in_dim3A_70 {strides = array<i32>} : memref<64x1xf32, #tpu.memory_space<vmem>>, vector<64x1xf32>,
    } else {
    }
    %get3A = arith.constant 0 : index
    %get3A_2 = arith.constant 0 : index
    %get3A_3 = arith.constant 0 : index
    %get3A_4 = vector.load %arg1[%get3A, %get3A_2, %get3A_3] : memref<2x1024x128xf32, #tpu.memory_space<vmem>>, vector<1x1024x128xf32>
    %get3A_5 = vector.shape_cast %get3A_4 : vector<1x1024x128xf32> to vector<1024x128xf32>
    %get3A_6 = arith.constant 1 : index
    %get3A_7 = arith.constant 0 : index
    %get3A_8 = arith.constant 0 : index
    %get3A_9 = vector.load %arg1[%get3A_6, %get3A_7, %get3A_8] : memref<2x1024x128xf32, #tpu.memory_space<vmem>>, vector<1x1024x128xf32>
    %get3A_10 = vector.shape_cast %get3A_9 : vector<1x1024x128xf32> to vector<1024x128xf32>
    %add3A = arith.addf %get3A_5, %get3A_10 : vector<1024x128xf32>
    %get3A_11 = arith.constant 0 : index
    %get3A_12 = arith.constant 0 : index
    %get3A_13 = vector.load %arg2[%get3A_11, %get3A_12] : memref<1024x1xf32, #tpu.memory_space<vmem>>, vector<1024x1xf32>
    %div3A = vector.broadcast %get3A_13 : vector<1024x1xf32> to vector<1024x128xf32>
    %div3A_14 = arith.divf %add3A, %div3A : vector<1024x128xf32>
    %get3A_15 = arith.constant 0 : index
    %get3A_16 = arith.constant 0 : index
    %get3A_17 = vector.load %arg4[%get3A_15, %get3A_16] : memref<128x128xf32, #tpu.memory_space<vmem>>, vector<128x128xf32>
    %dot_general3A = arith.constant dense<0.000000e+00> : vector<1024x128xf32>
    %dot_general3A_18 = tpu.matmul %div3A_14, %get3A_17, %dot_general3A {dimension_numbers = #tpu.dot_dimension_numbers<[1], [0], [0], [1], [0, 0, 1, 1], [], []>, transpose_lhs_hint = false} : vector<1024x128xf32>, vector<128x128xf32>, vector<1024x128xf32> -> vector<1024x128xf32>
    %get3A_19 = arith.constant 0 : index
    %get3A_20 = arith.constant 0 : index
    %get3A_21 = vector.load %arg5[%get3A_19, %get3A_20] : memref<1x128xf32, #tpu.memory_space<vmem>>, vector<1x128xf32>
    %add3A_22 = vector.broadcast %get3A_21 : vector<1x128xf32> to vector<1024x128xf32>
    %add3A_23 = arith.addf %dot_general3A_18, %add3A_22 : vector<1024x128xf32>
    %get3A_24 = arith.constant 0 : index
    %get3A_25 = arith.constant 0 : index
    %get3A_26 = vector.load %arg3[%get3A_24, %get3A_25] : memref<1024x128xf32, #tpu.memory_space<vmem>>, vector<1024x128xf32>
    %get3A_27 = arith.constant 0 : index
    %get3A_28 = arith.constant 0 : index
    %get3A_29 = vector.load %arg6[%get3A_27, %get3A_28] : memref<128x128xf32, #tpu.memory_space<vmem>>, vector<128x128xf32>
    %dot_general3A_30 = arith.constant dense<0.000000e+00> : vector<1024x128xf32>
    %dot_general3A_31 = tpu.matmul %get3A_26, %get3A_29, %dot_general3A_30 {dimension_numbers = #tpu.dot_dimension_numbers<[1], [0], [0], [1], [0, 0, 1, 1], [], []>, transpose_lhs_hint = false} : vector<1024x128xf32>, vector<128x128xf32>, vector<1024x128xf32> -> vector<1024x128xf32>
    %add3A_32 = arith.addf %add3A_23, %dot_general3A_31 : vector<1024x128xf32>
    %get3A_33 = arith.constant 0 : index
    %get3A_34 = arith.constant 0 : index
    %get3A_35 = arith.constant 0 : index
    %get3A_36 = vector.load %arg7[%get3A_33, %get3A_34, %get3A_35] : memref<1x1x1024xi32, #tpu.memory_space<vmem>>, vector<1x1x1024xi32>
    %get3A_37 = vector.shape_cast %get3A_36 : vector<1x1x1024xi32> to vector<1024xi32>
    %iota3A = tpu.iota {dimensions = array<i32: 0>} : vector<64x1024xi32>
    %broadcast_in_dim3A = vector.shape_cast %get3A_37 : vector<1024xi32> to vector<1x1024xi32>
    %eq3A_38 = vector.broadcast %broadcast_in_dim3A : vector<1x1024xi32> to vector<64x1024xi32>
    %eq3A_39 = arith.cmpi eq, %iota3A, %eq3A_38 : vector<64x1024xi32>
    %convert_element_type3A_40 = arith.extui %eq3A_39 : vector<64x1024xi1> to vector<64x1024xi32>
    %convert_element_type3A_41 = arith.sitofp %convert_element_type3A_40 : vector<64x1024xi32> to vector<64x1024xf32>
    %get3A_42 = arith.constant 0 : index
    %get3A_43 = arith.constant 0 : index
    %get3A_44 = vector.load %arg11[%get3A_42, %get3A_43] : memref<64x128xf32, #tpu.memory_space<vmem>>, vector<64x128xf32>
    %dot_general3A_45 = arith.constant dense<0.000000e+00> : vector<64x128xf32>
    %dot_general3A_46 = tpu.matmul %convert_element_type3A_41, %add3A_32, %dot_general3A_45 {dimension_numbers = #tpu.dot_dimension_numbers<[1], [0], [0], [1], [0, 0, 1, 1], [], []>, transpose_lhs_hint = false} : vector<64x1024xf32>, vector<1024x128xf32>, vector<64x128xf32> -> vector<64x128xf32>
    %add3A_47 = arith.addf %get3A_44, %dot_general3A_46 : vector<64x128xf32>
    %swap3A = arith.constant 0 : index
    %swap3A_48 = arith.constant 0 : index
    %swap3A_49 = vector.load %arg11[%swap3A, %swap3A_48] : memref<64x128xf32, #tpu.memory_space<vmem>>, vector<64x128xf32>
    tpu.vector_store %arg11[%swap3A, %swap3A_48], %add3A_47 {strides = array<i32>} : memref<64x128xf32, #tpu.memory_space<vmem>>, vector<64x128xf32>,
    %get3A_50 = arith.constant 0 : index
    %get3A_51 = arith.constant 0 : index
    %get3A_52 = vector.load %arg12[%get3A_50, %get3A_51] : memref<64x1xf32, #tpu.memory_space<vmem>>, vector<64x1xf32>
    %reduce_sum3A = arith.constant dense<0.000000e+00> : vector<64xf32>
    %reduce_sum3A_53 = vector.multi_reduction <add>, %convert_element_type3A_41, %reduce_sum3A [1] : vector<64x1024xf32> to vector<64xf32>
    %broadcast_in_dim3A_54 = vector.shape_cast %reduce_sum3A_53 : vector<64xf32> to vector<64x1xf32>
    %add3A_55 = arith.addf %get3A_52, %broadcast_in_dim3A_54 : vector<64x1xf32>
    %swap3A_56 = arith.constant 0 : index
    %swap3A_57 = arith.constant 0 : index
    %swap3A_58 = vector.load %arg12[%swap3A_56, %swap3A_57] : memref<64x1xf32, #tpu.memory_space<vmem>>, vector<64x1xf32>
    tpu.vector_store %arg12[%swap3A_56, %swap3A_57], %add3A_55 {strides = array<i32>} : memref<64x1xf32, #tpu.memory_space<vmem>>, vector<64x1xf32>,
    %eq3A_59 = arith.constant 9 : i32
    %eq3A_60 = arith.cmpi eq, %arg0, %eq3A_59 : i32
    %convert_element_type3A_61 = arith.extui %eq3A_60 : i1 to i32
    %cond3A_62 = arith.constant 0 : i32
    %cond3A_63 = arith.cmpi ne, %convert_element_type3A_61, %cond3A_62 : i32
    scf.if %cond3A_63 {
      %get3A_64 = arith.constant 0 : index
      %get3A_65 = arith.constant 0 : index
      %get3A_66 = vector.load %arg11[%get3A_64, %get3A_65] : memref<64x128xf32, #tpu.memory_space<vmem>>, vector<64x128xf32>
      %get3A_67 = arith.constant 0 : index
      %get3A_68 = arith.constant 0 : index
      %get3A_69 = vector.load %arg12[%get3A_67, %get3A_68] : memref<64x1xf32, #tpu.memory_space<vmem>>, vector<64x1xf32>
      %max3A = arith.constant 1.000000e+00 : f32
      %max3A_70 = vector.broadcast %max3A : f32 to vector<64x1xf32>
      %max3A_71 = arith.maximumf %get3A_69, %max3A_70 : vector<64x1xf32>
      %div3A_72 = vector.broadcast %max3A_71 : vector<64x1xf32> to vector<64x128xf32>
      %div3A_73 = arith.divf %get3A_66, %div3A_72 : vector<64x128xf32>
      %get3A_74 = arith.constant 0 : index
      %get3A_75 = arith.constant 0 : index
      %get3A_76 = vector.load %arg8[%get3A_74, %get3A_75] : memref<128x1xf32, #tpu.memory_space<vmem>>, vector<128x1xf32>
      %dot_general3A_77 = arith.constant dense<0.000000e+00> : vector<64x1xf32>
      %dot_general3A_78 = tpu.matmul %div3A_73, %get3A_76, %dot_general3A_77 {dimension_numbers = #tpu.dot_dimension_numbers<[1], [0], [0], [1], [0, 0, 1, 1], [], []>, transpose_lhs_hint = false} : vector<64x128xf32>, vector<128x1xf32>, vector<64x1xf32> -> vector<64x1xf32>
      %get3A_79 = arith.constant 0 : index
      %get3A_80 = arith.constant 0 : index
      %get3A_81 = vector.load %arg9[%get3A_79, %get3A_80] : memref<1x1xf32, #tpu.memory_space<vmem>>, vector<1x1xf32>
      %add3A_82 = vector.broadcast %get3A_81 : vector<1x1xf32> to vector<64x1xf32>
      %add3A_83 = arith.addf %dot_general3A_78, %add3A_82 : vector<64x1xf32>
      %logistic3A = arith.negf %add3A_83 : vector<64x1xf32>
      %logistic3A_84 = math.exp %logistic3A : vector<64x1xf32>
      %logistic3A_85 = arith.constant 1.000000e+00 : f32
      %logistic3A_86 = vector.broadcast %logistic3A_85 : f32 to vector<64x1xf32>
      %logistic3A_87 = arith.addf %logistic3A_86, %logistic3A_84 : vector<64x1xf32>
      %logistic3A_88 = arith.divf %logistic3A_86, %logistic3A_87 : vector<64x1xf32>
      %swap3A_89 = arith.constant 0 : index
      %swap3A_90 = arith.constant 0 : index
      %swap3A_91 = vector.load %arg10[%swap3A_89, %swap3A_90] : memref<64x1xf32, #tpu.memory_space<vmem>>, vector<64x1xf32>
      tpu.vector_store %arg10[%swap3A_89, %swap3A_90], %logistic3A_88 {strides = array<i32>} : memref<64x1xf32, #tpu.memory_space<vmem>>, vector<64x1xf32>,
    } else {
    }
    return
  }
  func.func @transform_0(%arg0: i32) -> (i32, i32, i32) {
    %c0_i32 = arith.constant 0 : i32
    %c0_i32_0 = arith.constant 0 : i32
    %c0_i32_1 = arith.constant 0 : i32
    return %c0_i32, %arg0, %c0_i32_0 : i32, i32, i32
  }
  func.func @transform_1(%arg0: i32) -> (i32, i32) {
    %c0_i32 = arith.constant 0 : i32
    %c0_i32_0 = arith.constant 0 : i32
    return %arg0, %c0_i32 : i32, i32
  }
  func.func @transform_2(%arg0: i32) -> (i32, i32) {
    %c0_i32 = arith.constant 0 : i32
    %c0_i32_0 = arith.constant 0 : i32
    return %arg0, %c0_i32 : i32, i32
  }
  func.func @transform_3(%arg0: i32) -> (i32, i32) {
    %c0_i32 = arith.constant 0 : i32
    %c0_i32_0 = arith.constant 0 : i32
    %c0_i32_1 = arith.constant 0 : i32
    return %c0_i32, %c0_i32_0 : i32, i32
  }
  func.func @transform_4(%arg0: i32) -> (i32, i32) {
    %c0_i32 = arith.constant 0 : i32
    %c0_i32_0 = arith.constant 0 : i32
    %c0_i32_1 = arith.constant 0 : i32
    return %c0_i32, %c0_i32_0 : i32, i32
  }
  func.func @transform_5(%arg0: i32) -> (i32, i32) {
    %c0_i32 = arith.constant 0 : i32
    %c0_i32_0 = arith.constant 0 : i32
    %c0_i32_1 = arith.constant 0 : i32
    return %c0_i32, %c0_i32_0 : i32, i32
  }
  func.func @transform_6(%arg0: i32) -> (i32, i32, i32) {
    %c0_i32 = arith.constant 0 : i32
    %c0_i32_0 = arith.constant 0 : i32
    %c0_i32_1 = arith.constant 0 : i32
    return %arg0, %c0_i32, %c0_i32_0 : i32, i32, i32
  }
  func.func @transform_7(%arg0: i32) -> (i32, i32) {
    %c0_i32 = arith.constant 0 : i32
    %c0_i32_0 = arith.constant 0 : i32
    %c0_i32_1 = arith.constant 0 : i32
    return %c0_i32, %c0_i32_0 : i32, i32
  }
  func.func @transform_8(%arg0: i32) -> (i32, i32) {
    %c0_i32 = arith.constant 0 : i32
    %c0_i32_0 = arith.constant 0 : i32
    %c0_i32_1 = arith.constant 0 : i32
    return %c0_i32, %c0_i32_0 : i32, i32
  }
  func.func @transform_9(%arg0: i32) -> (i32, i32) {
    %c0_i32 = arith.constant 0 : i32
    %c0_i32_0 = arith.constant 0 : i32
    %c0_i32_1 = arith.constant 0 : i32
    return %c0_i32, %c0_i32_0 : i32, i32
  }
}

</mosaic_0001>

<sc_bundles>
// kernel: kernel.11.cloned.1.call-start
scs
__scs_entry_jumppad:
0x0: {  	(pc) =	sbr.rel $0x88, $3  }
0x1: {  	(tag) =	ssettag $0x0;
	lr =	simm.s32 $0x1  }
0x2: {  	[smem:$0x3F93] =	sst lr;
	_ =	strace $0xD0000000  }
0x3: {  	_ = 	snop  }
0x4: {  	_ = 	snop  }
0x5: {  	_ = 	snop  }
0x6: {  	_ = 	snop  }
0x7: {  	_ = 	snop  }
__scs_overlays_trampoline_lowered:
0x8: {  	[smem:$0x3FA2] =	sst s0  }
0x9: {  	[smem:$0x3FA3] =	sst s1  }
0xa: {  	[smem:$0x3FA4] =	sst s2  }
0xb: {  	[smem:$0x3FA5] =	sst s3  }
0xc: {  	[smem:$0x3FA6] =	sst s4  }
0xd: {  	[smem:$0x3FA7] =	sst s5  }
0xe: {  	[smem:$0x3FA8] =	sst s6  }
0xf: {  	[smem:$0x3FA9] =	sst s7  }
0x10: {  	[smem:$0x3FAA] =	sst s8  }
0x11: {  	[smem:$0x3FAB] =	sst s9;
	s0 =	simm.s32 @!p0 $0x0  }
0x12: {  	s1 =	sld [smem:$0x3F91];
	s0 =	simm.s32 @p0 $0x1  }
0x13: {  	[smem:$0x3FAC] =	sst s0;
	s0 =	simm.s32 @!p1 $0x0  }
0x14: {  	s2 =	sld [smem:$0x3F90];
	s0 =	simm.s32 @p1 $0x1  }
0x15: {  	[smem:$0x3FAD] =	sst s0;
	s0 =	simm.s32 @!p2 $0x0  }
0x16: {  	s3 =	sld [smem:$0x3FDB];
	s0 =	simm.s32 @p2 $0x1  }
0x17: {  	s4 =	simm.s32 $0x1BF5;
	[smem:$0x3FAF] =	sst s0  }
0x18: {  	s0 =	sld [smem:$0x3F92];
	_ =	swait.ge [sflag:s4], $0x0  }
0x19: {  	s7 =	sld [smem:$0x3F93]  }
0x1a: {  	s8 =	sadd.s32 $0xFFFFE003, lr  }
0x1b: {  	s9 =	sadd.s32 $0xFFFFFEF7, lr;
	s5 =	simm.s32 $0xFFFFFFFF;
	p2 =	slt.u32 s8, $0xFFFFF086  }
0x1c: {  	p1 =	slt.u32 s9, $0xF7A;
	s5 =	simm.s32 @!p2 $0x0  }
0x1d: {  	s5 =	simm.s32 @p1 $0x1;
	p0 =	seq.s32 s7, s2  }
0x1e: {  	s7 =	smul.u32 @!p0 $0xF7A, s2;
	p2 =	seq.s32 @!p0 s5, $0x0  }
0x1f: {  	s9 =	smul.u32 $0xF7A, s1;
	s8 =	simm.s32 @!p0 $0x1BF5;
	p2 =	por !p2, p0  }
0x20: {  	[sflag:s8] =	ssyncset.s32 @!p0 $0xFFFFF086;
	s6 =	sadd.s32 @!p0 s3, s7;
	s7 =	simm.s32 @!p0 $0x108  }
0x21: {  	s3 =	sadd.s32 s3, s9;
	s6 =	sadd.s32 @!p0 $0x88, s6;
	s7 =	simm.s32 @p2 $0x1082  }
0x22: {  	[simem:s7], [sflag:s8] =	dma.local @!p0 [hbm:s6], $0xF7A  }
0x23: {  	s9 =	sor.u32 $0xD0000000, s2;
	s6 =	simm.s32 $0x108;
	_ =	swait.ge @!p0 [sflag:s8], $0x0  }
0x24: {  	s3 =	sadd.s32 $0x88, s3;
	s6 =	simm.s32 @!p1 $0x1082;
	[sflag:s4] =	ssyncset.s32 $0xFFFFF086  }
0x25: {  	[simem:s6], [sflag:s4] =	dma.local [hbm:s3], $0xF7A  }
0x26: {  	[smem:$0x3F93] =	sst s1;
	(tag) =	ssettag s2;
	_ =	strace s9  }
0x27: {  	s1 =	sld [smem:$0x3FA3]  }
0x28: {  	s2 =	sld [smem:$0x3FA4]  }
0x29: {  	s4 =	sld [smem:$0x3FA6]  }
0x2a: {  	p0 =	seq.s32 s5, $0x0;
	s5 =	sld [smem:$0x3FA7]  }
0x2b: {  	s6 =	sld [smem:$0x3FA8]  }
0x2c: {  	s7 =	sld [smem:$0x3FA9]  }
0x2d: {  	s3 =	simm.s32 $0x108;
	s8 =	sld [smem:$0x3FAA]  }
0x2e: {  	s3 =	simm.s32 @!p0 $0x1082;
	s9 =	sld [smem:$0x3FAB]  }
0x2f: {  	lr =	sadd.s32 s0, s3;
	s0 =	sld [smem:$0x3FA2]  }
0x30: {  	s3 =	sld [smem:$0x3FA5]  }
0x31: {  	[smem:$0x3FAE] =	sst s10  }
0x32: {  	s10 =	sld [smem:$0x3FAC];
	_ =	sdelay $0x3  }
0x33: {  	p0 =	seq.s32 s10, $0x1;
	s10 =	sld [smem:$0x3FAE];
	_ =	sdelay $0x3  }
0x34: {  	[smem:$0x3FAE] =	sst s10  }
0x35: {  	s10 =	sld [smem:$0x3FAD];
	_ =	sdelay $0x3  }
0x36: {  	p1 =	seq.s32 s10, $0x1;
	s10 =	sld [smem:$0x3FAE];
	_ =	sdelay $0x3  }
0x37: {  	[smem:$0x3FAE] =	sst s10  }
0x38: {  	s10 =	sld [smem:$0x3FAF]  }
0x39: {  	_ = 	snop;
	(pc) =	sbr.ind lr, $3  }
0x3a: {  	_ = 	snop  }
0x3b: {  	_ = 	snop  }
0x3c: {  	p2 =	seq.s32 s10, $0x1;
	s10 =	sld [smem:$0x3FAE]  }
0x3d: {  	_ =	shalt  }
0x3e: {  	_ =	shalt  }
0x3f: {  	_ =	shalt  }
0x40: {  	_ =	shalt  }
0x41: {  	_ =	shalt  }
0x42: {  	_ =	shalt  }
0x43: {  	_ =	shalt  }
0x44: {  	_ =	shalt  }
0x45: {  	_ =	shalt  }
0x46: {  	_ =	shalt  }
0x47: {  	_ =	shalt  }
0x48: {  	_ =	shalt  }
0x49: {  	_ =	shalt  }
0x4a: {  	_ =	shalt  }
0x4b: {  	_ =	shalt  }
0x4c: {  	_ =	shalt  }
0x4d: {  	_ =	shalt  }
0x4e: {  	_ =	shalt  }
0x4f: {  	_ =	shalt  }
0x50: {  	_ =	shalt  }
0x51: {  	_ =	shalt  }
0x52: {  	_ =	shalt  }
0x53: {  	_ =	shalt  }
0x54: {  	_ =	shalt  }
0x55: {  	_ =	shalt  }
0x56: {  	_ =	shalt  }
0x57: {  	_ =	shalt  }
0x58: {  	_ =	shalt  }
0x59: {  	_ =	shalt  }
0x5a: {  	_ =	shalt  }
0x5b: {  	_ =	shalt  }
0x5c: {  	_ =	shalt  }
0x5d: {  	_ =	shalt  }
0x5e: {  	_ =	shalt  }
0x5f: {  	_ =	shalt  }
0x60: {  	_ =	shalt  }
0x61: {  	_ =	shalt  }
0x62: {  	_ =	shalt  }
0x63: {  	_ =	shalt  }
0x64: {  	_ =	shalt  }
0x65: {  	_ =	shalt  }
0x66: {  	_ =	shalt  }
0x67: {  	_ =	shalt  }
0x68: {  	_ =	shalt  }
0x69: {  	_ =	shalt  }
0x6a: {  	_ =	shalt  }
0x6b: {  	_ =	shalt  }
0x6c: {  	_ =	shalt  }
0x6d: {  	_ =	shalt  }
0x6e: {  	_ =	shalt  }
0x6f: {  	_ =	shalt  }
0x70: {  	_ =	shalt  }
0x71: {  	_ =	shalt  }
0x72: {  	_ =	shalt  }
0x73: {  	_ =	shalt  }
0x74: {  	_ =	shalt  }
0x75: {  	_ =	shalt  }
0x76: {  	_ =	shalt  }
0x77: {  	_ =	shalt  }
0x78: {  	_ =	shalt  }
0x79: {  	_ =	shalt  }
0x7a: {  	_ =	shalt  }
0x7b: {  	_ =	shalt  }
0x7c: {  	_ =	shalt  }
0x7d: {  	_ =	shalt  }
0x7e: {  	_ =	shalt  }
0x7f: {  	_ =	shalt  }
0x80: {  	_ =	shalt  }
0x81: {  	_ =	shalt  }
0x82: {  	_ =	shalt  }
0x83: {  	_ =	shalt  }
0x84: {  	_ =	shalt  }
0x85: {  	_ =	shalt  }
0x86: {  	_ =	shalt  }
0x87: {  	_ =	shalt  }
.Lfunc_end0:
.L_simem_size_0:
called_computation.1_lowered:
.L_overlay_start_0:
0x88: {  	s2 =	sld [smem:$0x3FD9]  }
0x89: {  	s3 =	sld [smem:$0x3FFE];
	_ =	sdelay $0x1  }
0x8a: {  	s1 =	srdreg.scid  }
0x8b: {  	s0 =	sand.u32 $0x1, s1  }
0x8c: {  	s16 =	sshll.u32 s0, $0xA;
	s2 =	sadd.s32 s3, s2  }
0x8d: {  	s2 =	sadd.s32 s2, s16  }
0x8e: {  	[smem:$0x3FBA] =	sst s2  }
0x8f: {  	_ = 	snop  }
0x90: {  	(tm) =	ssettm $0x1  }
0x91: {  	s17 =	sld [smem:$0x3FFB];
	_ =	sdelay $0x3  }
0x92: {  	_ =	strace s17  }
0x93: {  	s2 =	sld [smem:$0x3FFC];
	_ =	sdelay $0x3  }
0x94: {  	_ =	strace s2  }
0x95: {  	s2 =	sld [smem:$0x3FFD];
	_ =	sdelay $0x3  }
0x96: {  	_ =	strace s2  }
0x97: {  	_ =	strace $0x8FFFFFFF  }
0x98: {  	s18 =	sld [smem:$0x3FDB];
	_ =	sdelay $0x1  }
0x99: {  	s19 =	simm.s32 $_scs_section_size  }
0x9a: {  	s4 =	simm.s32 $_size__tile_overlayer_lowered;
	s5 =	simm.s32 $_tile_overlayer_lowered  }
0x9b: {  	s22 =	simm.s32 $0x1BFF;
	s21 =	sshll.u32 s5, $0x1;
	s2 =	sadd.s32 s19, s18  }
0x9c: {  	s6 =	simm.s32 $0x0;
	s20 =	sshll.u32 s4, $0x1;
	s4 =	sadd.s32 s21, s2  }
0x9d: {  	[timem:s6], [sflag:s22] =	dma.local [hbm:s4], s20  }
0x9e: {  	_ =	swait.ge [sflag:s22], s20  }
0x9f: {  	s3 =	ssub.s32 $0x0, s20;
	[sflag:s22] =	ssyncset.done $0x0  }
0xa0: {  	[sflag:s22] =	ssyncadd.s32 s3;
	_ =	sdelay $0x1  }
0xa1: {  	s23 =	simm.s32 $0x1B8B  }
0xa2: {  	_ =	swait.ge [sflag:s23], $0x1  }
0xa3: {  	[sflag:s23] =	ssyncset.done $0x0  }
0xa4: {  	s25 =	simm.s32 $0x1B8E;
	s24 =	sld [smem:$0x3FFE];
	[sflag:s23] =	ssyncadd.s32 $0xFFFFFFFF  }
0xa5: {  	s26 =	simm.s32 $execute0_lowered;
	[smem:$0x3FD2] =	sst s25  }
0xa6: {  	s4 =	sshll.u32 s26, $0x1;
	_ =	strace $0x80000049;
	[dreg:$0x1] =	wrdreg $0xFFFFFFFF  }
0xa7: {  	s28 =	simm.s32 $_size_execute0_lowered;
	s2 =	sadd.s32 s2, s4;
	[dreg:$0x0] =	wrdreg $0x0  }
0xa8: {  	s4 =	sshll.u32 s28, $0x1;
	[dreg:$0x2] =	wrdreg s2  }
0xa9: {  	[dreg:$0x3] =	wrdreg s4  }
0xaa: {  	[dreg:$0x4] =	wrdreg $0xC0  }
0xab: {  	_ =	task [dreg:s6], $0x5FFFF  }
0xac: {  	[dreg:$0x1] =	wrdreg $0xFFFFFFFF  }
0xad: {  	[dreg:$0x0] =	wrdreg $0x60  }
0xae: {  	[dreg:$0x2] =	wrdreg s24  }
0xaf: {  	[dreg:$0x3] =	wrdreg $0xAA000  }
0xb0: {  	[dreg:$0x4] =	wrdreg $0x9  }
0xb1: {  	_ =	task.clear_ibuf [dreg:s6], $0x5FFFF;
	_ =	strace $0x90000049  }
0xb2: {  	s29 =	simm.s32 $0x9;
	_ =	strace $0x8000004B  }
0xb3: {  	_ =	swait.ge [sflag:s29], $0x1  }
0xb4: {  	[sflag:s29] =	ssyncadd.s32 $0xFFFFFFFF  }
0xb5: {  	_ =	strace $0x9000004B  }
0xb6: {  	_ =	sfence  }
0xb7: {  	s30 =	sld [smem:$0x0];
	_ =	sdelay $0x2  }
0xb8: {  	s31 =	sshll.u32 s1, $0xD;
	s1 =	sshrl.u32 s1, $0x2  }
0xb9: {  	s3 =	sand.u32 $0x4000, s31;
	s1 =	sadd.s32 s1, s30  }
0xba: {  	s0 =	sor.u32 s3, s0;
	s1 =	sshll.u32 s1, $0x11  }
0xbb: {  	s0 =	sor.u32 s1, s0  }
0xbc: {  	s0 =	sadd.s32 $0x8F2B, s0  }
0xbd: {  	[sflag:s0] =	ssyncadd.remote.s32 $0x1  }
0xbe: {  	_ =	sfence.sel $0xFFFF  }
0xbf: {  	[dreg:$0x0] =	wrdreg $0xFFFFFFFF;
	(pc) =	sbr.abs _section_cstart, $3  }
0xc0: {  	[dreg:$0x1] =	wrdreg $0xFFFFFFFF  }
0xc1: {  	_ =	task.clear_ibuf [dreg:s6], $0x2FFFF;
	_ =	strace $0x9FFFFFFF  }
0xc2: {  	(tm) =	ssettm $0x7FFFFFFF  }
0xc3: {  	_ =	shalt  }
tec
execute0_lowered:
.L_overlay_start_1:
0x0: {  	(tag) =	ssettag $0x1  }
0x1: {  	s0 =	srdreg.scid;
	s7 =	rddreg [dreg:$0x0]  }
0x2: {  	s11 =	stileid.u32;
	s2 =	rddreg [dreg:$0x1];
	s4 =	simm.s32 $0x0  }
0x3: {  	s28 =	simm.s32 $0x3;
	s29 =	simm.s32 $0x2;
	s30 =	simm.s32 $0x4  }
0x4: {  	s31 =	simm.s32 $0x5;
	s0 =	sand.u32 $0x1, s0;
	[smem:$0x7FF] =	sst s4  }
0x5: {  	s8 =	smul.u32 $0x14000, s11;
	s5 =	sadd.s32 $0x16A00, s7;
	s6 =	sadd.s32 $0xCA00, s7  }
0x6: {  	s18 =	smul.u32 $0x50000, s11;
	s12 =	sadd.s32 $0x3EA00, s7;
	s21 =	sshll.u32 s11, $0x6  }
0x7: {  	s1 =	sshll.u32 s0, $0x4;
	s17 =	smul.u32 $0x140000, s0;
	_ =	strace $0x8000004A  }
0x8: {  	s0 =	ssub.s32 $0x2, s0;
	[dreg:$0x5] =	wrdreg s12;
	s1 =	sor.u32 s11, s1  }
0x9: {  	s19 =	sshrl.u32 s0, $0x1;
	s20 =	sshrl.u32 s18, $0x2;
	s18 =	simm.s32 $0x2800  }
0xa: {  	s3 =	smul.u32 $0x2800, s1;
	s1 =	sadd.s32 s8, s17;
	s0 =	ssub.s32 s0, s19  }
0xb: {  	s8 =	sor.u32 $0x1C07, s21;
	s17 =	simm.s32 $0x7;
	s19 =	simm.s32 $0x2880  }
0xc: {  	s21 =	simm.s32 $0x2980;
	s1 =	sshrl.u32 s1, $0x3;
	s15 =	smax.u32 s0, $0x1  }
0xd: {  	s0 =	simm.s32 $0x0;
	s9 =	sshrl.u32 s3, $0x3;
	s1 =	sadd.s32 s1, s7  }
0xe: {  	s23 =	sor.u32 $0x300, s3;
	s25 =	sor.u32 $0x380, s3;
	s10 =	sadd.s32 s9, s7  }
0xf: {  	s7 =	sadd.s32 s20, s2;
	s9 =	sadd.s32 s6, s9;
	[dreg:$0x3] =	wrdreg s23  }
0x10: {  	[dreg:$0x4] =	wrdreg s25;
	s1 =	sadd.s32 $0x41200, s1;
	s20 =	simm.s32 $0x2900  }
0x11: {  	s23 =	simm.s32 $0x2A00;
	s10 =	sadd.s32 $0x2A00, s10;
	[dreg:$0xa] =	wrdreg s1  }
0x12: {  	s25 =	simm.s32 $0x6A00;
	s22 =	sadd.s32 $0x10, s9;
	[dreg:$0x6] =	wrdreg s10  }
0x13: {  	s24 =	sadd.s32 $0x20, s9;
	s26 =	sadd.s32 $0x30, s9;
	[dreg:$0x7] =	wrdreg s22  }
0x14: {  	s16 =	sshrl.u32 s7, $0x3;
	s1 =	simm.s32 $0x6;
	[dreg:$0x8] =	wrdreg s24  }
0x15: {  	[dreg:$0x9] =	wrdreg s26;
	s22 =	simm.s32 $0x7D;
	s26 =	simm.s32 $0x1  }
.LBB2_1:
0x16: {  	s7 =	rddreg [dreg:$0x5]  }
0x17: {  	[spmem:s16], [sflag:s8] =	dma.local [hbm:s7], $0x2800  }
0x18: {  	_ =	swait.ge [sflag:s17], $0x2800  }
0x19: {  	[sflag:s17] =	ssyncset.done $0x0  }
0x1a: {  	s12 =	rddreg [dreg:$0x6];
	[sflag:s17] =	ssyncadd.s32 $0xFFFFD800  }
0x1b: {  	[tilespmem:s4], [sflag:$0x7] =	stream.linear.gather [hbm4b:s12+s4], $0x2800, $0x38;
	[tilespmem:$0x1EA00] =	vst v63  }
0x1c: {  	_ =	swait.ge [sflag:s17], $0x2800  }
0x1d: {  	[sflag:s17] =	ssyncset.done $0x0  }
0x1e: {  	[sflag:s17] =	ssyncadd.s32 $0xFFFFD800  }
0x1f: {  	[tilespmem:s18], [sflag:$0x3] =	stream.linear.gather [hbm4b:s9+s4], $0x80, $0x38;
	[tilespmem:$0x1EA00] =	vst v63  }
0x20: {  	s13 =	rddreg [dreg:$0x7]  }
0x21: {  	[tilespmem:s19], [sflag:$0x4] =	stream.linear.gather [hbm4b:s13+s4], $0x80, $0x38;
	[tilespmem:$0x1EA00] =	vst v63  }
0x22: {  	s14 =	rddreg [dreg:$0x8]  }
0x23: {  	[tilespmem:s20], [sflag:$0x5] =	stream.linear.gather [hbm4b:s14+s4], $0x80, $0x38;
	[tilespmem:$0x1EA00] =	vst v63  }
0x24: {  	s24 =	rddreg [dreg:$0x9]  }
0x25: {  	[tilespmem:s21], [sflag:$0x6] =	stream.linear.gather [hbm4b:s24+s4], $0x80, $0x38;
	[tilespmem:$0x1EA00] =	vst v63  }
0x26: {  	_ = 	snop  }
0x27: {  	[tilespmem:s23], [sflag:$0x1] =	stream.indirect.gather [hbm4b:s5+s22], $0x80, s4, s22, $0xb8;
	[tilespmem:$0x1EA00] =	vst v63  }
0x28: {  	s10 =	simm.s32 $0x80  }
0x29: {  	[tilespmem:s25], [sflag:$0x2] =	stream.indirect.gather [hbm4b:s5+s22], $0x80, s10, s22, $0xb8;
	[tilespmem:$0x1EA00] =	vst v63  }
0x2a: {  	[bflag:$0x0] =	sbarrier.arrive $0xFFFF  }
0x2b: {  	_ =	swait.ge [sflag:s26], $0x3E80  }
0x2c: {  	[sflag:s26] =	ssyncset.done $0x0  }
0x2d: {  	[sflag:s26] =	ssyncadd.s32 $0xFFFFC180  }
0x2e: {  	s11 =	smin.u32 s4, $0x4B;
	_ =	swait.ge [sflag:s28], $0x80  }
0x2f: {  	s7 =	sshll.u32 s11, $0x7;
	[sflag:s28] =	ssyncset.done $0x0  }
0x30: {  	s10 =	sadd.s32 $0x200, s7;
	[sflag:s28] =	ssyncadd.s32 $0xFFFFFF80  }
0x31: {  	[spmem:s2] =	stream.indirect.scatter.add.f32 [tilespmem:s23], [sflag:$0x7], $0x80, s18, s22, $0xb8;
	[tilespmem:$0x1EA00] =	vst v63  }
0x32: {  	s7 =	sadd.s32 s3, s10;
	_ =	swait.ge [sflag:s17], $0x3E80  }
0x33: {  	s7 =	sshrl.u32 s7, $0x3;
	[sflag:s17] =	ssyncset.done $0x0  }
0x34: {  	s7 =	sadd.s32 s6, s7;
	[sflag:s17] =	ssyncadd.s32 $0xFFFFC180  }
0x35: {  	[tilespmem:s18], [sflag:$0x3] =	stream.linear.gather [hbm4b:s7+s4], $0x80, $0x38;
	[tilespmem:$0x1EA00] =	vst v63  }
0x36: {  	s12 =	simm.s32 $0x100  }
0x37: {  	[tilespmem:s23], [sflag:$0x1] =	stream.indirect.gather [hbm4b:s5+s22], $0x80, s12, s22, $0xb8;
	[tilespmem:$0x1EA00] =	vst v63  }
0x38: {  	_ =	swait.ge [sflag:s29], $0x3E80  }
0x39: {  	[sflag:s29] =	ssyncset.done $0x0  }
0x3a: {  	[sflag:s29] =	ssyncadd.s32 $0xFFFFC180  }
0x3b: {  	s13 =	smin.u32 s4, $0x4A;
	_ =	swait.ge [sflag:s30], $0x80  }
0x3c: {  	s7 =	sshll.u32 s13, $0x7;
	[sflag:s30] =	ssyncset.done $0x0  }
0x3d: {  	s7 =	sadd.s32 $0x280, s7;
	[sflag:s30] =	ssyncadd.s32 $0xFFFFFF80  }
0x3e: {  	[spmem:s2] =	stream.indirect.scatter.add.f32 [tilespmem:s25], [sflag:$0x7], $0x80, s19, s22, $0xb8;
	[tilespmem:$0x1EA00] =	vst v63  }
0x3f: {  	s11 =	sadd.s32 s3, s7;
	_ =	swait.ge [sflag:s17], $0x3E80  }
0x40: {  	s11 =	sshrl.u32 s11, $0x3;
	[sflag:s17] =	ssyncset.done $0x0  }
0x41: {  	s11 =	sadd.s32 s6, s11;
	[sflag:s17] =	ssyncadd.s32 $0xFFFFC180  }
0x42: {  	[tilespmem:s19], [sflag:$0x4] =	stream.linear.gather [hbm4b:s11+s4], $0x80, $0x38;
	[tilespmem:$0x1EA00] =	vst v63  }
0x43: {  	s24 =	simm.s32 $0x180  }
0x44: {  	[tilespmem:s25], [sflag:$0x2] =	stream.indirect.gather [hbm4b:s5+s22], $0x80, s24, s22, $0xb8;
	[tilespmem:$0x1EA00] =	vst v63  }
0x45: {  	_ =	swait.ge [sflag:s26], $0x3E80  }
0x46: {  	[sflag:s26] =	ssyncset.done $0x0  }
0x47: {  	[sflag:s26] =	ssyncadd.s32 $0xFFFFC180  }
0x48: {  	_ =	swait.ge [sflag:s31], $0x80  }
0x49: {  	[sflag:s31] =	ssyncset.done $0x0  }
0x4a: {  	[sflag:s31] =	ssyncadd.s32 $0xFFFFFF80  }
0x4b: {  	[spmem:s2] =	stream.indirect.scatter.add.f32 [tilespmem:s23], [sflag:$0x7], $0x80, s20, s22, $0xb8;
	[tilespmem:$0x1EA00] =	vst v63  }
0x4c: {  	s12 =	smin.u32 s4, $0x49;
	_ =	swait.ge [sflag:s17], $0x3E80  }
0x4d: {  	s12 =	sshll.u32 s12, $0x7;
	s14 =	rddreg [dreg:$0x3]  }
0x4e: {  	s11 =	sadd.s32 s12, s14  }
0x4f: {  	[sflag:s17] =	ssyncset.done $0x0;
	s11 =	sshrl.u32 s11, $0x3  }
0x50: {  	[sflag:s17] =	ssyncadd.s32 $0xFFFFC180;
	s11 =	sadd.s32 s6, s11  }
0x51: {  	[tilespmem:s20], [sflag:$0x5] =	stream.linear.gather [hbm4b:s11+s4], $0x80, $0x38;
	[tilespmem:$0x1EA00] =	vst v63  }
0x52: {  	_ = 	snop  }
0x53: {  	[tilespmem:s23], [sflag:$0x1] =	stream.indirect.gather [hbm4b:s5+s22], $0x80, s10, s22, $0xb8;
	[tilespmem:$0x1EA00] =	vst v63  }
0x54: {  	_ =	swait.ge [sflag:s29], $0x3E80  }
0x55: {  	[sflag:s29] =	ssyncset.done $0x0  }
0x56: {  	[sflag:s29] =	ssyncadd.s32 $0xFFFFC180  }
0x57: {  	_ =	swait.ge [sflag:s1], $0x80  }
0x58: {  	[sflag:s1] =	ssyncset.done $0x0  }
0x59: {  	[sflag:s1] =	ssyncadd.s32 $0xFFFFFF80  }
0x5a: {  	[spmem:s2] =	stream.indirect.scatter.add.f32 [tilespmem:s25], [sflag:$0x7], $0x80, s21, s22, $0xb8;
	[tilespmem:$0x1EA00] =	vst v63  }
0x5b: {  	s14 =	smin.u32 s4, $0x48;
	_ =	swait.ge [sflag:s17], $0x3E80  }
0x5c: {  	s11 =	sshll.u32 s14, $0x7;
	s13 =	rddreg [dreg:$0x4]  }
0x5d: {  	s10 =	sadd.s32 s11, s13  }
0x5e: {  	[sflag:s17] =	ssyncset.done $0x0;
	s10 =	sshrl.u32 s10, $0x3  }
0x5f: {  	[sflag:s17] =	ssyncadd.s32 $0xFFFFC180;
	s10 =	sadd.s32 s6, s10  }
0x60: {  	[tilespmem:s21], [sflag:$0x6] =	stream.linear.gather [hbm4b:s10+s4], $0x80, $0x38;
	[tilespmem:$0x1EA00] =	vst v63  }
0x61: {  	s10 =	simm.s32 $0x4  }
.LBB2_2:
0x62: {  	[tilespmem:s25], [sflag:$0x2] =	stream.indirect.gather [hbm4b:s5+s22], $0x80, s7, s22, $0xb8;
	[tilespmem:$0x1EA00] =	vst v63  }
0x63: {  	_ =	swait.ge [sflag:s26], $0x3E80  }
0x64: {  	[sflag:s26] =	ssyncset.done $0x0  }
0x65: {  	s11 =	smov.u32 s10;
	[sflag:s26] =	ssyncadd.s32 $0xFFFFC180  }
0x66: {  	s12 =	smin.u32 s11, $0x4B;
	_ =	swait.ge [sflag:s28], $0x80  }
0x67: {  	s7 =	sshll.u32 s12, $0x7;
	[sflag:s28] =	ssyncset.done $0x0  }
0x68: {  	s12 =	sadd.s32 $0x200, s7;
	[sflag:s28] =	ssyncadd.s32 $0xFFFFFF80  }
0x69: {  	[spmem:s2] =	stream.indirect.scatter.add.f32 [tilespmem:s23], [sflag:$0x7], $0x80, s18, s22, $0xb8;
	[tilespmem:$0x1EA00] =	vst v63  }
0x6a: {  	s7 =	sadd.s32 s3, s12;
	_ =	swait.ge [sflag:s17], $0x3E80  }
0x6b: {  	s7 =	sshrl.u32 s7, $0x3;
	[sflag:s17] =	ssyncset.done $0x0  }
0x6c: {  	s24 =	sadd.s32 $0x200, s24;
	s7 =	sadd.s32 s6, s7;
	[sflag:s17] =	ssyncadd.s32 $0xFFFFC180  }
0x6d: {  	[tilespmem:s18], [sflag:$0x3] =	stream.linear.gather [hbm4b:s7+s4], $0x80, $0x38;
	[tilespmem:$0x1EA00] =	vst v63  }
0x6e: {  	s13 =	sadd.s32 $0xFFFFFF80, s24  }
0x6f: {  	[tilespmem:s23], [sflag:$0x1] =	stream.indirect.gather [hbm4b:s5+s22], $0x80, s13, s22, $0xb8;
	[tilespmem:$0x1EA00] =	vst v63  }
0x70: {  	_ =	swait.ge [sflag:s29], $0x3E80  }
0x71: {  	[sflag:s29] =	ssyncset.done $0x0  }
0x72: {  	[sflag:s29] =	ssyncadd.s32 $0xFFFFC180  }
0x73: {  	s13 =	smin.u32 s11, $0x4A;
	_ =	swait.ge [sflag:s30], $0x80  }
0x74: {  	s7 =	sshll.u32 s13, $0x7;
	[sflag:s30] =	ssyncset.done $0x0  }
0x75: {  	s7 =	sadd.s32 $0x280, s7;
	[sflag:s30] =	ssyncadd.s32 $0xFFFFFF80  }
0x76: {  	[spmem:s2] =	stream.indirect.scatter.add.f32 [tilespmem:s25], [sflag:$0x7], $0x80, s19, s22, $0xb8;
	[tilespmem:$0x1EA00] =	vst v63  }
0x77: {  	s14 =	sadd.s32 s3, s7;
	_ =	swait.ge [sflag:s17], $0x3E80  }
0x78: {  	s13 =	sshrl.u32 s14, $0x3;
	[sflag:s17] =	ssyncset.done $0x0  }
0x79: {  	s13 =	sadd.s32 s6, s13;
	[sflag:s17] =	ssyncadd.s32 $0xFFFFC180  }
0x7a: {  	[tilespmem:s19], [sflag:$0x4] =	stream.linear.gather [hbm4b:s13+s4], $0x80, $0x38;
	[tilespmem:$0x1EA00] =	vst v63  }
0x7b: {  	_ = 	snop  }
0x7c: {  	[tilespmem:s25], [sflag:$0x2] =	stream.indirect.gather [hbm4b:s5+s22], $0x80, s24, s22, $0xb8;
	[tilespmem:$0x1EA00] =	vst v63  }
0x7d: {  	_ =	swait.ge [sflag:s26], $0x3E80  }
0x7e: {  	[sflag:s26] =	ssyncset.done $0x0  }
0x7f: {  	[sflag:s26] =	ssyncadd.s32 $0xFFFFC180  }
0x80: {  	_ =	swait.ge [sflag:s31], $0x80  }
0x81: {  	[sflag:s31] =	ssyncset.done $0x0  }
0x82: {  	[sflag:s31] =	ssyncadd.s32 $0xFFFFFF80  }
0x83: {  	[spmem:s2] =	stream.indirect.scatter.add.f32 [tilespmem:s23], [sflag:$0x7], $0x80, s20, s22, $0xb8;
	[tilespmem:$0x1EA00] =	vst v63  }
0x84: {  	s14 =	smin.u32 s11, $0x49;
	_ =	swait.ge [sflag:s17], $0x3E80  }
0x85: {  	s14 =	sshll.u32 s14, $0x7;
	s13 =	rddreg [dreg:$0x3]  }
0x86: {  	s13 =	sadd.s32 s14, s13  }
0x87: {  	[sflag:s17] =	ssyncset.done $0x0;
	s13 =	sshrl.u32 s13, $0x3  }
0x88: {  	[sflag:s17] =	ssyncadd.s32 $0xFFFFC180;
	s13 =	sadd.s32 s6, s13  }
0x89: {  	[tilespmem:s20], [sflag:$0x5] =	stream.linear.gather [hbm4b:s13+s4], $0x80, $0x38;
	[tilespmem:$0x1EA00] =	vst v63  }
0x8a: {  	_ = 	snop  }
0x8b: {  	[tilespmem:s23], [sflag:$0x1] =	stream.indirect.gather [hbm4b:s5+s22], $0x80, s12, s22, $0xb8;
	[tilespmem:$0x1EA00] =	vst v63  }
0x8c: {  	_ =	swait.ge [sflag:s29], $0x3E80  }
0x8d: {  	[sflag:s29] =	ssyncset.done $0x0  }
0x8e: {  	[sflag:s29] =	ssyncadd.s32 $0xFFFFC180  }
0x8f: {  	_ =	swait.ge [sflag:s1], $0x80  }
0x90: {  	[sflag:s1] =	ssyncset.done $0x0  }
0x91: {  	[sflag:s1] =	ssyncadd.s32 $0xFFFFFF80  }
0x92: {  	[spmem:s2] =	stream.indirect.scatter.add.f32 [tilespmem:s25], [sflag:$0x7], $0x80, s21, s22, $0xb8;
	[tilespmem:$0x1EA00] =	vst v63  }
0x93: {  	p0 =	sne.s32 s10, $0x4C;
	s11 =	smin.u32 s11, $0x48;
	_ =	swait.ge [sflag:s17], $0x3E80  }
.Ltmp0:
0x94: {  	s11 =	sshll.u32 s11, $0x7;
	s14 =	rddreg [dreg:$0x4];
	(pc) =	sbr.rel @p0 .LBB2_2-.Ltmp0, $4  }
0x95: {  	s11 =	sadd.s32 s11, s14  }
0x96: {  	[sflag:s17] =	ssyncset.done $0x0;
	s11 =	sshrl.u32 s11, $0x3  }
0x97: {  	s10 =	sadd.s32 $0x4, s10;
	[sflag:s17] =	ssyncadd.s32 $0xFFFFC180;
	s11 =	sadd.s32 s6, s11  }
0x98: {  	[tilespmem:s21], [sflag:$0x6] =	stream.linear.gather [hbm4b:s11+s4], $0x80, $0x38;
	[tilespmem:$0x1EA00] =	vst v63  }
0x99: {  	[tilespmem:s25], [sflag:$0x2] =	stream.indirect.gather [hbm4b:s5+s22], $0x80, s7, s22, $0xb8;
	[tilespmem:$0x1EA00] =	vst v63  }
0x9a: {  	_ =	swait.ge [sflag:s26], $0x3E80  }
0x9b: {  	[sflag:s26] =	ssyncset.done $0x0  }
0x9c: {  	[sflag:s26] =	ssyncadd.s32 $0xFFFFC180  }
0x9d: {  	_ =	swait.ge [sflag:s29], $0x3E80  }
0x9e: {  	[sflag:s29] =	ssyncset.done $0x0  }
0x9f: {  	[sflag:s29] =	ssyncadd.s32 $0xFFFFC180  }
0xa0: {  	_ =	swait.ge [sflag:s28], $0x80  }
0xa1: {  	[sflag:s28] =	ssyncset.done $0x0  }
0xa2: {  	[sflag:s28] =	ssyncadd.s32 $0xFFFFFF80  }
0xa3: {  	_ =	swait.ge [sflag:s30], $0x80  }
0xa4: {  	[sflag:s30] =	ssyncset.done $0x0  }
0xa5: {  	[sflag:s30] =	ssyncadd.s32 $0xFFFFFF80  }
0xa6: {  	_ =	swait.ge [sflag:s31], $0x80  }
0xa7: {  	[sflag:s31] =	ssyncset.done $0x0  }
0xa8: {  	[sflag:s31] =	ssyncadd.s32 $0xFFFFFF80  }
0xa9: {  	_ =	swait.ge [sflag:s1], $0x80  }
0xaa: {  	[sflag:s1] =	ssyncset.done $0x0  }
0xab: {  	s0 =	sadd.s32 $0x1, s0;
	[sflag:s1] =	ssyncadd.s32 $0xFFFFFF80  }
0xac: {  	p0 =	sne.s32 s0, s15;
	[bflag:$0x0] =	sbarrier.arrive $0xFFFF  }
.Ltmp1:
0xad: {  	s24 =	rddreg [dreg:$0xa];
	(pc) =	sbr.rel @p0 .LBB2_1-.Ltmp1, $4  }
0xae: {  	[hbm:s24], [sflag:s8] =	dma.local [spmem:s16], $0x2800  }
0xaf: {  	_ =	swait.ge [sflag:s17], $0x2800  }
0xb0: {  	[sflag:s17] =	ssyncset.done $0x0  }
0xb1: {  	[sflag:s17] =	ssyncadd.s32 $0xFFFFD800  }
0xb2: {  	_ =	sfence.sel $0x180000  }
0xb3: {  	[bflag:$0x0] =	sbarrier.arrive $0xFFFF  }
0xb4: {  	_ =	strace $0x9000004A  }
0xb5: {  	s0 =	stileid.u32;
	[bflag:$0x2] =	sbarrier.arrive $0xFFFF  }
0xb6: {  	p0 =	sne.s32 s0, $0x0;
	s0 =	rddreg [dreg:$0x2]  }
0xb7: {  	s0 =	sadd.s32 @!p0 $0x100000, s0  }
0xb8: {  	[sflag:s0] =	ssyncadd.tile.s32 @!p0 $0x1;
	_ =	shalt  }
.Lfunc_end2:
_tile_overlayer_lowered:
.L_overlay_start_2:
0xb9: {  	(tag) =	ssettag $0x2  }
0xba: {  	s0 =	rddreg [dreg:$0x0];
	s2 =	stileid.u32  }
0xbb: {  	s1 =	rddreg [dreg:$0x1];
	p0 =	sne.s32 s2, $0x0  }
0xbc: {  	s3 =	rddreg [dreg:$0x2];
	[bflag:$0x3] =	sbarrier.arrive $0xFFFF;
	s2 =	simm.s32 @!p0 $0x1C07  }
0xbd: {  	[timem:s3], [sflag:s2] =	dma.local @!p0 [hbm:s0], s1  }
0xbe: {  	s0 =	simm.s32 @!p0 $0x7  }
0xbf: {  	_ =	swait.ge @!p0 [sflag:s0], s1  }
0xc0: {  	s1 =	ssub.s32 @!p0 $0x0, s1;
	[sflag:s0] =	ssyncset.done @!p0 $0x0  }
0xc1: {  	[sflag:s0] =	ssyncadd.s32 @!p0 s1  }
0xc2: {  	[bflag:$0x3] =	sbarrier.arrive $0xFFFF  }
0xc3: {  	_ =	shalt  }

// kernel: kernel.14.cloned.1.call-start
scs
__scs_entry_jumppad:
0x0: {  	(pc) =	sbr.rel $0x88, $3  }
0x1: {  	(tag) =	ssettag $0x0;
	lr =	simm.s32 $0x1  }
0x2: {  	[smem:$0x3F93] =	sst lr;
	_ =	strace $0xD0000000  }
0x3: {  	_ = 	snop  }
0x4: {  	_ = 	snop  }
0x5: {  	_ = 	snop  }
0x6: {  	_ = 	snop  }
0x7: {  	_ = 	snop  }
__scs_overlays_trampoline_lowered:
0x8: {  	[smem:$0x3FA2] =	sst s0  }
0x9: {  	[smem:$0x3FA3] =	sst s1  }
0xa: {  	[smem:$0x3FA4] =	sst s2  }
0xb: {  	[smem:$0x3FA5] =	sst s3  }
0xc: {  	[smem:$0x3FA6] =	sst s4  }
0xd: {  	[smem:$0x3FA7] =	sst s5  }
0xe: {  	[smem:$0x3FA8] =	sst s6  }
0xf: {  	[smem:$0x3FA9] =	sst s7  }
0x10: {  	[smem:$0x3FAA] =	sst s8  }
0x11: {  	[smem:$0x3FAB] =	sst s9;
	s0 =	simm.s32 @!p0 $0x0  }
0x12: {  	s1 =	sld [smem:$0x3F91];
	s0 =	simm.s32 @p0 $0x1  }
0x13: {  	[smem:$0x3FAC] =	sst s0;
	s0 =	simm.s32 @!p1 $0x0  }
0x14: {  	s2 =	sld [smem:$0x3F90];
	s0 =	simm.s32 @p1 $0x1  }
0x15: {  	[smem:$0x3FAD] =	sst s0;
	s0 =	simm.s32 @!p2 $0x0  }
0x16: {  	s3 =	sld [smem:$0x3FDB];
	s0 =	simm.s32 @p2 $0x1  }
0x17: {  	s4 =	simm.s32 $0x1BF5;
	[smem:$0x3FAF] =	sst s0  }
0x18: {  	s0 =	sld [smem:$0x3F92];
	_ =	swait.ge [sflag:s4], $0x0  }
0x19: {  	s7 =	sld [smem:$0x3F93]  }
0x1a: {  	s8 =	sadd.s32 $0xFFFFE003, lr  }
0x1b: {  	s9 =	sadd.s32 $0xFFFFFEF7, lr;
	s5 =	simm.s32 $0xFFFFFFFF;
	p2 =	slt.u32 s8, $0xFFFFF086  }
0x1c: {  	p1 =	slt.u32 s9, $0xF7A;
	s5 =	simm.s32 @!p2 $0x0  }
0x1d: {  	s5 =	simm.s32 @p1 $0x1;
	p0 =	seq.s32 s7, s2  }
0x1e: {  	s7 =	smul.u32 @!p0 $0xF7A, s2;
	p2 =	seq.s32 @!p0 s5, $0x0  }
0x1f: {  	s9 =	smul.u32 $0xF7A, s1;
	s8 =	simm.s32 @!p0 $0x1BF5;
	p2 =	por !p2, p0  }
0x20: {  	[sflag:s8] =	ssyncset.s32 @!p0 $0xFFFFF086;
	s6 =	sadd.s32 @!p0 s3, s7;
	s7 =	simm.s32 @!p0 $0x108  }
0x21: {  	s3 =	sadd.s32 s3, s9;
	s6 =	sadd.s32 @!p0 $0x88, s6;
	s7 =	simm.s32 @p2 $0x1082  }
0x22: {  	[simem:s7], [sflag:s8] =	dma.local @!p0 [hbm:s6], $0xF7A  }
0x23: {  	s9 =	sor.u32 $0xD0000000, s2;
	s6 =	simm.s32 $0x108;
	_ =	swait.ge @!p0 [sflag:s8], $0x0  }
0x24: {  	s3 =	sadd.s32 $0x88, s3;
	s6 =	simm.s32 @!p1 $0x1082;
	[sflag:s4] =	ssyncset.s32 $0xFFFFF086  }
0x25: {  	[simem:s6], [sflag:s4] =	dma.local [hbm:s3], $0xF7A  }
0x26: {  	[smem:$0x3F93] =	sst s1;
	(tag) =	ssettag s2;
	_ =	strace s9  }
0x27: {  	s1 =	sld [smem:$0x3FA3]  }
0x28: {  	s2 =	sld [smem:$0x3FA4]  }
0x29: {  	s4 =	sld [smem:$0x3FA6]  }
0x2a: {  	p0 =	seq.s32 s5, $0x0;
	s5 =	sld [smem:$0x3FA7]  }
0x2b: {  	s6 =	sld [smem:$0x3FA8]  }
0x2c: {  	s7 =	sld [smem:$0x3FA9]  }
0x2d: {  	s3 =	simm.s32 $0x108;
	s8 =	sld [smem:$0x3FAA]  }
0x2e: {  	s3 =	simm.s32 @!p0 $0x1082;
	s9 =	sld [smem:$0x3FAB]  }
0x2f: {  	lr =	sadd.s32 s0, s3;
	s0 =	sld [smem:$0x3FA2]  }
0x30: {  	s3 =	sld [smem:$0x3FA5]  }
0x31: {  	[smem:$0x3FAE] =	sst s10  }
0x32: {  	s10 =	sld [smem:$0x3FAC];
	_ =	sdelay $0x3  }
0x33: {  	p0 =	seq.s32 s10, $0x1;
	s10 =	sld [smem:$0x3FAE];
	_ =	sdelay $0x3  }
0x34: {  	[smem:$0x3FAE] =	sst s10  }
0x35: {  	s10 =	sld [smem:$0x3FAD];
	_ =	sdelay $0x3  }
0x36: {  	p1 =	seq.s32 s10, $0x1;
	s10 =	sld [smem:$0x3FAE];
	_ =	sdelay $0x3  }
0x37: {  	[smem:$0x3FAE] =	sst s10  }
0x38: {  	s10 =	sld [smem:$0x3FAF]  }
0x39: {  	_ = 	snop;
	(pc) =	sbr.ind lr, $3  }
0x3a: {  	_ = 	snop  }
0x3b: {  	_ = 	snop  }
0x3c: {  	p2 =	seq.s32 s10, $0x1;
	s10 =	sld [smem:$0x3FAE]  }
0x3d: {  	_ =	shalt  }
0x3e: {  	_ =	shalt  }
0x3f: {  	_ =	shalt  }
0x40: {  	_ =	shalt  }
0x41: {  	_ =	shalt  }
0x42: {  	_ =	shalt  }
0x43: {  	_ =	shalt  }
0x44: {  	_ =	shalt  }
0x45: {  	_ =	shalt  }
0x46: {  	_ =	shalt  }
0x47: {  	_ =	shalt  }
0x48: {  	_ =	shalt  }
0x49: {  	_ =	shalt  }
0x4a: {  	_ =	shalt  }
0x4b: {  	_ =	shalt  }
0x4c: {  	_ =	shalt  }
0x4d: {  	_ =	shalt  }
0x4e: {  	_ =	shalt  }
0x4f: {  	_ =	shalt  }
0x50: {  	_ =	shalt  }
0x51: {  	_ =	shalt  }
0x52: {  	_ =	shalt  }
0x53: {  	_ =	shalt  }
0x54: {  	_ =	shalt  }
0x55: {  	_ =	shalt  }
0x56: {  	_ =	shalt  }
0x57: {  	_ =	shalt  }
0x58: {  	_ =	shalt  }
0x59: {  	_ =	shalt  }
0x5a: {  	_ =	shalt  }
0x5b: {  	_ =	shalt  }
0x5c: {  	_ =	shalt  }
0x5d: {  	_ =	shalt  }
0x5e: {  	_ =	shalt  }
0x5f: {  	_ =	shalt  }
0x60: {  	_ =	shalt  }
0x61: {  	_ =	shalt  }
0x62: {  	_ =	shalt  }
0x63: {  	_ =	shalt  }
0x64: {  	_ =	shalt  }
0x65: {  	_ =	shalt  }
0x66: {  	_ =	shalt  }
0x67: {  	_ =	shalt  }
0x68: {  	_ =	shalt  }
0x69: {  	_ =	shalt  }
0x6a: {  	_ =	shalt  }
0x6b: {  	_ =	shalt  }
0x6c: {  	_ =	shalt  }
0x6d: {  	_ =	shalt  }
0x6e: {  	_ =	shalt  }
0x6f: {  	_ =	shalt  }
0x70: {  	_ =	shalt  }
0x71: {  	_ =	shalt  }
0x72: {  	_ =	shalt  }
0x73: {  	_ =	shalt  }
0x74: {  	_ =	shalt  }
0x75: {  	_ =	shalt  }
0x76: {  	_ =	shalt  }
0x77: {  	_ =	shalt  }
0x78: {  	_ =	shalt  }
0x79: {  	_ =	shalt  }
0x7a: {  	_ =	shalt  }
0x7b: {  	_ =	shalt  }
0x7c: {  	_ =	shalt  }
0x7d: {  	_ =	shalt  }
0x7e: {  	_ =	shalt  }
0x7f: {  	_ =	shalt  }
0x80: {  	_ =	shalt  }
0x81: {  	_ =	shalt  }
0x82: {  	_ =	shalt  }
0x83: {  	_ =	shalt  }
0x84: {  	_ =	shalt  }
0x85: {  	_ =	shalt  }
0x86: {  	_ =	shalt  }
0x87: {  	_ =	shalt  }
.Lfunc_end0:
.L_simem_size_0:
called_computation.2_lowered:
.L_overlay_start_0:
0x88: {  	s2 =	sld [smem:$0x3FD9]  }
0x89: {  	s3 =	sld [smem:$0x3FFE];
	_ =	sdelay $0x1  }
0x8a: {  	s1 =	srdreg.scid  }
0x8b: {  	s0 =	sand.u32 $0x1, s1  }
0x8c: {  	s16 =	sshll.u32 s0, $0xA;
	s2 =	sadd.s32 s3, s2  }
0x8d: {  	s2 =	sadd.s32 s2, s16  }
0x8e: {  	[smem:$0x3FBA] =	sst s2  }
0x8f: {  	_ = 	snop  }
0x90: {  	(tm) =	ssettm $0x1  }
0x91: {  	s17 =	sld [smem:$0x3FFB];
	_ =	sdelay $0x3  }
0x92: {  	_ =	strace s17  }
0x93: {  	s2 =	sld [smem:$0x3FFC];
	_ =	sdelay $0x3  }
0x94: {  	_ =	strace s2  }
0x95: {  	s2 =	sld [smem:$0x3FFD];
	_ =	sdelay $0x3  }
0x96: {  	_ =	strace s2  }
0x97: {  	_ =	strace $0x8FFFFFFF  }
0x98: {  	s18 =	sld [smem:$0x3FDB];
	_ =	sdelay $0x1  }
0x99: {  	s19 =	simm.s32 $_scs_section_size  }
0x9a: {  	s4 =	simm.s32 $_size__tile_overlayer_lowered;
	s5 =	simm.s32 $_tile_overlayer_lowered  }
0x9b: {  	s22 =	simm.s32 $0x1BFF;
	s21 =	sshll.u32 s5, $0x1;
	s2 =	sadd.s32 s19, s18  }
0x9c: {  	s6 =	simm.s32 $0x0;
	s20 =	sshll.u32 s4, $0x1;
	s4 =	sadd.s32 s21, s2  }
0x9d: {  	[timem:s6], [sflag:s22] =	dma.local [hbm:s4], s20  }
0x9e: {  	_ =	swait.ge [sflag:s22], s20  }
0x9f: {  	s3 =	ssub.s32 $0x0, s20;
	[sflag:s22] =	ssyncset.done $0x0  }
0xa0: {  	[sflag:s22] =	ssyncadd.s32 s3;
	_ =	sdelay $0x1  }
0xa1: {  	s23 =	simm.s32 $0x1B8B  }
0xa2: {  	_ =	swait.ge [sflag:s23], $0x1  }
0xa3: {  	[sflag:s23] =	ssyncset.done $0x0  }
0xa4: {  	s25 =	simm.s32 $0x1B8E;
	s24 =	sld [smem:$0x3FFE];
	[sflag:s23] =	ssyncadd.s32 $0xFFFFFFFF  }
0xa5: {  	s26 =	simm.s32 $execute0_lowered;
	[smem:$0x3FD2] =	sst s25  }
0xa6: {  	s4 =	sshll.u32 s26, $0x1;
	_ =	strace $0x8000004C;
	[dreg:$0x1] =	wrdreg $0xFFFFFFFF  }
0xa7: {  	s28 =	simm.s32 $_size_execute0_lowered;
	s2 =	sadd.s32 s2, s4;
	[dreg:$0x0] =	wrdreg $0x0  }
0xa8: {  	s4 =	sshll.u32 s28, $0x1;
	[dreg:$0x2] =	wrdreg s2  }
0xa9: {  	[dreg:$0x3] =	wrdreg s4  }
0xaa: {  	[dreg:$0x4] =	wrdreg $0xC0  }
0xab: {  	_ =	task [dreg:s6], $0x5FFFF  }
0xac: {  	[dreg:$0x1] =	wrdreg $0xFFFFFFFF  }
0xad: {  	[dreg:$0x0] =	wrdreg $0x60  }
0xae: {  	[dreg:$0x2] =	wrdreg s24  }
0xaf: {  	[dreg:$0x3] =	wrdreg $0xAA000  }
0xb0: {  	[dreg:$0x4] =	wrdreg $0x9  }
0xb1: {  	_ =	task.clear_ibuf [dreg:s6], $0x5FFFF;
	_ =	strace $0x9000004C  }
0xb2: {  	s29 =	simm.s32 $0x9;
	_ =	strace $0x8000004E  }
0xb3: {  	_ =	swait.ge [sflag:s29], $0x1  }
0xb4: {  	[sflag:s29] =	ssyncadd.s32 $0xFFFFFFFF  }
0xb5: {  	_ =	strace $0x9000004E  }
0xb6: {  	_ =	sfence  }
0xb7: {  	s30 =	sld [smem:$0x0];
	_ =	sdelay $0x2  }
0xb8: {  	s31 =	sshll.u32 s1, $0xD;
	s1 =	sshrl.u32 s1, $0x2  }
0xb9: {  	s3 =	sand.u32 $0x4000, s31;
	s1 =	sadd.s32 s1, s30  }
0xba: {  	s0 =	sor.u32 s3, s0;
	s1 =	sshll.u32 s1, $0x11  }
0xbb: {  	s0 =	sor.u32 s1, s0  }
0xbc: {  	s0 =	sadd.s32 $0x8F2B, s0  }
0xbd: {  	[sflag:s0] =	ssyncadd.remote.s32 $0x1  }
0xbe: {  	_ =	sfence.sel $0xFFFF  }
0xbf: {  	[dreg:$0x0] =	wrdreg $0xFFFFFFFF;
	(pc) =	sbr.abs _section_cstart, $3  }
0xc0: {  	[dreg:$0x1] =	wrdreg $0xFFFFFFFF  }
0xc1: {  	_ =	task.clear_ibuf [dreg:s6], $0x2FFFF;
	_ =	strace $0x9FFFFFFF  }
0xc2: {  	(tm) =	ssettm $0x7FFFFFFF  }
0xc3: {  	_ =	shalt  }
tec
execute0_lowered:
.L_overlay_start_1:
0x0: {  	(tag) =	ssettag $0x1  }
0x1: {  	s0 =	srdreg.scid;
	s7 =	rddreg [dreg:$0x0]  }
0x2: {  	s11 =	stileid.u32;
	s2 =	rddreg [dreg:$0x1];
	s4 =	simm.s32 $0x0  }
0x3: {  	s28 =	simm.s32 $0x3;
	s29 =	simm.s32 $0x2;
	s30 =	simm.s32 $0x4  }
0x4: {  	s31 =	simm.s32 $0x5;
	s0 =	sand.u32 $0x1, s0;
	[smem:$0x7FF] =	sst s4  }
0x5: {  	s8 =	smul.u32 $0x14000, s11;
	s5 =	sadd.s32 $0x16A00, s7;
	s6 =	sadd.s32 $0xCA00, s7  }
0x6: {  	s18 =	smul.u32 $0x50000, s11;
	s12 =	sadd.s32 $0x3EA00, s7;
	s21 =	sshll.u32 s11, $0x6  }
0x7: {  	s1 =	sshll.u32 s0, $0x4;
	s17 =	smul.u32 $0x140000, s0;
	_ =	strace $0x8000004D  }
0x8: {  	s0 =	ssub.s32 $0x2, s0;
	[dreg:$0x5] =	wrdreg s12;
	s1 =	sor.u32 s11, s1  }
0x9: {  	s19 =	sshrl.u32 s0, $0x1;
	s20 =	sshrl.u32 s18, $0x2;
	s18 =	simm.s32 $0x2800  }
0xa: {  	s3 =	smul.u32 $0x2800, s1;
	s1 =	sadd.s32 s8, s17;
	s0 =	ssub.s32 s0, s19  }
0xb: {  	s8 =	sor.u32 $0x1C07, s21;
	s17 =	simm.s32 $0x7;
	s19 =	simm.s32 $0x2880  }
0xc: {  	s21 =	simm.s32 $0x2980;
	s1 =	sshrl.u32 s1, $0x3;
	s15 =	smax.u32 s0, $0x1  }
0xd: {  	s0 =	simm.s32 $0x0;
	s9 =	sshrl.u32 s3, $0x3;
	s1 =	sadd.s32 s1, s7  }
0xe: {  	s23 =	sor.u32 $0x300, s3;
	s25 =	sor.u32 $0x380, s3;
	s10 =	sadd.s32 s9, s7  }
0xf: {  	s7 =	sadd.s32 s20, s2;
	s9 =	sadd.s32 s6, s9;
	[dreg:$0x3] =	wrdreg s23  }
0x10: {  	[dreg:$0x4] =	wrdreg s25;
	s1 =	sadd.s32 $0x41200, s1;
	s20 =	simm.s32 $0x2900  }
0x11: {  	s23 =	simm.s32 $0x2A00;
	s10 =	sadd.s32 $0x2A00, s10;
	[dreg:$0xa] =	wrdreg s1  }
0x12: {  	s25 =	simm.s32 $0x6A00;
	s22 =	sadd.s32 $0x10, s9;
	[dreg:$0x6] =	wrdreg s10  }
0x13: {  	s24 =	sadd.s32 $0x20, s9;
	s26 =	sadd.s32 $0x30, s9;
	[dreg:$0x7] =	wrdreg s22  }
0x14: {  	s16 =	sshrl.u32 s7, $0x3;
	s1 =	simm.s32 $0x6;
	[dreg:$0x8] =	wrdreg s24  }
0x15: {  	[dreg:$0x9] =	wrdreg s26;
	s22 =	simm.s32 $0x7D;
	s26 =	simm.s32 $0x1  }
.LBB2_1:
0x16: {  	s7 =	rddreg [dreg:$0x5]  }
0x17: {  	[spmem:s16], [sflag:s8] =	dma.local [hbm:s7], $0x2800  }
0x18: {  	_ =	swait.ge [sflag:s17], $0x2800  }
0x19: {  	[sflag:s17] =	ssyncset.done $0x0  }
0x1a: {  	s12 =	rddreg [dreg:$0x6];
	[sflag:s17] =	ssyncadd.s32 $0xFFFFD800  }
0x1b: {  	[tilespmem:s4], [sflag:$0x7] =	stream.linear.gather [hbm4b:s12+s4], $0x2800, $0x38;
	[tilespmem:$0x1EA00] =	vst v63  }
0x1c: {  	_ =	swait.ge [sflag:s17], $0x2800  }
0x1d: {  	[sflag:s17] =	ssyncset.done $0x0  }
0x1e: {  	[sflag:s17] =	ssyncadd.s32 $0xFFFFD800  }
0x1f: {  	[tilespmem:s18], [sflag:$0x3] =	stream.linear.gather [hbm4b:s9+s4], $0x80, $0x38;
	[tilespmem:$0x1EA00] =	vst v63  }
0x20: {  	s13 =	rddreg [dreg:$0x7]  }
0x21: {  	[tilespmem:s19], [sflag:$0x4] =	stream.linear.gather [hbm4b:s13+s4], $0x80, $0x38;
	[tilespmem:$0x1EA00] =	vst v63  }
0x22: {  	s14 =	rddreg [dreg:$0x8]  }
0x23: {  	[tilespmem:s20], [sflag:$0x5] =	stream.linear.gather [hbm4b:s14+s4], $0x80, $0x38;
	[tilespmem:$0x1EA00] =	vst v63  }
0x24: {  	s24 =	rddreg [dreg:$0x9]  }
0x25: {  	[tilespmem:s21], [sflag:$0x6] =	stream.linear.gather [hbm4b:s24+s4], $0x80, $0x38;
	[tilespmem:$0x1EA00] =	vst v63  }
0x26: {  	_ = 	snop  }
0x27: {  	[tilespmem:s23], [sflag:$0x1] =	stream.indirect.gather [hbm4b:s5+s22], $0x80, s4, s22, $0xb8;
	[tilespmem:$0x1EA00] =	vst v63  }
0x28: {  	s10 =	simm.s32 $0x80  }
0x29: {  	[tilespmem:s25], [sflag:$0x2] =	stream.indirect.gather [hbm4b:s5+s22], $0x80, s10, s22, $0xb8;
	[tilespmem:$0x1EA00] =	vst v63  }
0x2a: {  	[bflag:$0x0] =	sbarrier.arrive $0xFFFF  }
0x2b: {  	_ =	swait.ge [sflag:s26], $0x3E80  }
0x2c: {  	[sflag:s26] =	ssyncset.done $0x0  }
0x2d: {  	[sflag:s26] =	ssyncadd.s32 $0xFFFFC180  }
0x2e: {  	s11 =	smin.u32 s4, $0x4B;
	_ =	swait.ge [sflag:s28], $0x80  }
0x2f: {  	s7 =	sshll.u32 s11, $0x7;
	[sflag:s28] =	ssyncset.done $0x0  }
0x30: {  	s10 =	sadd.s32 $0x200, s7;
	[sflag:s28] =	ssyncadd.s32 $0xFFFFFF80  }
0x31: {  	[spmem:s2] =	stream.indirect.scatter.add.f32 [tilespmem:s23], [sflag:$0x7], $0x80, s18, s22, $0xb8;
	[tilespmem:$0x1EA00] =	vst v63  }
0x32: {  	s7 =	sadd.s32 s3, s10;
	_ =	swait.ge [sflag:s17], $0x3E80  }
0x33: {  	s7 =	sshrl.u32 s7, $0x3;
	[sflag:s17] =	ssyncset.done $0x0  }
0x34: {  	s7 =	sadd.s32 s6, s7;
	[sflag:s17] =	ssyncadd.s32 $0xFFFFC180  }
0x35: {  	[tilespmem:s18], [sflag:$0x3] =	stream.linear.gather [hbm4b:s7+s4], $0x80, $0x38;
	[tilespmem:$0x1EA00] =	vst v63  }
0x36: {  	s12 =	simm.s32 $0x100  }
0x37: {  	[tilespmem:s23], [sflag:$0x1] =	stream.indirect.gather [hbm4b:s5+s22], $0x80, s12, s22, $0xb8;
	[tilespmem:$0x1EA00] =	vst v63  }
0x38: {  	_ =	swait.ge [sflag:s29], $0x3E80  }
0x39: {  	[sflag:s29] =	ssyncset.done $0x0  }
0x3a: {  	[sflag:s29] =	ssyncadd.s32 $0xFFFFC180  }
0x3b: {  	s13 =	smin.u32 s4, $0x4A;
	_ =	swait.ge [sflag:s30], $0x80  }
0x3c: {  	s7 =	sshll.u32 s13, $0x7;
	[sflag:s30] =	ssyncset.done $0x0  }
0x3d: {  	s7 =	sadd.s32 $0x280, s7;
	[sflag:s30] =	ssyncadd.s32 $0xFFFFFF80  }
0x3e: {  	[spmem:s2] =	stream.indirect.scatter.add.f32 [tilespmem:s25], [sflag:$0x7], $0x80, s19, s22, $0xb8;
	[tilespmem:$0x1EA00] =	vst v63  }
0x3f: {  	s11 =	sadd.s32 s3, s7;
	_ =	swait.ge [sflag:s17], $0x3E80  }
0x40: {  	s11 =	sshrl.u32 s11, $0x3;
	[sflag:s17] =	ssyncset.done $0x0  }
0x41: {  	s11 =	sadd.s32 s6, s11;
	[sflag:s17] =	ssyncadd.s32 $0xFFFFC180  }
0x42: {  	[tilespmem:s19], [sflag:$0x4] =	stream.linear.gather [hbm4b:s11+s4], $0x80, $0x38;
	[tilespmem:$0x1EA00] =	vst v63  }
0x43: {  	s24 =	simm.s32 $0x180  }
0x44: {  	[tilespmem:s25], [sflag:$0x2] =	stream.indirect.gather [hbm4b:s5+s22], $0x80, s24, s22, $0xb8;
	[tilespmem:$0x1EA00] =	vst v63  }
0x45: {  	_ =	swait.ge [sflag:s26], $0x3E80  }
0x46: {  	[sflag:s26] =	ssyncset.done $0x0  }
0x47: {  	[sflag:s26] =	ssyncadd.s32 $0xFFFFC180  }
0x48: {  	_ =	swait.ge [sflag:s31], $0x80  }
0x49: {  	[sflag:s31] =	ssyncset.done $0x0  }
0x4a: {  	[sflag:s31] =	ssyncadd.s32 $0xFFFFFF80  }
0x4b: {  	[spmem:s2] =	stream.indirect.scatter.add.f32 [tilespmem:s23], [sflag:$0x7], $0x80, s20, s22, $0xb8;
	[tilespmem:$0x1EA00] =	vst v63  }
0x4c: {  	s12 =	smin.u32 s4, $0x49;
	_ =	swait.ge [sflag:s17], $0x3E80  }
0x4d: {  	s12 =	sshll.u32 s12, $0x7;
	s14 =	rddreg [dreg:$0x3]  }
0x4e: {  	s11 =	sadd.s32 s12, s14  }
0x4f: {  	[sflag:s17] =	ssyncset.done $0x0;
	s11 =	sshrl.u32 s11, $0x3  }
0x50: {  	[sflag:s17] =	ssyncadd.s32 $0xFFFFC180;
	s11 =	sadd.s32 s6, s11  }
0x51: {  	[tilespmem:s20], [sflag:$0x5] =	stream.linear.gather [hbm4b:s11+s4], $0x80, $0x38;
	[tilespmem:$0x1EA00] =	vst v63  }
0x52: {  	_ = 	snop  }
0x53: {  	[tilespmem:s23], [sflag:$0x1] =	stream.indirect.gather [hbm4b:s5+s22], $0x80, s10, s22, $0xb8;
	[tilespmem:$0x1EA00] =	vst v63  }
0x54: {  	_ =	swait.ge [sflag:s29], $0x3E80  }
0x55: {  	[sflag:s29] =	ssyncset.done $0x0  }
0x56: {  	[sflag:s29] =	ssyncadd.s32 $0xFFFFC180  }
0x57: {  	_ =	swait.ge [sflag:s1], $0x80  }
0x58: {  	[sflag:s1] =	ssyncset.done $0x0  }
0x59: {  	[sflag:s1] =	ssyncadd.s32 $0xFFFFFF80  }
0x5a: {  	[spmem:s2] =	stream.indirect.scatter.add.f32 [tilespmem:s25], [sflag:$0x7], $0x80, s21, s22, $0xb8;
	[tilespmem:$0x1EA00] =	vst v63  }
0x5b: {  	s14 =	smin.u32 s4, $0x48;
	_ =	swait.ge [sflag:s17], $0x3E80  }
0x5c: {  	s11 =	sshll.u32 s14, $0x7;
	s13 =	rddreg [dreg:$0x4]  }
0x5d: {  	s10 =	sadd.s32 s11, s13  }
0x5e: {  	[sflag:s17] =	ssyncset.done $0x0;
	s10 =	sshrl.u32 s10, $0x3  }
0x5f: {  	[sflag:s17] =	ssyncadd.s32 $0xFFFFC180;
	s10 =	sadd.s32 s6, s10  }
0x60: {  	[tilespmem:s21], [sflag:$0x6] =	stream.linear.gather [hbm4b:s10+s4], $0x80, $0x38;
	[tilespmem:$0x1EA00] =	vst v63  }
0x61: {  	s10 =	simm.s32 $0x4  }
.LBB2_2:
0x62: {  	[tilespmem:s25], [sflag:$0x2] =	stream.indirect.gather [hbm4b:s5+s22], $0x80, s7, s22, $0xb8;
	[tilespmem:$0x1EA00] =	vst v63  }
0x63: {  	_ =	swait.ge [sflag:s26], $0x3E80  }
0x64: {  	[sflag:s26] =	ssyncset.done $0x0  }
0x65: {  	s11 =	smov.u32 s10;
	[sflag:s26] =	ssyncadd.s32 $0xFFFFC180  }
0x66: {  	s12 =	smin.u32 s11, $0x4B;
	_ =	swait.ge [sflag:s28], $0x80  }
0x67: {  	s7 =	sshll.u32 s12, $0x7;
	[sflag:s28] =	ssyncset.done $0x0  }
0x68: {  	s12 =	sadd.s32 $0x200, s7;
	[sflag:s28] =	ssyncadd.s32 $0xFFFFFF80  }
0x69: {  	[spmem:s2] =	stream.indirect.scatter.add.f32 [tilespmem:s23], [sflag:$0x7], $0x80, s18, s22, $0xb8;
	[tilespmem:$0x1EA00] =	vst v63  }
0x6a: {  	s7 =	sadd.s32 s3, s12;
	_ =	swait.ge [sflag:s17], $0x3E80  }
0x6b: {  	s7 =	sshrl.u32 s7, $0x3;
	[sflag:s17] =	ssyncset.done $0x0  }
0x6c: {  	s24 =	sadd.s32 $0x200, s24;
	s7 =	sadd.s32 s6, s7;
	[sflag:s17] =	ssyncadd.s32 $0xFFFFC180  }
0x6d: {  	[tilespmem:s18], [sflag:$0x3] =	stream.linear.gather [hbm4b:s7+s4], $0x80, $0x38;
	[tilespmem:$0x1EA00] =	vst v63  }
0x6e: {  	s13 =	sadd.s32 $0xFFFFFF80, s24  }
0x6f: {  	[tilespmem:s23], [sflag:$0x1] =	stream.indirect.gather [hbm4b:s5+s22], $0x80, s13, s22, $0xb8;
	[tilespmem:$0x1EA00] =	vst v63  }
0x70: {  	_ =	swait.ge [sflag:s29], $0x3E80  }
0x71: {  	[sflag:s29] =	ssyncset.done $0x0  }
0x72: {  	[sflag:s29] =	ssyncadd.s32 $0xFFFFC180  }
0x73: {  	s13 =	smin.u32 s11, $0x4A;
	_ =	swait.ge [sflag:s30], $0x80  }
0x74: {  	s7 =	sshll.u32 s13, $0x7;
	[sflag:s30] =	ssyncset.done $0x0  }
0x75: {  	s7 =	sadd.s32 $0x280, s7;
	[sflag:s30] =	ssyncadd.s32 $0xFFFFFF80  }
0x76: {  	[spmem:s2] =	stream.indirect.scatter.add.f32 [tilespmem:s25], [sflag:$0x7], $0x80, s19, s22, $0xb8;
	[tilespmem:$0x1EA00] =	vst v63  }
0x77: {  	s14 =	sadd.s32 s3, s7;
	_ =	swait.ge [sflag:s17], $0x3E80  }
0x78: {  	s13 =	sshrl.u32 s14, $0x3;
	[sflag:s17] =	ssyncset.done $0x0  }
0x79: {  	s13 =	sadd.s32 s6, s13;
	[sflag:s17] =	ssyncadd.s32 $0xFFFFC180  }
0x7a: {  	[tilespmem:s19], [sflag:$0x4] =	stream.linear.gather [hbm4b:s13+s4], $0x80, $0x38;
	[tilespmem:$0x1EA00] =	vst v63  }
0x7b: {  	_ = 	snop  }
0x7c: {  	[tilespmem:s25], [sflag:$0x2] =	stream.indirect.gather [hbm4b:s5+s22], $0x80, s24, s22, $0xb8;
	[tilespmem:$0x1EA00] =	vst v63  }
0x7d: {  	_ =	swait.ge [sflag:s26], $0x3E80  }
0x7e: {  	[sflag:s26] =	ssyncset.done $0x0  }
0x7f: {  	[sflag:s26] =	ssyncadd.s32 $0xFFFFC180  }
0x80: {  	_ =	swait.ge [sflag:s31], $0x80  }
0x81: {  	[sflag:s31] =	ssyncset.done $0x0  }
0x82: {  	[sflag:s31] =	ssyncadd.s32 $0xFFFFFF80  }
0x83: {  	[spmem:s2] =	stream.indirect.scatter.add.f32 [tilespmem:s23], [sflag:$0x7], $0x80, s20, s22, $0xb8;
	[tilespmem:$0x1EA00] =	vst v63  }
0x84: {  	s14 =	smin.u32 s11, $0x49;
	_ =	swait.ge [sflag:s17], $0x3E80  }
0x85: {  	s14 =	sshll.u32 s14, $0x7;
	s13 =	rddreg [dreg:$0x3]  }
0x86: {  	s13 =	sadd.s32 s14, s13  }
0x87: {  	[sflag:s17] =	ssyncset.done $0x0;
	s13 =	sshrl.u32 s13, $0x3  }
0x88: {  	[sflag:s17] =	ssyncadd.s32 $0xFFFFC180;
	s13 =	sadd.s32 s6, s13  }
0x89: {  	[tilespmem:s20], [sflag:$0x5] =	stream.linear.gather [hbm4b:s13+s4], $0x80, $0x38;
	[tilespmem:$0x1EA00] =	vst v63  }
0x8a: {  	_ = 	snop  }
0x8b: {  	[tilespmem:s23], [sflag:$0x1] =	stream.indirect.gather [hbm4b:s5+s22], $0x80, s12, s22, $0xb8;
	[tilespmem:$0x1EA00] =	vst v63  }
0x8c: {  	_ =	swait.ge [sflag:s29], $0x3E80  }
0x8d: {  	[sflag:s29] =	ssyncset.done $0x0  }
0x8e: {  	[sflag:s29] =	ssyncadd.s32 $0xFFFFC180  }
0x8f: {  	_ =	swait.ge [sflag:s1], $0x80  }
0x90: {  	[sflag:s1] =	ssyncset.done $0x0  }
0x91: {  	[sflag:s1] =	ssyncadd.s32 $0xFFFFFF80  }
0x92: {  	[spmem:s2] =	stream.indirect.scatter.add.f32 [tilespmem:s25], [sflag:$0x7], $0x80, s21, s22, $0xb8;
	[tilespmem:$0x1EA00] =	vst v63  }
0x93: {  	p0 =	sne.s32 s10, $0x4C;
	s11 =	smin.u32 s11, $0x48;
	_ =	swait.ge [sflag:s17], $0x3E80  }
.Ltmp0:
0x94: {  	s11 =	sshll.u32 s11, $0x7;
	s14 =	rddreg [dreg:$0x4];
	(pc) =	sbr.rel @p0 .LBB2_2-.Ltmp0, $4  }
0x95: {  	s11 =	sadd.s32 s11, s14  }
0x96: {  	[sflag:s17] =	ssyncset.done $0x0;
	s11 =	sshrl.u32 s11, $0x3  }
0x97: {  	s10 =	sadd.s32 $0x4, s10;
	[sflag:s17] =	ssyncadd.s32 $0xFFFFC180;
	s11 =	sadd.s32 s6, s11  }
0x98: {  	[tilespmem:s21], [sflag:$0x6] =	stream.linear.gather [hbm4b:s11+s4], $0x80, $0x38;
	[tilespmem:$0x1EA00] =	vst v63  }
0x99: {  	[tilespmem:s25], [sflag:$0x2] =	stream.indirect.gather [hbm4b:s5+s22], $0x80, s7, s22, $0xb8;
	[tilespmem:$0x1EA00] =	vst v63  }
0x9a: {  	_ =	swait.ge [sflag:s26], $0x3E80  }
0x9b: {  	[sflag:s26] =	ssyncset.done $0x0  }
0x9c: {  	[sflag:s26] =	ssyncadd.s32 $0xFFFFC180  }
0x9d: {  	_ =	swait.ge [sflag:s29], $0x3E80  }
0x9e: {  	[sflag:s29] =	ssyncset.done $0x0  }
0x9f: {  	[sflag:s29] =	ssyncadd.s32 $0xFFFFC180  }
0xa0: {  	_ =	swait.ge [sflag:s28], $0x80  }
0xa1: {  	[sflag:s28] =	ssyncset.done $0x0  }
0xa2: {  	[sflag:s28] =	ssyncadd.s32 $0xFFFFFF80  }
0xa3: {  	_ =	swait.ge [sflag:s30], $0x80  }
0xa4: {  	[sflag:s30] =	ssyncset.done $0x0  }
0xa5: {  	[sflag:s30] =	ssyncadd.s32 $0xFFFFFF80  }
0xa6: {  	_ =	swait.ge [sflag:s31], $0x80  }
0xa7: {  	[sflag:s31] =	ssyncset.done $0x0  }
0xa8: {  	[sflag:s31] =	ssyncadd.s32 $0xFFFFFF80  }
0xa9: {  	_ =	swait.ge [sflag:s1], $0x80  }
0xaa: {  	[sflag:s1] =	ssyncset.done $0x0  }
0xab: {  	s0 =	sadd.s32 $0x1, s0;
	[sflag:s1] =	ssyncadd.s32 $0xFFFFFF80  }
0xac: {  	p0 =	sne.s32 s0, s15;
	[bflag:$0x0] =	sbarrier.arrive $0xFFFF  }
.Ltmp1:
0xad: {  	s24 =	rddreg [dreg:$0xa];
	(pc) =	sbr.rel @p0 .LBB2_1-.Ltmp1, $4  }
0xae: {  	[hbm:s24], [sflag:s8] =	dma.local [spmem:s16], $0x2800  }
0xaf: {  	_ =	swait.ge [sflag:s17], $0x2800  }
0xb0: {  	[sflag:s17] =	ssyncset.done $0x0  }
0xb1: {  	[sflag:s17] =	ssyncadd.s32 $0xFFFFD800  }
0xb2: {  	_ =	sfence.sel $0x180000  }
0xb3: {  	[bflag:$0x0] =	sbarrier.arrive $0xFFFF  }
0xb4: {  	_ =	strace $0x9000004D  }
0xb5: {  	s0 =	stileid.u32;
	[bflag:$0x2] =	sbarrier.arrive $0xFFFF  }
0xb6: {  	p0 =	sne.s32 s0, $0x0;
	s0 =	rddreg [dreg:$0x2]  }
0xb7: {  	s0 =	sadd.s32 @!p0 $0x100000, s0  }
0xb8: {  	[sflag:s0] =	ssyncadd.tile.s32 @!p0 $0x1;
	_ =	shalt  }
.Lfunc_end2:
_tile_overlayer_lowered:
.L_overlay_start_2:
0xb9: {  	(tag) =	ssettag $0x2  }
0xba: {  	s0 =	rddreg [dreg:$0x0];
	s2 =	stileid.u32  }
0xbb: {  	s1 =	rddreg [dreg:$0x1];
	p0 =	sne.s32 s2, $0x0  }
0xbc: {  	s3 =	rddreg [dreg:$0x2];
	[bflag:$0x3] =	sbarrier.arrive $0xFFFF;
	s2 =	simm.s32 @!p0 $0x1C07  }
0xbd: {  	[timem:s3], [sflag:s2] =	dma.local @!p0 [hbm:s0], s1  }
0xbe: {  	s0 =	simm.s32 @!p0 $0x7  }
0xbf: {  	_ =	swait.ge @!p0 [sflag:s0], s1  }
0xc0: {  	s1 =	ssub.s32 @!p0 $0x0, s1;
	[sflag:s0] =	ssyncset.done @!p0 $0x0  }
0xc1: {  	[sflag:s0] =	ssyncadd.s32 @!p0 s1  }
0xc2: {  	[bflag:$0x3] =	sbarrier.arrive $0xFFFF  }
0xc3: {  	_ =	shalt  }

// kernel: kernel.8.cloned.1.call-start
scs
__scs_entry_jumppad:
0x0: {  	(pc) =	sbr.rel $0x88, $3  }
0x1: {  	(tag) =	ssettag $0x0;
	lr =	simm.s32 $0x1  }
0x2: {  	[smem:$0x3F93] =	sst lr;
	_ =	strace $0xD0000000  }
0x3: {  	_ = 	snop  }
0x4: {  	_ = 	snop  }
0x5: {  	_ = 	snop  }
0x6: {  	_ = 	snop  }
0x7: {  	_ = 	snop  }
__scs_overlays_trampoline_lowered:
0x8: {  	[smem:$0x3FA2] =	sst s0  }
0x9: {  	[smem:$0x3FA3] =	sst s1  }
0xa: {  	[smem:$0x3FA4] =	sst s2  }
0xb: {  	[smem:$0x3FA5] =	sst s3  }
0xc: {  	[smem:$0x3FA6] =	sst s4  }
0xd: {  	[smem:$0x3FA7] =	sst s5  }
0xe: {  	[smem:$0x3FA8] =	sst s6  }
0xf: {  	[smem:$0x3FA9] =	sst s7  }
0x10: {  	[smem:$0x3FAA] =	sst s8  }
0x11: {  	[smem:$0x3FAB] =	sst s9;
	s0 =	simm.s32 @!p0 $0x0  }
0x12: {  	s1 =	sld [smem:$0x3F91];
	s0 =	simm.s32 @p0 $0x1  }
0x13: {  	[smem:$0x3FAC] =	sst s0;
	s0 =	simm.s32 @!p1 $0x0  }
0x14: {  	s2 =	sld [smem:$0x3F90];
	s0 =	simm.s32 @p1 $0x1  }
0x15: {  	[smem:$0x3FAD] =	sst s0;
	s0 =	simm.s32 @!p2 $0x0  }
0x16: {  	s3 =	sld [smem:$0x3FDB];
	s0 =	simm.s32 @p2 $0x1  }
0x17: {  	s4 =	simm.s32 $0x1BF5;
	[smem:$0x3FAF] =	sst s0  }
0x18: {  	s0 =	sld [smem:$0x3F92];
	_ =	swait.ge [sflag:s4], $0x0  }
0x19: {  	s7 =	sld [smem:$0x3F93]  }
0x1a: {  	s8 =	sadd.s32 $0xFFFFE003, lr  }
0x1b: {  	s9 =	sadd.s32 $0xFFFFFEF7, lr;
	s5 =	simm.s32 $0xFFFFFFFF;
	p2 =	slt.u32 s8, $0xFFFFF086  }
0x1c: {  	p1 =	slt.u32 s9, $0xF7A;
	s5 =	simm.s32 @!p2 $0x0  }
0x1d: {  	s5 =	simm.s32 @p1 $0x1;
	p0 =	seq.s32 s7, s2  }
0x1e: {  	s7 =	smul.u32 @!p0 $0xF7A, s2;
	p2 =	seq.s32 @!p0 s5, $0x0  }
0x1f: {  	s9 =	smul.u32 $0xF7A, s1;
	s8 =	simm.s32 @!p0 $0x1BF5;
	p2 =	por !p2, p0  }
0x20: {  	[sflag:s8] =	ssyncset.s32 @!p0 $0xFFFFF086;
	s6 =	sadd.s32 @!p0 s3, s7;
	s7 =	simm.s32 @!p0 $0x108  }
0x21: {  	s3 =	sadd.s32 s3, s9;
	s6 =	sadd.s32 @!p0 $0x88, s6;
	s7 =	simm.s32 @p2 $0x1082  }
0x22: {  	[simem:s7], [sflag:s8] =	dma.local @!p0 [hbm:s6], $0xF7A  }
0x23: {  	s9 =	sor.u32 $0xD0000000, s2;
	s6 =	simm.s32 $0x108;
	_ =	swait.ge @!p0 [sflag:s8], $0x0  }
0x24: {  	s3 =	sadd.s32 $0x88, s3;
	s6 =	simm.s32 @!p1 $0x1082;
	[sflag:s4] =	ssyncset.s32 $0xFFFFF086  }
0x25: {  	[simem:s6], [sflag:s4] =	dma.local [hbm:s3], $0xF7A  }
0x26: {  	[smem:$0x3F93] =	sst s1;
	(tag) =	ssettag s2;
	_ =	strace s9  }
0x27: {  	s1 =	sld [smem:$0x3FA3]  }
0x28: {  	s2 =	sld [smem:$0x3FA4]  }
0x29: {  	s4 =	sld [smem:$0x3FA6]  }
0x2a: {  	p0 =	seq.s32 s5, $0x0;
	s5 =	sld [smem:$0x3FA7]  }
0x2b: {  	s6 =	sld [smem:$0x3FA8]  }
0x2c: {  	s7 =	sld [smem:$0x3FA9]  }
0x2d: {  	s3 =	simm.s32 $0x108;
	s8 =	sld [smem:$0x3FAA]  }
0x2e: {  	s3 =	simm.s32 @!p0 $0x1082;
	s9 =	sld [smem:$0x3FAB]  }
0x2f: {  	lr =	sadd.s32 s0, s3;
	s0 =	sld [smem:$0x3FA2]  }
0x30: {  	s3 =	sld [smem:$0x3FA5]  }
0x31: {  	[smem:$0x3FAE] =	sst s10  }
0x32: {  	s10 =	sld [smem:$0x3FAC];
	_ =	sdelay $0x3  }
0x33: {  	p0 =	seq.s32 s10, $0x1;
	s10 =	sld [smem:$0x3FAE];
	_ =	sdelay $0x3  }
0x34: {  	[smem:$0x3FAE] =	sst s10  }
0x35: {  	s10 =	sld [smem:$0x3FAD];
	_ =	sdelay $0x3  }
0x36: {  	p1 =	seq.s32 s10, $0x1;
	s10 =	sld [smem:$0x3FAE];
	_ =	sdelay $0x3  }
0x37: {  	[smem:$0x3FAE] =	sst s10  }
0x38: {  	s10 =	sld [smem:$0x3FAF]  }
0x39: {  	_ = 	snop;
	(pc) =	sbr.ind lr, $3  }
0x3a: {  	_ = 	snop  }
0x3b: {  	_ = 	snop  }
0x3c: {  	p2 =	seq.s32 s10, $0x1;
	s10 =	sld [smem:$0x3FAE]  }
0x3d: {  	_ =	shalt  }
0x3e: {  	_ =	shalt  }
0x3f: {  	_ =	shalt  }
0x40: {  	_ =	shalt  }
0x41: {  	_ =	shalt  }
0x42: {  	_ =	shalt  }
0x43: {  	_ =	shalt  }
0x44: {  	_ =	shalt  }
0x45: {  	_ =	shalt  }
0x46: {  	_ =	shalt  }
0x47: {  	_ =	shalt  }
0x48: {  	_ =	shalt  }
0x49: {  	_ =	shalt  }
0x4a: {  	_ =	shalt  }
0x4b: {  	_ =	shalt  }
0x4c: {  	_ =	shalt  }
0x4d: {  	_ =	shalt  }
0x4e: {  	_ =	shalt  }
0x4f: {  	_ =	shalt  }
0x50: {  	_ =	shalt  }
0x51: {  	_ =	shalt  }
0x52: {  	_ =	shalt  }
0x53: {  	_ =	shalt  }
0x54: {  	_ =	shalt  }
0x55: {  	_ =	shalt  }
0x56: {  	_ =	shalt  }
0x57: {  	_ =	shalt  }
0x58: {  	_ =	shalt  }
0x59: {  	_ =	shalt  }
0x5a: {  	_ =	shalt  }
0x5b: {  	_ =	shalt  }
0x5c: {  	_ =	shalt  }
0x5d: {  	_ =	shalt  }
0x5e: {  	_ =	shalt  }
0x5f: {  	_ =	shalt  }
0x60: {  	_ =	shalt  }
0x61: {  	_ =	shalt  }
0x62: {  	_ =	shalt  }
0x63: {  	_ =	shalt  }
0x64: {  	_ =	shalt  }
0x65: {  	_ =	shalt  }
0x66: {  	_ =	shalt  }
0x67: {  	_ =	shalt  }
0x68: {  	_ =	shalt  }
0x69: {  	_ =	shalt  }
0x6a: {  	_ =	shalt  }
0x6b: {  	_ =	shalt  }
0x6c: {  	_ =	shalt  }
0x6d: {  	_ =	shalt  }
0x6e: {  	_ =	shalt  }
0x6f: {  	_ =	shalt  }
0x70: {  	_ =	shalt  }
0x71: {  	_ =	shalt  }
0x72: {  	_ =	shalt  }
0x73: {  	_ =	shalt  }
0x74: {  	_ =	shalt  }
0x75: {  	_ =	shalt  }
0x76: {  	_ =	shalt  }
0x77: {  	_ =	shalt  }
0x78: {  	_ =	shalt  }
0x79: {  	_ =	shalt  }
0x7a: {  	_ =	shalt  }
0x7b: {  	_ =	shalt  }
0x7c: {  	_ =	shalt  }
0x7d: {  	_ =	shalt  }
0x7e: {  	_ =	shalt  }
0x7f: {  	_ =	shalt  }
0x80: {  	_ =	shalt  }
0x81: {  	_ =	shalt  }
0x82: {  	_ =	shalt  }
0x83: {  	_ =	shalt  }
0x84: {  	_ =	shalt  }
0x85: {  	_ =	shalt  }
0x86: {  	_ =	shalt  }
0x87: {  	_ =	shalt  }
.Lfunc_end0:
.L_simem_size_0:
called_computation_lowered:
.L_overlay_start_0:
0x88: {  	s2 =	sld [smem:$0x3FD9]  }
0x89: {  	s3 =	sld [smem:$0x3FFE];
	_ =	sdelay $0x1  }
0x8a: {  	s1 =	srdreg.scid  }
0x8b: {  	s0 =	sand.u32 $0x1, s1  }
0x8c: {  	s16 =	sshll.u32 s0, $0xA;
	s2 =	sadd.s32 s3, s2  }
0x8d: {  	s2 =	sadd.s32 s2, s16  }
0x8e: {  	[smem:$0x3FBA] =	sst s2  }
0x8f: {  	_ = 	snop  }
0x90: {  	(tm) =	ssettm $0x1  }
0x91: {  	s17 =	sld [smem:$0x3FFB];
	_ =	sdelay $0x3  }
0x92: {  	_ =	strace s17  }
0x93: {  	s2 =	sld [smem:$0x3FFC];
	_ =	sdelay $0x3  }
0x94: {  	_ =	strace s2  }
0x95: {  	s2 =	sld [smem:$0x3FFD];
	_ =	sdelay $0x3  }
0x96: {  	_ =	strace s2  }
0x97: {  	_ =	strace $0x8FFFFFFF  }
0x98: {  	s18 =	sld [smem:$0x3FDB];
	_ =	sdelay $0x1  }
0x99: {  	s19 =	simm.s32 $_scs_section_size  }
0x9a: {  	s4 =	simm.s32 $_size__tile_overlayer_lowered;
	s5 =	simm.s32 $_tile_overlayer_lowered  }
0x9b: {  	s22 =	simm.s32 $0x1BFF;
	s21 =	sshll.u32 s5, $0x1;
	s2 =	sadd.s32 s19, s18  }
0x9c: {  	s6 =	simm.s32 $0x0;
	s20 =	sshll.u32 s4, $0x1;
	s4 =	sadd.s32 s21, s2  }
0x9d: {  	[timem:s6], [sflag:s22] =	dma.local [hbm:s4], s20  }
0x9e: {  	_ =	swait.ge [sflag:s22], s20  }
0x9f: {  	s3 =	ssub.s32 $0x0, s20;
	[sflag:s22] =	ssyncset.done $0x0  }
0xa0: {  	[sflag:s22] =	ssyncadd.s32 s3;
	_ =	sdelay $0x1  }
0xa1: {  	s23 =	simm.s32 $0x1B8B  }
0xa2: {  	_ =	swait.ge [sflag:s23], $0x1  }
0xa3: {  	[sflag:s23] =	ssyncset.done $0x0  }
0xa4: {  	s25 =	simm.s32 $0x1B8E;
	s24 =	sld [smem:$0x3FFE];
	[sflag:s23] =	ssyncadd.s32 $0xFFFFFFFF  }
0xa5: {  	s26 =	simm.s32 $execute0_lowered;
	[smem:$0x3FD2] =	sst s25  }
0xa6: {  	s4 =	sshll.u32 s26, $0x1;
	_ =	strace $0x80000046;
	[dreg:$0x1] =	wrdreg $0xFFFFFFFF  }
0xa7: {  	s28 =	simm.s32 $_size_execute0_lowered;
	s2 =	sadd.s32 s2, s4;
	[dreg:$0x0] =	wrdreg $0x0  }
0xa8: {  	s4 =	sshll.u32 s28, $0x1;
	[dreg:$0x2] =	wrdreg s2  }
0xa9: {  	[dreg:$0x3] =	wrdreg s4  }
0xaa: {  	[dreg:$0x4] =	wrdreg $0xC0  }
0xab: {  	_ =	task [dreg:s6], $0x5FFFF  }
0xac: {  	[dreg:$0x1] =	wrdreg $0xFFFFFFFF  }
0xad: {  	[dreg:$0x0] =	wrdreg $0x60  }
0xae: {  	[dreg:$0x2] =	wrdreg s24  }
0xaf: {  	[dreg:$0x3] =	wrdreg $0xAA000  }
0xb0: {  	[dreg:$0x4] =	wrdreg $0x9  }
0xb1: {  	_ =	task.clear_ibuf [dreg:s6], $0x5FFFF;
	_ =	strace $0x90000046  }
0xb2: {  	s29 =	simm.s32 $0x9;
	_ =	strace $0x80000048  }
0xb3: {  	_ =	swait.ge [sflag:s29], $0x1  }
0xb4: {  	[sflag:s29] =	ssyncadd.s32 $0xFFFFFFFF  }
0xb5: {  	_ =	strace $0x90000048  }
0xb6: {  	_ =	sfence  }
0xb7: {  	s30 =	sld [smem:$0x0];
	_ =	sdelay $0x2  }
0xb8: {  	s31 =	sshll.u32 s1, $0xD;
	s1 =	sshrl.u32 s1, $0x2  }
0xb9: {  	s3 =	sand.u32 $0x4000, s31;
	s1 =	sadd.s32 s1, s30  }
0xba: {  	s0 =	sor.u32 s3, s0;
	s1 =	sshll.u32 s1, $0x11  }
0xbb: {  	s0 =	sor.u32 s1, s0  }
0xbc: {  	s0 =	sadd.s32 $0x8F2B, s0  }
0xbd: {  	[sflag:s0] =	ssyncadd.remote.s32 $0x1  }
0xbe: {  	_ =	sfence.sel $0xFFFF  }
0xbf: {  	[dreg:$0x0] =	wrdreg $0xFFFFFFFF;
	(pc) =	sbr.abs _section_cstart, $3  }
0xc0: {  	[dreg:$0x1] =	wrdreg $0xFFFFFFFF  }
0xc1: {  	_ =	task.clear_ibuf [dreg:s6], $0x2FFFF;
	_ =	strace $0x9FFFFFFF  }
0xc2: {  	(tm) =	ssettm $0x7FFFFFFF  }
0xc3: {  	_ =	shalt  }
tec
execute0_lowered:
.L_overlay_start_1:
0x0: {  	(tag) =	ssettag $0x1  }
0x1: {  	s0 =	srdreg.scid;
	s7 =	rddreg [dreg:$0x0]  }
0x2: {  	s11 =	stileid.u32;
	s2 =	rddreg [dreg:$0x1];
	s4 =	simm.s32 $0x0  }
0x3: {  	s28 =	simm.s32 $0x3;
	s29 =	simm.s32 $0x2;
	s30 =	simm.s32 $0x4  }
0x4: {  	s31 =	simm.s32 $0x5;
	s0 =	sand.u32 $0x1, s0;
	[smem:$0x7FF] =	sst s4  }
0x5: {  	s8 =	smul.u32 $0x14000, s11;
	s5 =	sadd.s32 $0x16A00, s7;
	s6 =	sadd.s32 $0xCA00, s7  }
0x6: {  	s18 =	smul.u32 $0x50000, s11;
	s12 =	sadd.s32 $0x3EA00, s7;
	s21 =	sshll.u32 s11, $0x6  }
0x7: {  	s1 =	sshll.u32 s0, $0x4;
	s17 =	smul.u32 $0x140000, s0;
	_ =	strace $0x80000047  }
0x8: {  	s0 =	ssub.s32 $0x2, s0;
	[dreg:$0x5] =	wrdreg s12;
	s1 =	sor.u32 s11, s1  }
0x9: {  	s19 =	sshrl.u32 s0, $0x1;
	s20 =	sshrl.u32 s18, $0x2;
	s18 =	simm.s32 $0x2800  }
0xa: {  	s3 =	smul.u32 $0x2800, s1;
	s1 =	sadd.s32 s8, s17;
	s0 =	ssub.s32 s0, s19  }
0xb: {  	s8 =	sor.u32 $0x1C07, s21;
	s17 =	simm.s32 $0x7;
	s19 =	simm.s32 $0x2880  }
0xc: {  	s21 =	simm.s32 $0x2980;
	s1 =	sshrl.u32 s1, $0x3;
	s15 =	smax.u32 s0, $0x1  }
0xd: {  	s0 =	simm.s32 $0x0;
	s9 =	sshrl.u32 s3, $0x3;
	s1 =	sadd.s32 s1, s7  }
0xe: {  	s23 =	sor.u32 $0x300, s3;
	s25 =	sor.u32 $0x380, s3;
	s10 =	sadd.s32 s9, s7  }
0xf: {  	s7 =	sadd.s32 s20, s2;
	s9 =	sadd.s32 s6, s9;
	[dreg:$0x3] =	wrdreg s23  }
0x10: {  	[dreg:$0x4] =	wrdreg s25;
	s1 =	sadd.s32 $0x41200, s1;
	s20 =	simm.s32 $0x2900  }
0x11: {  	s23 =	simm.s32 $0x2A00;
	s10 =	sadd.s32 $0x2A00, s10;
	[dreg:$0xa] =	wrdreg s1  }
0x12: {  	s25 =	simm.s32 $0x6A00;
	s22 =	sadd.s32 $0x10, s9;
	[dreg:$0x6] =	wrdreg s10  }
0x13: {  	s24 =	sadd.s32 $0x20, s9;
	s26 =	sadd.s32 $0x30, s9;
	[dreg:$0x7] =	wrdreg s22  }
0x14: {  	s16 =	sshrl.u32 s7, $0x3;
	s1 =	simm.s32 $0x6;
	[dreg:$0x8] =	wrdreg s24  }
0x15: {  	[dreg:$0x9] =	wrdreg s26;
	s22 =	simm.s32 $0x7D;
	s26 =	simm.s32 $0x1  }
.LBB2_1:
0x16: {  	s7 =	rddreg [dreg:$0x5]  }
0x17: {  	[spmem:s16], [sflag:s8] =	dma.local [hbm:s7], $0x2800  }
0x18: {  	_ =	swait.ge [sflag:s17], $0x2800  }
0x19: {  	[sflag:s17] =	ssyncset.done $0x0  }
0x1a: {  	s12 =	rddreg [dreg:$0x6];
	[sflag:s17] =	ssyncadd.s32 $0xFFFFD800  }
0x1b: {  	[tilespmem:s4], [sflag:$0x7] =	stream.linear.gather [hbm4b:s12+s4], $0x2800, $0x38;
	[tilespmem:$0x1EA00] =	vst v63  }
0x1c: {  	_ =	swait.ge [sflag:s17], $0x2800  }
0x1d: {  	[sflag:s17] =	ssyncset.done $0x0  }
0x1e: {  	[sflag:s17] =	ssyncadd.s32 $0xFFFFD800  }
0x1f: {  	[tilespmem:s18], [sflag:$0x3] =	stream.linear.gather [hbm4b:s9+s4], $0x80, $0x38;
	[tilespmem:$0x1EA00] =	vst v63  }
0x20: {  	s13 =	rddreg [dreg:$0x7]  }
0x21: {  	[tilespmem:s19], [sflag:$0x4] =	stream.linear.gather [hbm4b:s13+s4], $0x80, $0x38;
	[tilespmem:$0x1EA00] =	vst v63  }
0x22: {  	s14 =	rddreg [dreg:$0x8]  }
0x23: {  	[tilespmem:s20], [sflag:$0x5] =	stream.linear.gather [hbm4b:s14+s4], $0x80, $0x38;
	[tilespmem:$0x1EA00] =	vst v63  }
0x24: {  	s24 =	rddreg [dreg:$0x9]  }
0x25: {  	[tilespmem:s21], [sflag:$0x6] =	stream.linear.gather [hbm4b:s24+s4], $0x80, $0x38;
	[tilespmem:$0x1EA00] =	vst v63  }
0x26: {  	_ = 	snop  }
0x27: {  	[tilespmem:s23], [sflag:$0x1] =	stream.indirect.gather [hbm4b:s5+s22], $0x80, s4, s22, $0xb8;
	[tilespmem:$0x1EA00] =	vst v63  }
0x28: {  	s10 =	simm.s32 $0x80  }
0x29: {  	[tilespmem:s25], [sflag:$0x2] =	stream.indirect.gather [hbm4b:s5+s22], $0x80, s10, s22, $0xb8;
	[tilespmem:$0x1EA00] =	vst v63  }
0x2a: {  	[bflag:$0x0] =	sbarrier.arrive $0xFFFF  }
0x2b: {  	_ =	swait.ge [sflag:s26], $0x3E80  }
0x2c: {  	[sflag:s26] =	ssyncset.done $0x0  }
0x2d: {  	[sflag:s26] =	ssyncadd.s32 $0xFFFFC180  }
0x2e: {  	s11 =	smin.u32 s4, $0x4B;
	_ =	swait.ge [sflag:s28], $0x80  }
0x2f: {  	s7 =	sshll.u32 s11, $0x7;
	[sflag:s28] =	ssyncset.done $0x0  }
0x30: {  	s10 =	sadd.s32 $0x200, s7;
	[sflag:s28] =	ssyncadd.s32 $0xFFFFFF80  }
0x31: {  	[spmem:s2] =	stream.indirect.scatter.add.f32 [tilespmem:s23], [sflag:$0x7], $0x80, s18, s22, $0xb8;
	[tilespmem:$0x1EA00] =	vst v63  }
0x32: {  	s7 =	sadd.s32 s3, s10;
	_ =	swait.ge [sflag:s17], $0x3E80  }
0x33: {  	s7 =	sshrl.u32 s7, $0x3;
	[sflag:s17] =	ssyncset.done $0x0  }
0x34: {  	s7 =	sadd.s32 s6, s7;
	[sflag:s17] =	ssyncadd.s32 $0xFFFFC180  }
0x35: {  	[tilespmem:s18], [sflag:$0x3] =	stream.linear.gather [hbm4b:s7+s4], $0x80, $0x38;
	[tilespmem:$0x1EA00] =	vst v63  }
0x36: {  	s12 =	simm.s32 $0x100  }
0x37: {  	[tilespmem:s23], [sflag:$0x1] =	stream.indirect.gather [hbm4b:s5+s22], $0x80, s12, s22, $0xb8;
	[tilespmem:$0x1EA00] =	vst v63  }
0x38: {  	_ =	swait.ge [sflag:s29], $0x3E80  }
0x39: {  	[sflag:s29] =	ssyncset.done $0x0  }
0x3a: {  	[sflag:s29] =	ssyncadd.s32 $0xFFFFC180  }
0x3b: {  	s13 =	smin.u32 s4, $0x4A;
	_ =	swait.ge [sflag:s30], $0x80  }
0x3c: {  	s7 =	sshll.u32 s13, $0x7;
	[sflag:s30] =	ssyncset.done $0x0  }
0x3d: {  	s7 =	sadd.s32 $0x280, s7;
	[sflag:s30] =	ssyncadd.s32 $0xFFFFFF80  }
0x3e: {  	[spmem:s2] =	stream.indirect.scatter.add.f32 [tilespmem:s25], [sflag:$0x7], $0x80, s19, s22, $0xb8;
	[tilespmem:$0x1EA00] =	vst v63  }
0x3f: {  	s11 =	sadd.s32 s3, s7;
	_ =	swait.ge [sflag:s17], $0x3E80  }
0x40: {  	s11 =	sshrl.u32 s11, $0x3;
	[sflag:s17] =	ssyncset.done $0x0  }
0x41: {  	s11 =	sadd.s32 s6, s11;
	[sflag:s17] =	ssyncadd.s32 $0xFFFFC180  }
0x42: {  	[tilespmem:s19], [sflag:$0x4] =	stream.linear.gather [hbm4b:s11+s4], $0x80, $0x38;
	[tilespmem:$0x1EA00] =	vst v63  }
0x43: {  	s24 =	simm.s32 $0x180  }
0x44: {  	[tilespmem:s25], [sflag:$0x2] =	stream.indirect.gather [hbm4b:s5+s22], $0x80, s24, s22, $0xb8;
	[tilespmem:$0x1EA00] =	vst v63  }
0x45: {  	_ =	swait.ge [sflag:s26], $0x3E80  }
0x46: {  	[sflag:s26] =	ssyncset.done $0x0  }
0x47: {  	[sflag:s26] =	ssyncadd.s32 $0xFFFFC180  }
0x48: {  	_ =	swait.ge [sflag:s31], $0x80  }
0x49: {  	[sflag:s31] =	ssyncset.done $0x0  }
0x4a: {  	[sflag:s31] =	ssyncadd.s32 $0xFFFFFF80  }
0x4b: {  	[spmem:s2] =	stream.indirect.scatter.add.f32 [tilespmem:s23], [sflag:$0x7], $0x80, s20, s22, $0xb8;
	[tilespmem:$0x1EA00] =	vst v63  }
0x4c: {  	s12 =	smin.u32 s4, $0x49;
	_ =	swait.ge [sflag:s17], $0x3E80  }
0x4d: {  	s12 =	sshll.u32 s12, $0x7;
	s14 =	rddreg [dreg:$0x3]  }
0x4e: {  	s11 =	sadd.s32 s12, s14  }
0x4f: {  	[sflag:s17] =	ssyncset.done $0x0;
	s11 =	sshrl.u32 s11, $0x3  }
0x50: {  	[sflag:s17] =	ssyncadd.s32 $0xFFFFC180;
	s11 =	sadd.s32 s6, s11  }
0x51: {  	[tilespmem:s20], [sflag:$0x5] =	stream.linear.gather [hbm4b:s11+s4], $0x80, $0x38;
	[tilespmem:$0x1EA00] =	vst v63  }
0x52: {  	_ = 	snop  }
0x53: {  	[tilespmem:s23], [sflag:$0x1] =	stream.indirect.gather [hbm4b:s5+s22], $0x80, s10, s22, $0xb8;
	[tilespmem:$0x1EA00] =	vst v63  }
0x54: {  	_ =	swait.ge [sflag:s29], $0x3E80  }
0x55: {  	[sflag:s29] =	ssyncset.done $0x0  }
0x56: {  	[sflag:s29] =	ssyncadd.s32 $0xFFFFC180  }
0x57: {  	_ =	swait.ge [sflag:s1], $0x80  }
0x58: {  	[sflag:s1] =	ssyncset.done $0x0  }
0x59: {  	[sflag:s1] =	ssyncadd.s32 $0xFFFFFF80  }
0x5a: {  	[spmem:s2] =	stream.indirect.scatter.add.f32 [tilespmem:s25], [sflag:$0x7], $0x80, s21, s22, $0xb8;
	[tilespmem:$0x1EA00] =	vst v63  }
0x5b: {  	s14 =	smin.u32 s4, $0x48;
	_ =	swait.ge [sflag:s17], $0x3E80  }
0x5c: {  	s11 =	sshll.u32 s14, $0x7;
	s13 =	rddreg [dreg:$0x4]  }
0x5d: {  	s10 =	sadd.s32 s11, s13  }
0x5e: {  	[sflag:s17] =	ssyncset.done $0x0;
	s10 =	sshrl.u32 s10, $0x3  }
0x5f: {  	[sflag:s17] =	ssyncadd.s32 $0xFFFFC180;
	s10 =	sadd.s32 s6, s10  }
0x60: {  	[tilespmem:s21], [sflag:$0x6] =	stream.linear.gather [hbm4b:s10+s4], $0x80, $0x38;
	[tilespmem:$0x1EA00] =	vst v63  }
0x61: {  	s10 =	simm.s32 $0x4  }
.LBB2_2:
0x62: {  	[tilespmem:s25], [sflag:$0x2] =	stream.indirect.gather [hbm4b:s5+s22], $0x80, s7, s22, $0xb8;
	[tilespmem:$0x1EA00] =	vst v63  }
0x63: {  	_ =	swait.ge [sflag:s26], $0x3E80  }
0x64: {  	[sflag:s26] =	ssyncset.done $0x0  }
0x65: {  	s11 =	smov.u32 s10;
	[sflag:s26] =	ssyncadd.s32 $0xFFFFC180  }
0x66: {  	s12 =	smin.u32 s11, $0x4B;
	_ =	swait.ge [sflag:s28], $0x80  }
0x67: {  	s7 =	sshll.u32 s12, $0x7;
	[sflag:s28] =	ssyncset.done $0x0  }
0x68: {  	s12 =	sadd.s32 $0x200, s7;
	[sflag:s28] =	ssyncadd.s32 $0xFFFFFF80  }
0x69: {  	[spmem:s2] =	stream.indirect.scatter.add.f32 [tilespmem:s23], [sflag:$0x7], $0x80, s18, s22, $0xb8;
	[tilespmem:$0x1EA00] =	vst v63  }
0x6a: {  	s7 =	sadd.s32 s3, s12;
	_ =	swait.ge [sflag:s17], $0x3E80  }
0x6b: {  	s7 =	sshrl.u32 s7, $0x3;
	[sflag:s17] =	ssyncset.done $0x0  }
0x6c: {  	s24 =	sadd.s32 $0x200, s24;
	s7 =	sadd.s32 s6, s7;
	[sflag:s17] =	ssyncadd.s32 $0xFFFFC180  }
0x6d: {  	[tilespmem:s18], [sflag:$0x3] =	stream.linear.gather [hbm4b:s7+s4], $0x80, $0x38;
	[tilespmem:$0x1EA00] =	vst v63  }
0x6e: {  	s13 =	sadd.s32 $0xFFFFFF80, s24  }
0x6f: {  	[tilespmem:s23], [sflag:$0x1] =	stream.indirect.gather [hbm4b:s5+s22], $0x80, s13, s22, $0xb8;
	[tilespmem:$0x1EA00] =	vst v63  }
0x70: {  	_ =	swait.ge [sflag:s29], $0x3E80  }
0x71: {  	[sflag:s29] =	ssyncset.done $0x0  }
0x72: {  	[sflag:s29] =	ssyncadd.s32 $0xFFFFC180  }
0x73: {  	s13 =	smin.u32 s11, $0x4A;
	_ =	swait.ge [sflag:s30], $0x80  }
0x74: {  	s7 =	sshll.u32 s13, $0x7;
	[sflag:s30] =	ssyncset.done $0x0  }
0x75: {  	s7 =	sadd.s32 $0x280, s7;
	[sflag:s30] =	ssyncadd.s32 $0xFFFFFF80  }
0x76: {  	[spmem:s2] =	stream.indirect.scatter.add.f32 [tilespmem:s25], [sflag:$0x7], $0x80, s19, s22, $0xb8;
	[tilespmem:$0x1EA00] =	vst v63  }
0x77: {  	s14 =	sadd.s32 s3, s7;
	_ =	swait.ge [sflag:s17], $0x3E80  }
0x78: {  	s13 =	sshrl.u32 s14, $0x3;
	[sflag:s17] =	ssyncset.done $0x0  }
0x79: {  	s13 =	sadd.s32 s6, s13;
	[sflag:s17] =	ssyncadd.s32 $0xFFFFC180  }
0x7a: {  	[tilespmem:s19], [sflag:$0x4] =	stream.linear.gather [hbm4b:s13+s4], $0x80, $0x38;
	[tilespmem:$0x1EA00] =	vst v63  }
0x7b: {  	_ = 	snop  }
0x7c: {  	[tilespmem:s25], [sflag:$0x2] =	stream.indirect.gather [hbm4b:s5+s22], $0x80, s24, s22, $0xb8;
	[tilespmem:$0x1EA00] =	vst v63  }
0x7d: {  	_ =	swait.ge [sflag:s26], $0x3E80  }
0x7e: {  	[sflag:s26] =	ssyncset.done $0x0  }
0x7f: {  	[sflag:s26] =	ssyncadd.s32 $0xFFFFC180  }
0x80: {  	_ =	swait.ge [sflag:s31], $0x80  }
0x81: {  	[sflag:s31] =	ssyncset.done $0x0  }
0x82: {  	[sflag:s31] =	ssyncadd.s32 $0xFFFFFF80  }
0x83: {  	[spmem:s2] =	stream.indirect.scatter.add.f32 [tilespmem:s23], [sflag:$0x7], $0x80, s20, s22, $0xb8;
	[tilespmem:$0x1EA00] =	vst v63  }
0x84: {  	s14 =	smin.u32 s11, $0x49;
	_ =	swait.ge [sflag:s17], $0x3E80  }
0x85: {  	s14 =	sshll.u32 s14, $0x7;
	s13 =	rddreg [dreg:$0x3]  }
0x86: {  	s13 =	sadd.s32 s14, s13  }
0x87: {  	[sflag:s17] =	ssyncset.done $0x0;
	s13 =	sshrl.u32 s13, $0x3  }
0x88: {  	[sflag:s17] =	ssyncadd.s32 $0xFFFFC180;
	s13 =	sadd.s32 s6, s13  }
0x89: {  	[tilespmem:s20], [sflag:$0x5] =	stream.linear.gather [hbm4b:s13+s4], $0x80, $0x38;
	[tilespmem:$0x1EA00] =	vst v63  }
0x8a: {  	_ = 	snop  }
0x8b: {  	[tilespmem:s23], [sflag:$0x1] =	stream.indirect.gather [hbm4b:s5+s22], $0x80, s12, s22, $0xb8;
	[tilespmem:$0x1EA00] =	vst v63  }
0x8c: {  	_ =	swait.ge [sflag:s29], $0x3E80  }
0x8d: {  	[sflag:s29] =	ssyncset.done $0x0  }
0x8e: {  	[sflag:s29] =	ssyncadd.s32 $0xFFFFC180  }
0x8f: {  	_ =	swait.ge [sflag:s1], $0x80  }
0x90: {  	[sflag:s1] =	ssyncset.done $0x0  }
0x91: {  	[sflag:s1] =	ssyncadd.s32 $0xFFFFFF80  }
0x92: {  	[spmem:s2] =	stream.indirect.scatter.add.f32 [tilespmem:s25], [sflag:$0x7], $0x80, s21, s22, $0xb8;
	[tilespmem:$0x1EA00] =	vst v63  }
0x93: {  	p0 =	sne.s32 s10, $0x4C;
	s11 =	smin.u32 s11, $0x48;
	_ =	swait.ge [sflag:s17], $0x3E80  }
.Ltmp0:
0x94: {  	s11 =	sshll.u32 s11, $0x7;
	s14 =	rddreg [dreg:$0x4];
	(pc) =	sbr.rel @p0 .LBB2_2-.Ltmp0, $4  }
0x95: {  	s11 =	sadd.s32 s11, s14  }
0x96: {  	[sflag:s17] =	ssyncset.done $0x0;
	s11 =	sshrl.u32 s11, $0x3  }
0x97: {  	s10 =	sadd.s32 $0x4, s10;
	[sflag:s17] =	ssyncadd.s32 $0xFFFFC180;
	s11 =	sadd.s32 s6, s11  }
0x98: {  	[tilespmem:s21], [sflag:$0x6] =	stream.linear.gather [hbm4b:s11+s4], $0x80, $0x38;
	[tilespmem:$0x1EA00] =	vst v63  }
0x99: {  	[tilespmem:s25], [sflag:$0x2] =	stream.indirect.gather [hbm4b:s5+s22], $0x80, s7, s22, $0xb8;
	[tilespmem:$0x1EA00] =	vst v63  }
0x9a: {  	_ =	swait.ge [sflag:s26], $0x3E80  }
0x9b: {  	[sflag:s26] =	ssyncset.done $0x0  }
0x9c: {  	[sflag:s26] =	ssyncadd.s32 $0xFFFFC180  }
0x9d: {  	_ =	swait.ge [sflag:s29], $0x3E80  }
0x9e: {  	[sflag:s29] =	ssyncset.done $0x0  }
0x9f: {  	[sflag:s29] =	ssyncadd.s32 $0xFFFFC180  }
0xa0: {  	_ =	swait.ge [sflag:s28], $0x80  }
0xa1: {  	[sflag:s28] =	ssyncset.done $0x0  }
0xa2: {  	[sflag:s28] =	ssyncadd.s32 $0xFFFFFF80  }
0xa3: {  	_ =	swait.ge [sflag:s30], $0x80  }
0xa4: {  	[sflag:s30] =	ssyncset.done $0x0  }
0xa5: {  	[sflag:s30] =	ssyncadd.s32 $0xFFFFFF80  }
0xa6: {  	_ =	swait.ge [sflag:s31], $0x80  }
0xa7: {  	[sflag:s31] =	ssyncset.done $0x0  }
0xa8: {  	[sflag:s31] =	ssyncadd.s32 $0xFFFFFF80  }
0xa9: {  	_ =	swait.ge [sflag:s1], $0x80  }
0xaa: {  	[sflag:s1] =	ssyncset.done $0x0  }
0xab: {  	s0 =	sadd.s32 $0x1, s0;
	[sflag:s1] =	ssyncadd.s32 $0xFFFFFF80  }
0xac: {  	p0 =	sne.s32 s0, s15;
	[bflag:$0x0] =	sbarrier.arrive $0xFFFF  }
.Ltmp1:
0xad: {  	s24 =	rddreg [dreg:$0xa];
	(pc) =	sbr.rel @p0 .LBB2_1-.Ltmp1, $4  }
0xae: {  	[hbm:s24], [sflag:s8] =	dma.local [spmem:s16], $0x2800  }
0xaf: {  	_ =	swait.ge [sflag:s17], $0x2800  }
0xb0: {  	[sflag:s17] =	ssyncset.done $0x0  }
0xb1: {  	[sflag:s17] =	ssyncadd.s32 $0xFFFFD800  }
0xb2: {  	_ =	sfence.sel $0x180000  }
0xb3: {  	[bflag:$0x0] =	sbarrier.arrive $0xFFFF  }
0xb4: {  	_ =	strace $0x90000047  }
0xb5: {  	s0 =	stileid.u32;
	[bflag:$0x2] =	sbarrier.arrive $0xFFFF  }
0xb6: {  	p0 =	sne.s32 s0, $0x0;
	s0 =	rddreg [dreg:$0x2]  }
0xb7: {  	s0 =	sadd.s32 @!p0 $0x100000, s0  }
0xb8: {  	[sflag:s0] =	ssyncadd.tile.s32 @!p0 $0x1;
	_ =	shalt  }
.Lfunc_end2:
_tile_overlayer_lowered:
.L_overlay_start_2:
0xb9: {  	(tag) =	ssettag $0x2  }
0xba: {  	s0 =	rddreg [dreg:$0x0];
	s2 =	stileid.u32  }
0xbb: {  	s1 =	rddreg [dreg:$0x1];
	p0 =	sne.s32 s2, $0x0  }
0xbc: {  	s3 =	rddreg [dreg:$0x2];
	[bflag:$0x3] =	sbarrier.arrive $0xFFFF;
	s2 =	simm.s32 @!p0 $0x1C07  }
0xbd: {  	[timem:s3], [sflag:s2] =	dma.local @!p0 [hbm:s0], s1  }
0xbe: {  	s0 =	simm.s32 @!p0 $0x7  }
0xbf: {  	_ =	swait.ge @!p0 [sflag:s0], s1  }
0xc0: {  	s1 =	ssub.s32 @!p0 $0x0, s1;
	[sflag:s0] =	ssyncset.done @!p0 $0x0  }
0xc1: {  	[sflag:s0] =	ssyncadd.s32 @!p0 s1  }
0xc2: {  	[bflag:$0x3] =	sbarrier.arrive $0xFFFF  }
0xc3: {  	_ =	shalt  }

</sc_bundles>
